<compile_context>
chip_gen: v7x
topology: tpu7x:2x2x1
jax: 0.10.2.dev20260603
libtpu: 0.0.44.dev20260713+nightly
codegen_flags: <defaults>
</compile_context>

<pallas_src>
import functools

import jax
import jax.numpy as jnp
from jax import lax
from jax.experimental import pallas as pl
from jax.experimental.pallas import tpu as pltpu
from jax.experimental.pallas import tpu_sc as plsc

B, N, K, C = 8, 2048, 16, 256
CS = 64
HC = 32
NH = 512
NSL = C // CS
NTASK = B * NSL


def _mm_body(f_ref, w_ref, o_ref):
    o_ref[...] = lax.dot_general(
        f_ref[...].astype(jnp.bfloat16), w_ref[...].astype(jnp.bfloat16),
        (((1,), (1,)), ((), ())),
        preferred_element_type=jnp.float32).astype(jnp.bfloat16)


def _matmul(f2d, W):
    blk = 8192
    return pl.pallas_call(
        _mm_body,
        grid=(f2d.shape[0] // blk,),
        in_specs=[
            pl.BlockSpec((blk, C), lambda i: (i, 0)),
            pl.BlockSpec((C, C), lambda i: (0, 0)),
        ],
        out_specs=pl.BlockSpec((blk, C), lambda i: (i, 0)),
        out_shape=jax.ShapeDtypeStruct((f2d.shape[0], C), jnp.bfloat16),
    )(f2d, W)


def _split_f32(pb):
    w = plsc.bitcast(pb, jnp.int32)
    lo = plsc.bitcast(lax.shift_left(w, 16), jnp.float32)
    hi = plsc.bitcast(w & jnp.int32(-65536), jnp.float32)
    return lo, hi


@functools.partial(
    pl.kernel,
    out_type=[
        jax.ShapeDtypeStruct((B * N, C), jnp.bfloat16),
        jax.ShapeDtypeStruct((B, 2, C), jnp.float32),
    ],
    mesh=plsc.VectorSubcoreMesh(core_axis_name="c", subcore_axis_name="s"),
    compiler_params=pltpu.CompilerParams(use_tc_tiling_on_sc=False,
                                         needs_layout_passes=False),
    scratch_types=[
        pltpu.VMEM((N, CS), jnp.bfloat16),
        pltpu.VMEM((2, (NH + 1) * K), jnp.int32),
        pltpu.VMEM((2, NH, CS), jnp.bfloat16),
        pltpu.VMEM((2, CS), jnp.float32),
        pltpu.SemaphoreType.DMA,
        pltpu.SemaphoreType.DMA,
        pltpu.SemaphoreType.DMA,
        pltpu.SemaphoreType.DMA,
        pltpu.SemaphoreType.DMA,
    ],
)
def _sc_gather_max(x_hbm, idx_hbm, pooled_hbm, part_hbm,
                   xs_v, idx_v, pooled_v, stats_v,
                   sem_x, sem_i0, sem_i1, sem_o0, sem_o1):
    t = lax.axis_index("s") * 2 + lax.axis_index("c")
    b = t // NSL
    c0 = (t % NSL) * CS
    sem_i = (sem_i0, sem_i1)
    sem_o = (sem_o0, sem_o1)
    nch = N // NH

    def idx_fetch(h):
        return pltpu.async_copy(
            idx_hbm.at[pl.ds((b * N + h * NH) * K, NH * K)],
            idx_v.at[h % 2, pl.ds(0, NH * K)], sem_i[h % 2])

    cp_x = pltpu.async_copy(x_hbm.at[pl.ds(b * N, N), pl.ds(c0, CS)],
                            xs_v, sem_x)
    cp_i = idx_fetch(0)
    cp_x.wait()
    z = jnp.zeros((16,), jnp.float32)
    stats = (z,) * 8
    wb = [None, None]
    for h in range(nch):
        cur = h % 2
        cp_i.wait()
        if h + 1 < nch:
            cp_i = idx_fetch(h + 1)
        if wb[cur] is not None:
            wb[cur].wait()
        iv0 = idx_v[cur, pl.ds(0, K)]
        init = tuple(iv0[j] for j in range(K))

        def body(n, carry, h=h, cur=cur):
            a, st = carry
            ivn = idx_v[cur, pl.ds((n + 1) * K, K)]
            nxt = tuple(ivn[j] for j in range(K))
            m0 = xs_v[a[0], pl.ds(0, HC)]
            m1 = xs_v[a[0], pl.ds(HC, HC)]
            for j in range(1, K):
                m0 = jnp.maximum(m0, xs_v[a[j], pl.ds(0, HC)])
                m1 = jnp.maximum(m1, xs_v[a[j], pl.ds(HC, HC)])
            sn = h * NH + n
            p0 = m0 - xs_v[sn, pl.ds(0, HC)]
            p1 = m1 - xs_v[sn, pl.ds(HC, HC)]
            pooled_v[cur, n, pl.ds(0, HC)] = p0
            pooled_v[cur, n, pl.ds(HC, HC)] = p1
            e0, o0 = _split_f32(p0)
            e1, o1 = _split_f32(p1)
            se0, so0, se1, so1, qe0, qo0, qe1, qo1 = st
            st = (se0 + e0, so0 + o0, se1 + e1, so1 + o1,
                  qe0 + e0 * e0, qo0 + o0 * o0, qe1 + e1 * e1, qo1 + o1 * o1)
            return (nxt, st)

        _, stats = lax.fori_loop(0, NH, body, (init, stats))
        wb[cur] = pltpu.async_copy(
            pooled_v.at[cur],
            pooled_hbm.at[pl.ds(b * N + h * NH, NH), pl.ds(c0, CS)],
            sem_o[cur])
    for w in wb:
        w.wait()
    ii = jnp.arange(16, dtype=jnp.int32)
    ev, od = ii * 2, ii * 2 + 1
    r0, r1 = ii * 0, ii * 0 + 1
    se0, so0, se1, so1, qe0, qo0, qe1, qo1 = stats
    plsc.store_scatter(stats_v, [r0, ev], se0)
    plsc.store_scatter(stats_v, [r0, od], so0)
    plsc.store_scatter(stats_v, [r0, ev + HC], se1)
    plsc.store_scatter(stats_v, [r0, od + HC], so1)
    plsc.store_scatter(stats_v, [r1, ev], qe0)
    plsc.store_scatter(stats_v, [r1, od], qo0)
    plsc.store_scatter(stats_v, [r1, ev + HC], qe1)
    plsc.store_scatter(stats_v, [r1, od + HC], qo1)
    pltpu.sync_copy(stats_v, part_hbm.at[b, :, pl.ds(c0, CS)])


def _bn_body(pooled_ref, part_ref, w_ref, b_ref, o_ref):
    cnt = float(B * N)
    tot = jnp.sum(part_ref[...], axis=0)
    mean = tot[0:1, :] / cnt
    var = tot[1:2, :] / cnt - mean * mean
    inv = lax.rsqrt(var + 1e-5)
    o_ref[...] = (pooled_ref[...].astype(jnp.float32) - mean) \
        * (inv * w_ref[...]) + b_ref[...]


def _batchnorm(pooled2d, partials, bnw2d, bnb2d):
    blk = 4096
    nb = pooled2d.shape[0] // blk
    return pl.pallas_call(
        _bn_body,
        grid=(nb,),
        in_specs=[
            pl.BlockSpec((blk, C), lambda i: (i, 0)),
            pl.BlockSpec((B, 2, C), lambda i: (0, 0, 0)),
            pl.BlockSpec((1, C), lambda i: (0, 0)),
            pl.BlockSpec((1, C), lambda i: (0, 0)),
        ],
        out_specs=pl.BlockSpec((blk, C), lambda i: (i, 0)),
        out_shape=jax.ShapeDtypeStruct((pooled2d.shape[0], C), jnp.float32),
    )(pooled2d, partials, bnw2d, bnb2d)


def kernel(f, group_idx, W, bn_weight, bn_bias):
    x = _matmul(f.reshape(B * N, C), W)
    pooled, partials = _sc_gather_max(x, group_idx.reshape(B * N * K))
    out = _batchnorm(pooled, partials,
                     bn_weight.reshape(1, C), bn_bias.reshape(1, C))
    return out.reshape(B, N, C)

# --- scband reference (transcript-rebuilt; emitter-appended) ---
"""Pipeline reference for scband-local-aggregation-12850542150374 (READ-ONLY COPY).

The authoritative reference and input builder live on the scoring server;
editing this copy changes nothing except your own understanding.
"""

import jax, jax.numpy as jnp
import numpy as np

B, N, K, C = 8, 2048, 16, 256


def setup_inputs(seed: int = 0) -> dict:
    key = jax.random.key(seed)
    k1, k2, k3 = jax.random.split(key, 3)
    f = jax.random.normal(k1, (B, N, C), dtype=jnp.float32)
    group_idx = jax.random.randint(k2, (B, N, K), 0, N, dtype=jnp.int32)
    # Linear(in_channels=256, out_channels=256, bias=False): weight [out, in]
    W = jax.random.normal(k3, (C, C), dtype=jnp.float32) * (1.0 / np.sqrt(C))
    # BatchNorm1d params; init_weight=1.0 per init_kwargs
    bn_weight = jnp.ones((C,), dtype=jnp.float32)
    bn_bias = jnp.zeros((C,), dtype=jnp.float32)
    return {"f": f, "group_idx": group_idx, "W": W, "bn_weight": bn_weight, "bn_bias": bn_bias}


def reference(f, group_idx, W, bn_weight, bn_bias):
    # x = self.proj(f)
    x = jnp.einsum('bnc,oc->bno', f, W)
    # knn_edge_maxpooling: out[b,n] = max_k ( x[b, group_idx[b,n,k]] - x[b,n] )
    b_idx = jnp.arange(B)[:, None, None]  # [B,1,1] broadcast with [B,N,K]
    gathered = x[b_idx, group_idx]  # [B, N, K, C]
    edge = gathered - x[:, :, None, :]  # [B, N, K, C]
    pooled = jnp.max(edge, axis=2)  # [B, N, C]
    # BatchNorm1d over flattened (B*N, C), training-mode batch statistics
    flat = pooled.reshape(B * N, C)
    mean = jnp.mean(flat, axis=0)
    var = jnp.var(flat, axis=0)
    normed = (flat - mean) / jnp.sqrt(var + 1e-5)
    out = normed * bn_weight + bn_bias
    return out.reshape(B, N, C)

if __name__ == "__main__":
    import jax
    _d = setup_inputs()
    print(jax.jit(kernel)(*tuple(_d.values())))

</pallas_src>

<mosaic_0001>
#map = affine_map<(d0, d1) -> (0, 0)>
#map1 = affine_map<(d0, d1) -> (0)>
#map2 = affine_map<(d0, d1) -> (0, 0, 0)>
module attributes {stable_mosaic.version = 14 : i64} {
  func.func @_sc_gather_max(%arg0: i32, %arg1: i32, %arg2: memref<16384x256xbf16, #tpu.memory_space<hbm>>, %arg3: memref<262144xi32, #tpu.memory_space<hbm>>, %arg4: memref<16384x256xbf16, #tpu.memory_space<hbm>>, %arg5: memref<8x2x256xf32, #tpu.memory_space<hbm>>, %arg6: memref<2048x64xbf16, #tpu.memory_space<vmem>>, %arg7: memref<2x8208xi32, #tpu.memory_space<vmem>>, %arg8: memref<2x512x64xbf16, #tpu.memory_space<vmem>>, %arg9: memref<2x64xf32, #tpu.memory_space<vmem>>, %arg10: memref<!tpu.dma_semaphore, #tpu.memory_space<semaphore_mem>>, %arg11: memref<!tpu.dma_semaphore, #tpu.memory_space<semaphore_mem>>, %arg12: memref<!tpu.dma_semaphore, #tpu.memory_space<semaphore_mem>>, %arg13: memref<!tpu.dma_semaphore, #tpu.memory_space<semaphore_mem>>, %arg14: memref<!tpu.dma_semaphore, #tpu.memory_space<semaphore_mem>>) attributes {dimension_semantics = [#tpu.dimension_semantics<core_parallel>, #tpu.dimension_semantics<subcore_parallel>], iteration_bounds = array<i64: 2, 16>, scalar_prefetch = 0 : i64, scratch_operands = 9 : i64, tpu.core_type = #tpu.core_type<sc_vector_subcore>, window_params = [{transform_indices = #map}, {transform_indices = #map1}, {transform_indices = #map}, {transform_indices = #map2}]} {
    %mul3A = arith.constant 2 : i32
    %mul3A_0 = arith.muli %arg1, %mul3A : i32
    %add3A = arith.addi %mul3A_0, %arg0 : i32
    %jit3A = arith.constant 4 : i32
    %div3A = arith.divsi %add3A, %jit3A : i32
    %sign3A = arith.constant 0 : i32
    %sign3A_1 = arith.cmpi sgt, %add3A, %sign3A : i32
    %sign3A_2 = arith.extui %sign3A_1 : i1 to i32
    %sign3A_3 = arith.constant 0 : i32
    %sign3A_4 = arith.cmpi slt, %add3A, %sign3A_3 : i32
    %sign3A_5 = arith.extui %sign3A_4 : i1 to i32
    %sign3A_6 = arith.subi %sign3A_2, %sign3A_5 : i32
    %sign3A_7 = arith.constant 0 : i32
    %sign3A_8 = arith.cmpi sgt, %jit3A, %sign3A_7 : i32
    %sign3A_9 = arith.extui %sign3A_8 : i1 to i32
    %sign3A_10 = arith.constant 0 : i32
    %sign3A_11 = arith.cmpi slt, %jit3A, %sign3A_10 : i32
    %sign3A_12 = arith.extui %sign3A_11 : i1 to i32
    %sign3A_13 = arith.subi %sign3A_9, %sign3A_12 : i32
    %ne3A = arith.cmpi ne, %sign3A_6, %sign3A_13 : i32
    %rem3A = arith.remsi %add3A, %jit3A : i32
    %ne3A_14 = arith.constant 0 : i32
    %ne3A_15 = arith.cmpi ne, %rem3A, %ne3A_14 : i32
    %and3A = arith.andi %ne3A, %ne3A_15 : i1
    %sub3A = arith.constant 1 : i32
    %sub3A_16 = arith.subi %div3A, %sub3A : i32
    %select_n3A = arith.select %and3A, %sub3A_16, %div3A : i32
    %jit3A_17 = arith.constant 4 : i32
    %eq3A = arith.constant 0 : i32
    %eq3A_18 = arith.cmpi eq, %jit3A_17, %eq3A : i32
    %jit3A_19 = arith.constant 1 : i32
    %select_n3A_20 = arith.select %eq3A_18, %jit3A_19, %jit3A_17 : i32
    %rem3A_21 = arith.remsi %add3A, %select_n3A_20 : i32
    %ne3A_22 = arith.constant 0 : i32
    %ne3A_23 = arith.cmpi ne, %rem3A_21, %ne3A_22 : i32
    %lt3A = arith.constant 0 : i32
    %lt3A_24 = arith.cmpi slt, %rem3A_21, %lt3A : i32
    %lt3A_25 = arith.constant 0 : i32
    %lt3A_26 = arith.cmpi slt, %select_n3A_20, %lt3A_25 : i32
    %ne3A_27 = arith.xori %lt3A_24, %lt3A_26 : i1
    %and3A_28 = arith.andi %ne3A_27, %ne3A_23 : i1
    %add3A_29 = arith.addi %rem3A_21, %select_n3A_20 : i32
    %select_n3A_30 = arith.select %and3A_28, %add3A_29, %rem3A_21 : i32
    %mul3A_31 = arith.constant 64 : i32
    %mul3A_32 = arith.muli %select_n3A_30, %mul3A_31 : i32
    %mul3A_33 = arith.constant 2048 : i32
    %mul3A_34 = arith.muli %select_n3A, %mul3A_33 : i32
    %dma_start3A = tpu.memref_slice %arg2[%mul3A_34, %mul3A_32] : memref<16384x256xbf16, #tpu.memory_space<hbm>> -> memref<2048x64xbf16, #tpu.memory_space<hbm>>
    %dma_start3A_35 = tpu.memref_slice %arg2[%mul3A_34, %mul3A_32] : memref<16384x256xbf16, #tpu.memory_space<hbm>> -> memref<2048x64xbf16, #tpu.memory_space<hbm>>
    tpu.enqueue_dma source(%dma_start3A_35 : memref<2048x64xbf16, #tpu.memory_space<hbm>>) target(%arg6 : memref<2048x64xbf16, #tpu.memory_space<vmem>>) target_semaphore(%arg10 : memref<!tpu.dma_semaphore, #tpu.memory_space<semaphore_mem>>)
    %mul3A_36 = arith.constant 2048 : i32
    %mul3A_37 = arith.muli %select_n3A, %mul3A_36 : i32
    %add3A_38 = arith.constant 0 : i32
    %add3A_39 = arith.addi %mul3A_37, %add3A_38 : i32
    %mul3A_40 = arith.constant 16 : i32
    %mul3A_41 = arith.muli %add3A_39, %mul3A_40 : i32
    %dma_start3A_42 = arith.constant 0 : i32
    %dma_start3A_43 = arith.constant 0 : i32
    %dma_start3A_44 = tpu.memref_slice %arg7[%dma_start3A_42, %dma_start3A_43] : memref<2x8208xi32, #tpu.memory_space<vmem>> -> memref<1x8192xi32, #tpu.memory_space<vmem>>
    %dma_start3A_45 = tpu.memref_squeeze %dma_start3A_44 : memref<1x8192xi32, #tpu.memory_space<vmem>> -> memref<8192xi32, #tpu.memory_space<vmem>>
    %dma_start3A_46 = tpu.memref_slice %arg3[%mul3A_41] : memref<262144xi32, #tpu.memory_space<hbm>> -> memref<8192xi32, #tpu.memory_space<hbm>>
    %dma_start3A_47 = arith.constant 0 : i32
    %dma_start3A_48 = tpu.memref_slice %arg7[%dma_start3A_42, %dma_start3A_47] : memref<2x8208xi32, #tpu.memory_space<vmem>> -> memref<1x8192xi32, #tpu.memory_space<vmem>>
    %dma_start3A_49 = tpu.memref_squeeze %dma_start3A_48 : memref<1x8192xi32, #tpu.memory_space<vmem>> -> memref<8192xi32, #tpu.memory_space<vmem>>
    %dma_start3A_50 = tpu.memref_slice %arg3[%mul3A_41] : memref<262144xi32, #tpu.memory_space<hbm>> -> memref<8192xi32, #tpu.memory_space<hbm>>
    tpu.enqueue_dma source(%dma_start3A_50 : memref<8192xi32, #tpu.memory_space<hbm>>) target(%dma_start3A_49 : memref<8192xi32, #tpu.memory_space<vmem>>) target_semaphore(%arg11 : memref<!tpu.dma_semaphore, #tpu.memory_space<semaphore_mem>>)
    %dma_wait3A = tpu.memref_slice %arg2[%mul3A_34, %mul3A_32] : memref<16384x256xbf16, #tpu.memory_space<hbm>> -> memref<2048x64xbf16, #tpu.memory_space<hbm>>
    %dma_wait3A_51 = tpu.memref_slice %arg2[%mul3A_34, %mul3A_32] : memref<16384x256xbf16, #tpu.memory_space<hbm>> -> memref<2048x64xbf16, #tpu.memory_space<hbm>>
    tpu.wait_dma2 semaphore(%arg10 : memref<!tpu.dma_semaphore, #tpu.memory_space<semaphore_mem>>) src(%dma_wait3A_51 : memref<2048x64xbf16, #tpu.memory_space<hbm>>) dst(%arg6 : memref<2048x64xbf16, #tpu.memory_space<vmem>>)
    %broadcast_in_dim3A = arith.constant 0.000000e+00 : f32
    %broadcast_in_dim3A_52 = vector.broadcast %broadcast_in_dim3A : f32 to vector<16xf32>
    %dma_wait3A_53 = arith.constant 0 : i32
    %dma_wait3A_54 = arith.constant 0 : i32
    %dma_wait3A_55 = tpu.memref_slice %arg7[%dma_wait3A_53, %dma_wait3A_54] : memref<2x8208xi32, #tpu.memory_space<vmem>> -> memref<1x8192xi32, #tpu.memory_space<vmem>>
    %dma_wait3A_56 = tpu.memref_squeeze %dma_wait3A_55 : memref<1x8192xi32, #tpu.memory_space<vmem>> -> memref<8192xi32, #tpu.memory_space<vmem>>
    %dma_wait3A_57 = tpu.memref_slice %arg3[%mul3A_41] : memref<262144xi32, #tpu.memory_space<hbm>> -> memref<8192xi32, #tpu.memory_space<hbm>>
    %dma_wait3A_58 = arith.constant 0 : i32
    %dma_wait3A_59 = tpu.memref_slice %arg7[%dma_wait3A_53, %dma_wait3A_58] : memref<2x8208xi32, #tpu.memory_space<vmem>> -> memref<1x8192xi32, #tpu.memory_space<vmem>>
    %dma_wait3A_60 = tpu.memref_squeeze %dma_wait3A_59 : memref<1x8192xi32, #tpu.memory_space<vmem>> -> memref<8192xi32, #tpu.memory_space<vmem>>
    %dma_wait3A_61 = tpu.memref_slice %arg3[%mul3A_41] : memref<262144xi32, #tpu.memory_space<hbm>> -> memref<8192xi32, #tpu.memory_space<hbm>>
    tpu.wait_dma2 semaphore(%arg11 : memref<!tpu.dma_semaphore, #tpu.memory_space<semaphore_mem>>) src(%dma_wait3A_61 : memref<8192xi32, #tpu.memory_space<hbm>>) dst(%dma_wait3A_60 : memref<8192xi32, #tpu.memory_space<vmem>>)
    %mul3A_62 = arith.constant 2048 : i32
    %mul3A_63 = arith.muli %select_n3A, %mul3A_62 : i32
    %add3A_64 = arith.constant 512 : i32
    %add3A_65 = arith.addi %mul3A_63, %add3A_64 : i32
    %mul3A_66 = arith.constant 16 : i32
    %mul3A_67 = arith.muli %add3A_65, %mul3A_66 : i32
    %dma_start3A_68 = arith.constant 1 : i32
    %dma_start3A_69 = arith.constant 0 : i32
    %dma_start3A_70 = tpu.memref_slice %arg7[%dma_start3A_68, %dma_start3A_69] : memref<2x8208xi32, #tpu.memory_space<vmem>> -> memref<1x8192xi32, #tpu.memory_space<vmem>>
    %dma_start3A_71 = tpu.memref_squeeze %dma_start3A_70 : memref<1x8192xi32, #tpu.memory_space<vmem>> -> memref<8192xi32, #tpu.memory_space<vmem>>
    %dma_start3A_72 = tpu.memref_slice %arg3[%mul3A_67] : memref<262144xi32, #tpu.memory_space<hbm>> -> memref<8192xi32, #tpu.memory_space<hbm>>
    %dma_start3A_73 = arith.constant 0 : i32
    %dma_start3A_74 = tpu.memref_slice %arg7[%dma_start3A_68, %dma_start3A_73] : memref<2x8208xi32, #tpu.memory_space<vmem>> -> memref<1x8192xi32, #tpu.memory_space<vmem>>
    %dma_start3A_75 = tpu.memref_squeeze %dma_start3A_74 : memref<1x8192xi32, #tpu.memory_space<vmem>> -> memref<8192xi32, #tpu.memory_space<vmem>>
    %dma_start3A_76 = tpu.memref_slice %arg3[%mul3A_67] : memref<262144xi32, #tpu.memory_space<hbm>> -> memref<8192xi32, #tpu.memory_space<hbm>>
    tpu.enqueue_dma source(%dma_start3A_76 : memref<8192xi32, #tpu.memory_space<hbm>>) target(%dma_start3A_75 : memref<8192xi32, #tpu.memory_space<vmem>>) target_semaphore(%arg12 : memref<!tpu.dma_semaphore, #tpu.memory_space<semaphore_mem>>)
    %get3A = arith.constant 0 : i32
    %get3A_77 = arith.index_cast %get3A : i32 to index
    %get3A_78 = arith.constant 0 : index
    %get3A_79 = tpu.vector_load %arg7[%get3A_77, %get3A_78] {strides = array<i32>} : memref<2x8208xi32, #tpu.memory_space<vmem>>, vector<16xi32>,
    %slice3A = vector.extract_strided_slice %get3A_79 {offsets = [0], sizes = [1], strides = [1]} : vector<16xi32> to vector<1xi32>
    %squeeze3A = vector.extract %slice3A[0] : i32 from vector<1xi32>
    %slice3A_80 = vector.extract_strided_slice %get3A_79 {offsets = [1], sizes = [1], strides = [1]} : vector<16xi32> to vector<1xi32>
    %squeeze3A_81 = vector.extract %slice3A_80[0] : i32 from vector<1xi32>
    %slice3A_82 = vector.extract_strided_slice %get3A_79 {offsets = [2], sizes = [1], strides = [1]} : vector<16xi32> to vector<1xi32>
    %squeeze3A_83 = vector.extract %slice3A_82[0] : i32 from vector<1xi32>
    %slice3A_84 = vector.extract_strided_slice %get3A_79 {offsets = [3], sizes = [1], strides = [1]} : vector<16xi32> to vector<1xi32>
    %squeeze3A_85 = vector.extract %slice3A_84[0] : i32 from vector<1xi32>
    %slice3A_86 = vector.extract_strided_slice %get3A_79 {offsets = [4], sizes = [1], strides = [1]} : vector<16xi32> to vector<1xi32>
    %squeeze3A_87 = vector.extract %slice3A_86[0] : i32 from vector<1xi32>
    %slice3A_88 = vector.extract_strided_slice %get3A_79 {offsets = [5], sizes = [1], strides = [1]} : vector<16xi32> to vector<1xi32>
    %squeeze3A_89 = vector.extract %slice3A_88[0] : i32 from vector<1xi32>
    %slice3A_90 = vector.extract_strided_slice %get3A_79 {offsets = [6], sizes = [1], strides = [1]} : vector<16xi32> to vector<1xi32>
    %squeeze3A_91 = vector.extract %slice3A_90[0] : i32 from vector<1xi32>
    %slice3A_92 = vector.extract_strided_slice %get3A_79 {offsets = [7], sizes = [1], strides = [1]} : vector<16xi32> to vector<1xi32>
    %squeeze3A_93 = vector.extract %slice3A_92[0] : i32 from vector<1xi32>
    %slice3A_94 = vector.extract_strided_slice %get3A_79 {offsets = [8], sizes = [1], strides = [1]} : vector<16xi32> to vector<1xi32>
    %squeeze3A_95 = vector.extract %slice3A_94[0] : i32 from vector<1xi32>
    %slice3A_96 = vector.extract_strided_slice %get3A_79 {offsets = [9], sizes = [1], strides = [1]} : vector<16xi32> to vector<1xi32>
    %squeeze3A_97 = vector.extract %slice3A_96[0] : i32 from vector<1xi32>
    %slice3A_98 = vector.extract_strided_slice %get3A_79 {offsets = [10], sizes = [1], strides = [1]} : vector<16xi32> to vector<1xi32>
    %squeeze3A_99 = vector.extract %slice3A_98[0] : i32 from vector<1xi32>
    %slice3A_100 = vector.extract_strided_slice %get3A_79 {offsets = [11], sizes = [1], strides = [1]} : vector<16xi32> to vector<1xi32>
    %squeeze3A_101 = vector.extract %slice3A_100[0] : i32 from vector<1xi32>
    %slice3A_102 = vector.extract_strided_slice %get3A_79 {offsets = [12], sizes = [1], strides = [1]} : vector<16xi32> to vector<1xi32>
    %squeeze3A_103 = vector.extract %slice3A_102[0] : i32 from vector<1xi32>
    %slice3A_104 = vector.extract_strided_slice %get3A_79 {offsets = [13], sizes = [1], strides = [1]} : vector<16xi32> to vector<1xi32>
    %squeeze3A_105 = vector.extract %slice3A_104[0] : i32 from vector<1xi32>
    %slice3A_106 = vector.extract_strided_slice %get3A_79 {offsets = [14], sizes = [1], strides = [1]} : vector<16xi32> to vector<1xi32>
    %squeeze3A_107 = vector.extract %slice3A_106[0] : i32 from vector<1xi32>
    %slice3A_108 = vector.extract_strided_slice %get3A_79 {offsets = [15], sizes = [1], strides = [1]} : vector<16xi32> to vector<1xi32>
    %squeeze3A_109 = vector.extract %slice3A_108[0] : i32 from vector<1xi32>
    %scan3A = arith.constant 0 : i32
    %scan3A_110 = arith.constant 512 : i32
    %scan3A_111 = arith.addi %scan3A, %scan3A_110 : i32
    %scan3A_112 = arith.constant 1 : i32
    %scan3A_113:24 = scf.for %scan3A_432 = %scan3A to %scan3A_111 step %scan3A_112 iter_args(%scan3A_433 = %squeeze3A, %scan3A_434 = %squeeze3A_81, %scan3A_435 = %squeeze3A_83, %scan3A_436 = %squeeze3A_85, %scan3A_437 = %squeeze3A_87, %scan3A_438 = %squeeze3A_89, %scan3A_439 = %squeeze3A_91, %scan3A_440 = %squeeze3A_93, %scan3A_441 = %squeeze3A_95, %scan3A_442 = %squeeze3A_97, %scan3A_443 = %squeeze3A_99, %scan3A_444 = %squeeze3A_101, %scan3A_445 = %squeeze3A_103, %scan3A_446 = %squeeze3A_105, %scan3A_447 = %squeeze3A_107, %scan3A_448 = %squeeze3A_109, %scan3A_449 = %broadcast_in_dim3A_52, %scan3A_450 = %broadcast_in_dim3A_52, %scan3A_451 = %broadcast_in_dim3A_52, %scan3A_452 = %broadcast_in_dim3A_52, %scan3A_453 = %broadcast_in_dim3A_52, %scan3A_454 = %broadcast_in_dim3A_52, %scan3A_455 = %broadcast_in_dim3A_52, %scan3A_456 = %broadcast_in_dim3A_52) -> (i32, i32, i32, i32, i32, i32, i32, i32, i32, i32, i32, i32, i32, i32, i32, i32, vector<16xf32>, vector<16xf32>, vector<16xf32>, vector<16xf32>, vector<16xf32>, vector<16xf32>, vector<16xf32>, vector<16xf32>)  : i32 {
      %add3A_457 = arith.constant 1 : i32
      %add3A_458 = arith.addi %scan3A_432, %add3A_457 : i32
      %mul3A_459 = arith.constant 16 : i32
      %mul3A_460 = arith.muli %add3A_458, %mul3A_459 : i32
      %get3A_461 = arith.constant 0 : i32
      %get3A_462 = arith.index_cast %get3A_461 : i32 to index
      %get3A_463 = arith.index_cast %mul3A_460 : i32 to index
      %get3A_464 = tpu.vector_load %arg7[%get3A_462, %get3A_463] {strides = array<i32>} : memref<2x8208xi32, #tpu.memory_space<vmem>>, vector<16xi32>,
      %slice3A_465 = vector.extract_strided_slice %get3A_464 {offsets = [0], sizes = [1], strides = [1]} : vector<16xi32> to vector<1xi32>
      %squeeze3A_466 = vector.extract %slice3A_465[0] : i32 from vector<1xi32>
      %slice3A_467 = vector.extract_strided_slice %get3A_464 {offsets = [1], sizes = [1], strides = [1]} : vector<16xi32> to vector<1xi32>
      %squeeze3A_468 = vector.extract %slice3A_467[0] : i32 from vector<1xi32>
      %slice3A_469 = vector.extract_strided_slice %get3A_464 {offsets = [2], sizes = [1], strides = [1]} : vector<16xi32> to vector<1xi32>
      %squeeze3A_470 = vector.extract %slice3A_469[0] : i32 from vector<1xi32>
      %slice3A_471 = vector.extract_strided_slice %get3A_464 {offsets = [3], sizes = [1], strides = [1]} : vector<16xi32> to vector<1xi32>
      %squeeze3A_472 = vector.extract %slice3A_471[0] : i32 from vector<1xi32>
      %slice3A_473 = vector.extract_strided_slice %get3A_464 {offsets = [4], sizes = [1], strides = [1]} : vector<16xi32> to vector<1xi32>
      %squeeze3A_474 = vector.extract %slice3A_473[0] : i32 from vector<1xi32>
      %slice3A_475 = vector.extract_strided_slice %get3A_464 {offsets = [5], sizes = [1], strides = [1]} : vector<16xi32> to vector<1xi32>
      %squeeze3A_476 = vector.extract %slice3A_475[0] : i32 from vector<1xi32>
      %slice3A_477 = vector.extract_strided_slice %get3A_464 {offsets = [6], sizes = [1], strides = [1]} : vector<16xi32> to vector<1xi32>
      %squeeze3A_478 = vector.extract %slice3A_477[0] : i32 from vector<1xi32>
      %slice3A_479 = vector.extract_strided_slice %get3A_464 {offsets = [7], sizes = [1], strides = [1]} : vector<16xi32> to vector<1xi32>
      %squeeze3A_480 = vector.extract %slice3A_479[0] : i32 from vector<1xi32>
      %slice3A_481 = vector.extract_strided_slice %get3A_464 {offsets = [8], sizes = [1], strides = [1]} : vector<16xi32> to vector<1xi32>
      %squeeze3A_482 = vector.extract %slice3A_481[0] : i32 from vector<1xi32>
      %slice3A_483 = vector.extract_strided_slice %get3A_464 {offsets = [9], sizes = [1], strides = [1]} : vector<16xi32> to vector<1xi32>
      %squeeze3A_484 = vector.extract %slice3A_483[0] : i32 from vector<1xi32>
      %slice3A_485 = vector.extract_strided_slice %get3A_464 {offsets = [10], sizes = [1], strides = [1]} : vector<16xi32> to vector<1xi32>
      %squeeze3A_486 = vector.extract %slice3A_485[0] : i32 from vector<1xi32>
      %slice3A_487 = vector.extract_strided_slice %get3A_464 {offsets = [11], sizes = [1], strides = [1]} : vector<16xi32> to vector<1xi32>
      %squeeze3A_488 = vector.extract %slice3A_487[0] : i32 from vector<1xi32>
      %slice3A_489 = vector.extract_strided_slice %get3A_464 {offsets = [12], sizes = [1], strides = [1]} : vector<16xi32> to vector<1xi32>
      %squeeze3A_490 = vector.extract %slice3A_489[0] : i32 from vector<1xi32>
      %slice3A_491 = vector.extract_strided_slice %get3A_464 {offsets = [13], sizes = [1], strides = [1]} : vector<16xi32> to vector<1xi32>
      %squeeze3A_492 = vector.extract %slice3A_491[0] : i32 from vector<1xi32>
      %slice3A_493 = vector.extract_strided_slice %get3A_464 {offsets = [14], sizes = [1], strides = [1]} : vector<16xi32> to vector<1xi32>
      %squeeze3A_494 = vector.extract %slice3A_493[0] : i32 from vector<1xi32>
      %slice3A_495 = vector.extract_strided_slice %get3A_464 {offsets = [15], sizes = [1], strides = [1]} : vector<16xi32> to vector<1xi32>
      %squeeze3A_496 = vector.extract %slice3A_495[0] : i32 from vector<1xi32>
      %get3A_497 = arith.index_cast %scan3A_433 : i32 to index
      %get3A_498 = arith.constant 0 : index
      %get3A_499 = tpu.vector_load %arg6[%get3A_497, %get3A_498] {strides = array<i32>} : memref<2048x64xbf16, #tpu.memory_space<vmem>>, vector<32xbf16>,
      %get3A_500 = arith.index_cast %scan3A_433 : i32 to index
      %get3A_501 = arith.constant 32 : index
      %get3A_502 = tpu.vector_load %arg6[%get3A_500, %get3A_501] {strides = array<i32>} : memref<2048x64xbf16, #tpu.memory_space<vmem>>, vector<32xbf16>,
      %get3A_503 = arith.index_cast %scan3A_434 : i32 to index
      %get3A_504 = arith.constant 0 : index
      %get3A_505 = tpu.vector_load %arg6[%get3A_503, %get3A_504] {strides = array<i32>} : memref<2048x64xbf16, #tpu.memory_space<vmem>>, vector<32xbf16>,
      %max3A = arith.maximumf %get3A_499, %get3A_505 : vector<32xbf16>
      %get3A_506 = arith.index_cast %scan3A_434 : i32 to index
      %get3A_507 = arith.constant 32 : index
      %get3A_508 = tpu.vector_load %arg6[%get3A_506, %get3A_507] {strides = array<i32>} : memref<2048x64xbf16, #tpu.memory_space<vmem>>, vector<32xbf16>,
      %max3A_509 = arith.maximumf %get3A_502, %get3A_508 : vector<32xbf16>
      %get3A_510 = arith.index_cast %scan3A_435 : i32 to index
      %get3A_511 = arith.constant 0 : index
      %get3A_512 = tpu.vector_load %arg6[%get3A_510, %get3A_511] {strides = array<i32>} : memref<2048x64xbf16, #tpu.memory_space<vmem>>, vector<32xbf16>,
      %max3A_513 = arith.maximumf %max3A, %get3A_512 : vector<32xbf16>
      %get3A_514 = arith.index_cast %scan3A_435 : i32 to index
      %get3A_515 = arith.constant 32 : index
      %get3A_516 = tpu.vector_load %arg6[%get3A_514, %get3A_515] {strides = array<i32>} : memref<2048x64xbf16, #tpu.memory_space<vmem>>, vector<32xbf16>,
      %max3A_517 = arith.maximumf %max3A_509, %get3A_516 : vector<32xbf16>
      %get3A_518 = arith.index_cast %scan3A_436 : i32 to index
      %get3A_519 = arith.constant 0 : index
      %get3A_520 = tpu.vector_load %arg6[%get3A_518, %get3A_519] {strides = array<i32>} : memref<2048x64xbf16, #tpu.memory_space<vmem>>, vector<32xbf16>,
      %max3A_521 = arith.maximumf %max3A_513, %get3A_520 : vector<32xbf16>
      %get3A_522 = arith.index_cast %scan3A_436 : i32 to index
      %get3A_523 = arith.constant 32 : index
      %get3A_524 = tpu.vector_load %arg6[%get3A_522, %get3A_523] {strides = array<i32>} : memref<2048x64xbf16, #tpu.memory_space<vmem>>, vector<32xbf16>,
      %max3A_525 = arith.maximumf %max3A_517, %get3A_524 : vector<32xbf16>
      %get3A_526 = arith.index_cast %scan3A_437 : i32 to index
      %get3A_527 = arith.constant 0 : index
      %get3A_528 = tpu.vector_load %arg6[%get3A_526, %get3A_527] {strides = array<i32>} : memref<2048x64xbf16, #tpu.memory_space<vmem>>, vector<32xbf16>,
      %max3A_529 = arith.maximumf %max3A_521, %get3A_528 : vector<32xbf16>
      %get3A_530 = arith.index_cast %scan3A_437 : i32 to index
      %get3A_531 = arith.constant 32 : index
      %get3A_532 = tpu.vector_load %arg6[%get3A_530, %get3A_531] {strides = array<i32>} : memref<2048x64xbf16, #tpu.memory_space<vmem>>, vector<32xbf16>,
      %max3A_533 = arith.maximumf %max3A_525, %get3A_532 : vector<32xbf16>
      %get3A_534 = arith.index_cast %scan3A_438 : i32 to index
      %get3A_535 = arith.constant 0 : index
      %get3A_536 = tpu.vector_load %arg6[%get3A_534, %get3A_535] {strides = array<i32>} : memref<2048x64xbf16, #tpu.memory_space<vmem>>, vector<32xbf16>,
      %max3A_537 = arith.maximumf %max3A_529, %get3A_536 : vector<32xbf16>
      %get3A_538 = arith.index_cast %scan3A_438 : i32 to index
      %get3A_539 = arith.constant 32 : index
      %get3A_540 = tpu.vector_load %arg6[%get3A_538, %get3A_539] {strides = array<i32>} : memref<2048x64xbf16, #tpu.memory_space<vmem>>, vector<32xbf16>,
      %max3A_541 = arith.maximumf %max3A_533, %get3A_540 : vector<32xbf16>
      %get3A_542 = arith.index_cast %scan3A_439 : i32 to index
      %get3A_543 = arith.constant 0 : index
      %get3A_544 = tpu.vector_load %arg6[%get3A_542, %get3A_543] {strides = array<i32>} : memref<2048x64xbf16, #tpu.memory_space<vmem>>, vector<32xbf16>,
      %max3A_545 = arith.maximumf %max3A_537, %get3A_544 : vector<32xbf16>
      %get3A_546 = arith.index_cast %scan3A_439 : i32 to index
      %get3A_547 = arith.constant 32 : index
      %get3A_548 = tpu.vector_load %arg6[%get3A_546, %get3A_547] {strides = array<i32>} : memref<2048x64xbf16, #tpu.memory_space<vmem>>, vector<32xbf16>,
      %max3A_549 = arith.maximumf %max3A_541, %get3A_548 : vector<32xbf16>
      %get3A_550 = arith.index_cast %scan3A_440 : i32 to index
      %get3A_551 = arith.constant 0 : index
      %get3A_552 = tpu.vector_load %arg6[%get3A_550, %get3A_551] {strides = array<i32>} : memref<2048x64xbf16, #tpu.memory_space<vmem>>, vector<32xbf16>,
      %max3A_553 = arith.maximumf %max3A_545, %get3A_552 : vector<32xbf16>
      %get3A_554 = arith.index_cast %scan3A_440 : i32 to index
      %get3A_555 = arith.constant 32 : index
      %get3A_556 = tpu.vector_load %arg6[%get3A_554, %get3A_555] {strides = array<i32>} : memref<2048x64xbf16, #tpu.memory_space<vmem>>, vector<32xbf16>,
      %max3A_557 = arith.maximumf %max3A_549, %get3A_556 : vector<32xbf16>
      %get3A_558 = arith.index_cast %scan3A_441 : i32 to index
      %get3A_559 = arith.constant 0 : index
      %get3A_560 = tpu.vector_load %arg6[%get3A_558, %get3A_559] {strides = array<i32>} : memref<2048x64xbf16, #tpu.memory_space<vmem>>, vector<32xbf16>,
      %max3A_561 = arith.maximumf %max3A_553, %get3A_560 : vector<32xbf16>
      %get3A_562 = arith.index_cast %scan3A_441 : i32 to index
      %get3A_563 = arith.constant 32 : index
      %get3A_564 = tpu.vector_load %arg6[%get3A_562, %get3A_563] {strides = array<i32>} : memref<2048x64xbf16, #tpu.memory_space<vmem>>, vector<32xbf16>,
      %max3A_565 = arith.maximumf %max3A_557, %get3A_564 : vector<32xbf16>
      %get3A_566 = arith.index_cast %scan3A_442 : i32 to index
      %get3A_567 = arith.constant 0 : index
      %get3A_568 = tpu.vector_load %arg6[%get3A_566, %get3A_567] {strides = array<i32>} : memref<2048x64xbf16, #tpu.memory_space<vmem>>, vector<32xbf16>,
      %max3A_569 = arith.maximumf %max3A_561, %get3A_568 : vector<32xbf16>
      %get3A_570 = arith.index_cast %scan3A_442 : i32 to index
      %get3A_571 = arith.constant 32 : index
      %get3A_572 = tpu.vector_load %arg6[%get3A_570, %get3A_571] {strides = array<i32>} : memref<2048x64xbf16, #tpu.memory_space<vmem>>, vector<32xbf16>,
      %max3A_573 = arith.maximumf %max3A_565, %get3A_572 : vector<32xbf16>
      %get3A_574 = arith.index_cast %scan3A_443 : i32 to index
      %get3A_575 = arith.constant 0 : index
      %get3A_576 = tpu.vector_load %arg6[%get3A_574, %get3A_575] {strides = array<i32>} : memref<2048x64xbf16, #tpu.memory_space<vmem>>, vector<32xbf16>,
      %max3A_577 = arith.maximumf %max3A_569, %get3A_576 : vector<32xbf16>
      %get3A_578 = arith.index_cast %scan3A_443 : i32 to index
      %get3A_579 = arith.constant 32 : index
      %get3A_580 = tpu.vector_load %arg6[%get3A_578, %get3A_579] {strides = array<i32>} : memref<2048x64xbf16, #tpu.memory_space<vmem>>, vector<32xbf16>,
      %max3A_581 = arith.maximumf %max3A_573, %get3A_580 : vector<32xbf16>
      %get3A_582 = arith.index_cast %scan3A_444 : i32 to index
      %get3A_583 = arith.constant 0 : index
      %get3A_584 = tpu.vector_load %arg6[%get3A_582, %get3A_583] {strides = array<i32>} : memref<2048x64xbf16, #tpu.memory_space<vmem>>, vector<32xbf16>,
      %max3A_585 = arith.maximumf %max3A_577, %get3A_584 : vector<32xbf16>
      %get3A_586 = arith.index_cast %scan3A_444 : i32 to index
      %get3A_587 = arith.constant 32 : index
      %get3A_588 = tpu.vector_load %arg6[%get3A_586, %get3A_587] {strides = array<i32>} : memref<2048x64xbf16, #tpu.memory_space<vmem>>, vector<32xbf16>,
      %max3A_589 = arith.maximumf %max3A_581, %get3A_588 : vector<32xbf16>
      %get3A_590 = arith.index_cast %scan3A_445 : i32 to index
      %get3A_591 = arith.constant 0 : index
      %get3A_592 = tpu.vector_load %arg6[%get3A_590, %get3A_591] {strides = array<i32>} : memref<2048x64xbf16, #tpu.memory_space<vmem>>, vector<32xbf16>,
      %max3A_593 = arith.maximumf %max3A_585, %get3A_592 : vector<32xbf16>
      %get3A_594 = arith.index_cast %scan3A_445 : i32 to index
      %get3A_595 = arith.constant 32 : index
      %get3A_596 = tpu.vector_load %arg6[%get3A_594, %get3A_595] {strides = array<i32>} : memref<2048x64xbf16, #tpu.memory_space<vmem>>, vector<32xbf16>,
      %max3A_597 = arith.maximumf %max3A_589, %get3A_596 : vector<32xbf16>
      %get3A_598 = arith.index_cast %scan3A_446 : i32 to index
      %get3A_599 = arith.constant 0 : index
      %get3A_600 = tpu.vector_load %arg6[%get3A_598, %get3A_599] {strides = array<i32>} : memref<2048x64xbf16, #tpu.memory_space<vmem>>, vector<32xbf16>,
      %max3A_601 = arith.maximumf %max3A_593, %get3A_600 : vector<32xbf16>
      %get3A_602 = arith.index_cast %scan3A_446 : i32 to index
      %get3A_603 = arith.constant 32 : index
      %get3A_604 = tpu.vector_load %arg6[%get3A_602, %get3A_603] {strides = array<i32>} : memref<2048x64xbf16, #tpu.memory_space<vmem>>, vector<32xbf16>,
      %max3A_605 = arith.maximumf %max3A_597, %get3A_604 : vector<32xbf16>
      %get3A_606 = arith.index_cast %scan3A_447 : i32 to index
      %get3A_607 = arith.constant 0 : index
      %get3A_608 = tpu.vector_load %arg6[%get3A_606, %get3A_607] {strides = array<i32>} : memref<2048x64xbf16, #tpu.memory_space<vmem>>, vector<32xbf16>,
      %max3A_609 = arith.maximumf %max3A_601, %get3A_608 : vector<32xbf16>
      %get3A_610 = arith.index_cast %scan3A_447 : i32 to index
      %get3A_611 = arith.constant 32 : index
      %get3A_612 = tpu.vector_load %arg6[%get3A_610, %get3A_611] {strides = array<i32>} : memref<2048x64xbf16, #tpu.memory_space<vmem>>, vector<32xbf16>,
      %max3A_613 = arith.maximumf %max3A_605, %get3A_612 : vector<32xbf16>
      %get3A_614 = arith.index_cast %scan3A_448 : i32 to index
      %get3A_615 = arith.constant 0 : index
      %get3A_616 = tpu.vector_load %arg6[%get3A_614, %get3A_615] {strides = array<i32>} : memref<2048x64xbf16, #tpu.memory_space<vmem>>, vector<32xbf16>,
      %max3A_617 = arith.maximumf %max3A_609, %get3A_616 : vector<32xbf16>
      %get3A_618 = arith.index_cast %scan3A_448 : i32 to index
      %get3A_619 = arith.constant 32 : index
      %get3A_620 = tpu.vector_load %arg6[%get3A_618, %get3A_619] {strides = array<i32>} : memref<2048x64xbf16, #tpu.memory_space<vmem>>, vector<32xbf16>,
      %max3A_621 = arith.maximumf %max3A_613, %get3A_620 : vector<32xbf16>
      %add3A_622 = arith.constant 0 : i32
      %add3A_623 = arith.addi %add3A_622, %scan3A_432 : i32
      %get3A_624 = arith.index_cast %add3A_623 : i32 to index
      %get3A_625 = arith.constant 0 : index
      %get3A_626 = tpu.vector_load %arg6[%get3A_624, %get3A_625] {strides = array<i32>} : memref<2048x64xbf16, #tpu.memory_space<vmem>>, vector<32xbf16>,
      %sub3A_627 = arith.subf %max3A_617, %get3A_626 : vector<32xbf16>
      %get3A_628 = arith.index_cast %add3A_623 : i32 to index
      %get3A_629 = arith.constant 32 : index
      %get3A_630 = tpu.vector_load %arg6[%get3A_628, %get3A_629] {strides = array<i32>} : memref<2048x64xbf16, #tpu.memory_space<vmem>>, vector<32xbf16>,
      %sub3A_631 = arith.subf %max3A_621, %get3A_630 : vector<32xbf16>
      %swap3A = arith.constant 0 : i32
      %swap3A_632 = arith.index_cast %swap3A : i32 to index
      %swap3A_633 = arith.index_cast %scan3A_432 : i32 to index
      %swap3A_634 = arith.constant 0 : index
      %swap3A_635 = tpu.vector_load %arg8[%swap3A_632, %swap3A_633, %swap3A_634] {strides = array<i32>} : memref<2x512x64xbf16, #tpu.memory_space<vmem>>, vector<32xbf16>,
      tpu.vector_store %arg8[%swap3A_632, %swap3A_633, %swap3A_634], %sub3A_627 {strides = array<i32>} : memref<2x512x64xbf16, #tpu.memory_space<vmem>>, vector<32xbf16>,
      %swap3A_636 = arith.constant 0 : i32
      %swap3A_637 = arith.index_cast %swap3A_636 : i32 to index
      %swap3A_638 = arith.index_cast %scan3A_432 : i32 to index
      %swap3A_639 = arith.constant 32 : index
      %swap3A_640 = tpu.vector_load %arg8[%swap3A_637, %swap3A_638, %swap3A_639] {strides = array<i32>} : memref<2x512x64xbf16, #tpu.memory_space<vmem>>, vector<32xbf16>,
      tpu.vector_store %arg8[%swap3A_637, %swap3A_638, %swap3A_639], %sub3A_631 {strides = array<i32>} : memref<2x512x64xbf16, #tpu.memory_space<vmem>>, vector<32xbf16>,
      %bitcast3A = vector.bitcast %sub3A_627 : vector<32xbf16> to vector<16xi32>
      %shift_left3A = arith.constant 16 : i32
      %shift_left3A_641 = vector.broadcast %shift_left3A : i32 to vector<16xi32>
      %shift_left3A_642 = arith.shli %bitcast3A, %shift_left3A_641 : vector<16xi32>
      %bitcast3A_643 = vector.bitcast %shift_left3A_642 : vector<16xi32> to vector<16xf32>
      %and3A_644 = arith.constant -65536 : i32
      %and3A_645 = vector.broadcast %and3A_644 : i32 to vector<16xi32>
      %and3A_646 = arith.andi %bitcast3A, %and3A_645 : vector<16xi32>
      %bitcast3A_647 = vector.bitcast %and3A_646 : vector<16xi32> to vector<16xf32>
      %bitcast3A_648 = vector.bitcast %sub3A_631 : vector<32xbf16> to vector<16xi32>
      %shift_left3A_649 = arith.constant 16 : i32
      %shift_left3A_650 = vector.broadcast %shift_left3A_649 : i32 to vector<16xi32>
      %shift_left3A_651 = arith.shli %bitcast3A_648, %shift_left3A_650 : vector<16xi32>
      %bitcast3A_652 = vector.bitcast %shift_left3A_651 : vector<16xi32> to vector<16xf32>
      %and3A_653 = arith.constant -65536 : i32
      %and3A_654 = vector.broadcast %and3A_653 : i32 to vector<16xi32>
      %and3A_655 = arith.andi %bitcast3A_648, %and3A_654 : vector<16xi32>
      %bitcast3A_656 = vector.bitcast %and3A_655 : vector<16xi32> to vector<16xf32>
      %add3A_657 = arith.addf %scan3A_449, %bitcast3A_643 : vector<16xf32>
      %add3A_658 = arith.addf %scan3A_450, %bitcast3A_647 : vector<16xf32>
      %add3A_659 = arith.addf %scan3A_451, %bitcast3A_652 : vector<16xf32>
      %add3A_660 = arith.addf %scan3A_452, %bitcast3A_656 : vector<16xf32>
      %mul3A_661 = arith.mulf %bitcast3A_643, %bitcast3A_643 : vector<16xf32>
      %add3A_662 = arith.addf %scan3A_453, %mul3A_661 : vector<16xf32>
      %mul3A_663 = arith.mulf %bitcast3A_647, %bitcast3A_647 : vector<16xf32>
      %add3A_664 = arith.addf %scan3A_454, %mul3A_663 : vector<16xf32>
      %mul3A_665 = arith.mulf %bitcast3A_652, %bitcast3A_652 : vector<16xf32>
      %add3A_666 = arith.addf %scan3A_455, %mul3A_665 : vector<16xf32>
      %mul3A_667 = arith.mulf %bitcast3A_656, %bitcast3A_656 : vector<16xf32>
      %add3A_668 = arith.addf %scan3A_456, %mul3A_667 : vector<16xf32>
      scf.yield %squeeze3A_466, %squeeze3A_468, %squeeze3A_470, %squeeze3A_472, %squeeze3A_474, %squeeze3A_476, %squeeze3A_478, %squeeze3A_480, %squeeze3A_482, %squeeze3A_484, %squeeze3A_486, %squeeze3A_488, %squeeze3A_490, %squeeze3A_492, %squeeze3A_494, %squeeze3A_496, %add3A_657, %add3A_658, %add3A_659, %add3A_660, %add3A_662, %add3A_664, %add3A_666, %add3A_668 : i32, i32, i32, i32, i32, i32, i32, i32, i32, i32, i32, i32, i32, i32, i32, i32, vector<16xf32>, vector<16xf32>, vector<16xf32>, vector<16xf32>, vector<16xf32>, vector<16xf32>, vector<16xf32>, vector<16xf32>
    }
    %scan3A_114 = arith.constant 512 : i32
    %mul3A_115 = arith.constant 2048 : i32
    %mul3A_116 = arith.muli %select_n3A, %mul3A_115 : i32
    %add3A_117 = arith.constant 0 : i32
    %add3A_118 = arith.addi %mul3A_116, %add3A_117 : i32
    %dma_start3A_119 = arith.constant 0 : i32
    %dma_start3A_120 = arith.constant 0 : i32
    %dma_start3A_121 = arith.constant 0 : i32
    %dma_start3A_122 = tpu.memref_slice %arg8[%dma_start3A_119, %dma_start3A_120, %dma_start3A_121] : memref<2x512x64xbf16, #tpu.memory_space<vmem>> -> memref<1x512x64xbf16, #tpu.memory_space<vmem>>
    %dma_start3A_123 = tpu.memref_squeeze %dma_start3A_122 : memref<1x512x64xbf16, #tpu.memory_space<vmem>> -> memref<512x64xbf16, #tpu.memory_space<vmem>>
    %dma_start3A_124 = tpu.memref_slice %arg4[%add3A_118, %mul3A_32] : memref<16384x256xbf16, #tpu.memory_space<hbm>> -> memref<512x64xbf16, #tpu.memory_space<hbm>>
    %dma_start3A_125 = tpu.memref_slice %arg4[%add3A_118, %mul3A_32] : memref<16384x256xbf16, #tpu.memory_space<hbm>> -> memref<512x64xbf16, #tpu.memory_space<hbm>>
    %dma_start3A_126 = arith.constant 0 : i32
    %dma_start3A_127 = arith.constant 0 : i32
    %dma_start3A_128 = tpu.memref_slice %arg8[%dma_start3A_119, %dma_start3A_126, %dma_start3A_127] : memref<2x512x64xbf16, #tpu.memory_space<vmem>> -> memref<1x512x64xbf16, #tpu.memory_space<vmem>>
    %dma_start3A_129 = tpu.memref_squeeze %dma_start3A_128 : memref<1x512x64xbf16, #tpu.memory_space<vmem>> -> memref<512x64xbf16, #tpu.memory_space<vmem>>
    tpu.enqueue_dma source(%dma_start3A_129 : memref<512x64xbf16, #tpu.memory_space<vmem>>) target(%dma_start3A_125 : memref<512x64xbf16, #tpu.memory_space<hbm>>) target_semaphore(%arg13 : memref<!tpu.dma_semaphore, #tpu.memory_space<semaphore_mem>>)
    %dma_wait3A_130 = arith.constant 1 : i32
    %dma_wait3A_131 = arith.constant 0 : i32
    %dma_wait3A_132 = tpu.memref_slice %arg7[%dma_wait3A_130, %dma_wait3A_131] : memref<2x8208xi32, #tpu.memory_space<vmem>> -> memref<1x8192xi32, #tpu.memory_space<vmem>>
    %dma_wait3A_133 = tpu.memref_squeeze %dma_wait3A_132 : memref<1x8192xi32, #tpu.memory_space<vmem>> -> memref<8192xi32, #tpu.memory_space<vmem>>
    %dma_wait3A_134 = tpu.memref_slice %arg3[%mul3A_67] : memref<262144xi32, #tpu.memory_space<hbm>> -> memref<8192xi32, #tpu.memory_space<hbm>>
    %dma_wait3A_135 = arith.constant 0 : i32
    %dma_wait3A_136 = tpu.memref_slice %arg7[%dma_wait3A_130, %dma_wait3A_135] : memref<2x8208xi32, #tpu.memory_space<vmem>> -> memref<1x8192xi32, #tpu.memory_space<vmem>>
    %dma_wait3A_137 = tpu.memref_squeeze %dma_wait3A_136 : memref<1x8192xi32, #tpu.memory_space<vmem>> -> memref<8192xi32, #tpu.memory_space<vmem>>
    %dma_wait3A_138 = tpu.memref_slice %arg3[%mul3A_67] : memref<262144xi32, #tpu.memory_space<hbm>> -> memref<8192xi32, #tpu.memory_space<hbm>>
    tpu.wait_dma2 semaphore(%arg12 : memref<!tpu.dma_semaphore, #tpu.memory_space<semaphore_mem>>) src(%dma_wait3A_138 : memref<8192xi32, #tpu.memory_space<hbm>>) dst(%dma_wait3A_137 : memref<8192xi32, #tpu.memory_space<vmem>>)
    %mul3A_139 = arith.constant 2048 : i32
    %mul3A_140 = arith.muli %select_n3A, %mul3A_139 : i32
    %add3A_141 = arith.constant 1024 : i32
    %add3A_142 = arith.addi %mul3A_140, %add3A_141 : i32
    %mul3A_143 = arith.constant 16 : i32
    %mul3A_144 = arith.muli %add3A_142, %mul3A_143 : i32
    %dma_start3A_145 = arith.constant 0 : i32
    %dma_start3A_146 = arith.constant 0 : i32
    %dma_start3A_147 = tpu.memref_slice %arg7[%dma_start3A_145, %dma_start3A_146] : memref<2x8208xi32, #tpu.memory_space<vmem>> -> memref<1x8192xi32, #tpu.memory_space<vmem>>
    %dma_start3A_148 = tpu.memref_squeeze %dma_start3A_147 : memref<1x8192xi32, #tpu.memory_space<vmem>> -> memref<8192xi32, #tpu.memory_space<vmem>>
    %dma_start3A_149 = tpu.memref_slice %arg3[%mul3A_144] : memref<262144xi32, #tpu.memory_space<hbm>> -> memref<8192xi32, #tpu.memory_space<hbm>>
    %dma_start3A_150 = arith.constant 0 : i32
    %dma_start3A_151 = tpu.memref_slice %arg7[%dma_start3A_145, %dma_start3A_150] : memref<2x8208xi32, #tpu.memory_space<vmem>> -> memref<1x8192xi32, #tpu.memory_space<vmem>>
    %dma_start3A_152 = tpu.memref_squeeze %dma_start3A_151 : memref<1x8192xi32, #tpu.memory_space<vmem>> -> memref<8192xi32, #tpu.memory_space<vmem>>
    %dma_start3A_153 = tpu.memref_slice %arg3[%mul3A_144] : memref<262144xi32, #tpu.memory_space<hbm>> -> memref<8192xi32, #tpu.memory_space<hbm>>
    tpu.enqueue_dma source(%dma_start3A_153 : memref<8192xi32, #tpu.memory_space<hbm>>) target(%dma_start3A_152 : memref<8192xi32, #tpu.memory_space<vmem>>) target_semaphore(%arg11 : memref<!tpu.dma_semaphore, #tpu.memory_space<semaphore_mem>>)
    %get3A_154 = arith.constant 1 : i32
    %get3A_155 = arith.index_cast %get3A_154 : i32 to index
    %get3A_156 = arith.constant 0 : index
    %get3A_157 = tpu.vector_load %arg7[%get3A_155, %get3A_156] {strides = array<i32>} : memref<2x8208xi32, #tpu.memory_space<vmem>>, vector<16xi32>,
    %slice3A_158 = vector.extract_strided_slice %get3A_157 {offsets = [0], sizes = [1], strides = [1]} : vector<16xi32> to vector<1xi32>
    %squeeze3A_159 = vector.extract %slice3A_158[0] : i32 from vector<1xi32>
    %slice3A_160 = vector.extract_strided_slice %get3A_157 {offsets = [1], sizes = [1], strides = [1]} : vector<16xi32> to vector<1xi32>
    %squeeze3A_161 = vector.extract %slice3A_160[0] : i32 from vector<1xi32>
    %slice3A_162 = vector.extract_strided_slice %get3A_157 {offsets = [2], sizes = [1], strides = [1]} : vector<16xi32> to vector<1xi32>
    %squeeze3A_163 = vector.extract %slice3A_162[0] : i32 from vector<1xi32>
    %slice3A_164 = vector.extract_strided_slice %get3A_157 {offsets = [3], sizes = [1], strides = [1]} : vector<16xi32> to vector<1xi32>
    %squeeze3A_165 = vector.extract %slice3A_164[0] : i32 from vector<1xi32>
    %slice3A_166 = vector.extract_strided_slice %get3A_157 {offsets = [4], sizes = [1], strides = [1]} : vector<16xi32> to vector<1xi32>
    %squeeze3A_167 = vector.extract %slice3A_166[0] : i32 from vector<1xi32>
    %slice3A_168 = vector.extract_strided_slice %get3A_157 {offsets = [5], sizes = [1], strides = [1]} : vector<16xi32> to vector<1xi32>
    %squeeze3A_169 = vector.extract %slice3A_168[0] : i32 from vector<1xi32>
    %slice3A_170 = vector.extract_strided_slice %get3A_157 {offsets = [6], sizes = [1], strides = [1]} : vector<16xi32> to vector<1xi32>
    %squeeze3A_171 = vector.extract %slice3A_170[0] : i32 from vector<1xi32>
    %slice3A_172 = vector.extract_strided_slice %get3A_157 {offsets = [7], sizes = [1], strides = [1]} : vector<16xi32> to vector<1xi32>
    %squeeze3A_173 = vector.extract %slice3A_172[0] : i32 from vector<1xi32>
    %slice3A_174 = vector.extract_strided_slice %get3A_157 {offsets = [8], sizes = [1], strides = [1]} : vector<16xi32> to vector<1xi32>
    %squeeze3A_175 = vector.extract %slice3A_174[0] : i32 from vector<1xi32>
    %slice3A_176 = vector.extract_strided_slice %get3A_157 {offsets = [9], sizes = [1], strides = [1]} : vector<16xi32> to vector<1xi32>
    %squeeze3A_177 = vector.extract %slice3A_176[0] : i32 from vector<1xi32>
    %slice3A_178 = vector.extract_strided_slice %get3A_157 {offsets = [10], sizes = [1], strides = [1]} : vector<16xi32> to vector<1xi32>
    %squeeze3A_179 = vector.extract %slice3A_178[0] : i32 from vector<1xi32>
    %slice3A_180 = vector.extract_strided_slice %get3A_157 {offsets = [11], sizes = [1], strides = [1]} : vector<16xi32> to vector<1xi32>
    %squeeze3A_181 = vector.extract %slice3A_180[0] : i32 from vector<1xi32>
    %slice3A_182 = vector.extract_strided_slice %get3A_157 {offsets = [12], sizes = [1], strides = [1]} : vector<16xi32> to vector<1xi32>
    %squeeze3A_183 = vector.extract %slice3A_182[0] : i32 from vector<1xi32>
    %slice3A_184 = vector.extract_strided_slice %get3A_157 {offsets = [13], sizes = [1], strides = [1]} : vector<16xi32> to vector<1xi32>
    %squeeze3A_185 = vector.extract %slice3A_184[0] : i32 from vector<1xi32>
    %slice3A_186 = vector.extract_strided_slice %get3A_157 {offsets = [14], sizes = [1], strides = [1]} : vector<16xi32> to vector<1xi32>
    %squeeze3A_187 = vector.extract %slice3A_186[0] : i32 from vector<1xi32>
    %slice3A_188 = vector.extract_strided_slice %get3A_157 {offsets = [15], sizes = [1], strides = [1]} : vector<16xi32> to vector<1xi32>
    %squeeze3A_189 = vector.extract %slice3A_188[0] : i32 from vector<1xi32>
    %scan3A_190 = arith.constant 0 : i32
    %scan3A_191 = arith.constant 512 : i32
    %scan3A_192 = arith.addi %scan3A_190, %scan3A_191 : i32
    %scan3A_193 = arith.constant 1 : i32
    %scan3A_194:24 = scf.for %scan3A_432 = %scan3A_190 to %scan3A_192 step %scan3A_193 iter_args(%scan3A_433 = %squeeze3A_159, %scan3A_434 = %squeeze3A_161, %scan3A_435 = %squeeze3A_163, %scan3A_436 = %squeeze3A_165, %scan3A_437 = %squeeze3A_167, %scan3A_438 = %squeeze3A_169, %scan3A_439 = %squeeze3A_171, %scan3A_440 = %squeeze3A_173, %scan3A_441 = %squeeze3A_175, %scan3A_442 = %squeeze3A_177, %scan3A_443 = %squeeze3A_179, %scan3A_444 = %squeeze3A_181, %scan3A_445 = %squeeze3A_183, %scan3A_446 = %squeeze3A_185, %scan3A_447 = %squeeze3A_187, %scan3A_448 = %squeeze3A_189, %scan3A_449 = %scan3A_113#16, %scan3A_450 = %scan3A_113#17, %scan3A_451 = %scan3A_113#18, %scan3A_452 = %scan3A_113#19, %scan3A_453 = %scan3A_113#20, %scan3A_454 = %scan3A_113#21, %scan3A_455 = %scan3A_113#22, %scan3A_456 = %scan3A_113#23) -> (i32, i32, i32, i32, i32, i32, i32, i32, i32, i32, i32, i32, i32, i32, i32, i32, vector<16xf32>, vector<16xf32>, vector<16xf32>, vector<16xf32>, vector<16xf32>, vector<16xf32>, vector<16xf32>, vector<16xf32>)  : i32 {
      %add3A_457 = arith.constant 1 : i32
      %add3A_458 = arith.addi %scan3A_432, %add3A_457 : i32
      %mul3A_459 = arith.constant 16 : i32
      %mul3A_460 = arith.muli %add3A_458, %mul3A_459 : i32
      %get3A_461 = arith.constant 1 : i32
      %get3A_462 = arith.index_cast %get3A_461 : i32 to index
      %get3A_463 = arith.index_cast %mul3A_460 : i32 to index
      %get3A_464 = tpu.vector_load %arg7[%get3A_462, %get3A_463] {strides = array<i32>} : memref<2x8208xi32, #tpu.memory_space<vmem>>, vector<16xi32>,
      %slice3A_465 = vector.extract_strided_slice %get3A_464 {offsets = [0], sizes = [1], strides = [1]} : vector<16xi32> to vector<1xi32>
      %squeeze3A_466 = vector.extract %slice3A_465[0] : i32 from vector<1xi32>
      %slice3A_467 = vector.extract_strided_slice %get3A_464 {offsets = [1], sizes = [1], strides = [1]} : vector<16xi32> to vector<1xi32>
      %squeeze3A_468 = vector.extract %slice3A_467[0] : i32 from vector<1xi32>
      %slice3A_469 = vector.extract_strided_slice %get3A_464 {offsets = [2], sizes = [1], strides = [1]} : vector<16xi32> to vector<1xi32>
      %squeeze3A_470 = vector.extract %slice3A_469[0] : i32 from vector<1xi32>
      %slice3A_471 = vector.extract_strided_slice %get3A_464 {offsets = [3], sizes = [1], strides = [1]} : vector<16xi32> to vector<1xi32>
      %squeeze3A_472 = vector.extract %slice3A_471[0] : i32 from vector<1xi32>
      %slice3A_473 = vector.extract_strided_slice %get3A_464 {offsets = [4], sizes = [1], strides = [1]} : vector<16xi32> to vector<1xi32>
      %squeeze3A_474 = vector.extract %slice3A_473[0] : i32 from vector<1xi32>
      %slice3A_475 = vector.extract_strided_slice %get3A_464 {offsets = [5], sizes = [1], strides = [1]} : vector<16xi32> to vector<1xi32>
      %squeeze3A_476 = vector.extract %slice3A_475[0] : i32 from vector<1xi32>
      %slice3A_477 = vector.extract_strided_slice %get3A_464 {offsets = [6], sizes = [1], strides = [1]} : vector<16xi32> to vector<1xi32>
      %squeeze3A_478 = vector.extract %slice3A_477[0] : i32 from vector<1xi32>
      %slice3A_479 = vector.extract_strided_slice %get3A_464 {offsets = [7], sizes = [1], strides = [1]} : vector<16xi32> to vector<1xi32>
      %squeeze3A_480 = vector.extract %slice3A_479[0] : i32 from vector<1xi32>
      %slice3A_481 = vector.extract_strided_slice %get3A_464 {offsets = [8], sizes = [1], strides = [1]} : vector<16xi32> to vector<1xi32>
      %squeeze3A_482 = vector.extract %slice3A_481[0] : i32 from vector<1xi32>
      %slice3A_483 = vector.extract_strided_slice %get3A_464 {offsets = [9], sizes = [1], strides = [1]} : vector<16xi32> to vector<1xi32>
      %squeeze3A_484 = vector.extract %slice3A_483[0] : i32 from vector<1xi32>
      %slice3A_485 = vector.extract_strided_slice %get3A_464 {offsets = [10], sizes = [1], strides = [1]} : vector<16xi32> to vector<1xi32>
      %squeeze3A_486 = vector.extract %slice3A_485[0] : i32 from vector<1xi32>
      %slice3A_487 = vector.extract_strided_slice %get3A_464 {offsets = [11], sizes = [1], strides = [1]} : vector<16xi32> to vector<1xi32>
      %squeeze3A_488 = vector.extract %slice3A_487[0] : i32 from vector<1xi32>
      %slice3A_489 = vector.extract_strided_slice %get3A_464 {offsets = [12], sizes = [1], strides = [1]} : vector<16xi32> to vector<1xi32>
      %squeeze3A_490 = vector.extract %slice3A_489[0] : i32 from vector<1xi32>
      %slice3A_491 = vector.extract_strided_slice %get3A_464 {offsets = [13], sizes = [1], strides = [1]} : vector<16xi32> to vector<1xi32>
      %squeeze3A_492 = vector.extract %slice3A_491[0] : i32 from vector<1xi32>
      %slice3A_493 = vector.extract_strided_slice %get3A_464 {offsets = [14], sizes = [1], strides = [1]} : vector<16xi32> to vector<1xi32>
      %squeeze3A_494 = vector.extract %slice3A_493[0] : i32 from vector<1xi32>
      %slice3A_495 = vector.extract_strided_slice %get3A_464 {offsets = [15], sizes = [1], strides = [1]} : vector<16xi32> to vector<1xi32>
      %squeeze3A_496 = vector.extract %slice3A_495[0] : i32 from vector<1xi32>
      %get3A_497 = arith.index_cast %scan3A_433 : i32 to index
      %get3A_498 = arith.constant 0 : index
      %get3A_499 = tpu.vector_load %arg6[%get3A_497, %get3A_498] {strides = array<i32>} : memref<2048x64xbf16, #tpu.memory_space<vmem>>, vector<32xbf16>,
      %get3A_500 = arith.index_cast %scan3A_433 : i32 to index
      %get3A_501 = arith.constant 32 : index
      %get3A_502 = tpu.vector_load %arg6[%get3A_500, %get3A_501] {strides = array<i32>} : memref<2048x64xbf16, #tpu.memory_space<vmem>>, vector<32xbf16>,
      %get3A_503 = arith.index_cast %scan3A_434 : i32 to index
      %get3A_504 = arith.constant 0 : index
      %get3A_505 = tpu.vector_load %arg6[%get3A_503, %get3A_504] {strides = array<i32>} : memref<2048x64xbf16, #tpu.memory_space<vmem>>, vector<32xbf16>,
      %max3A = arith.maximumf %get3A_499, %get3A_505 : vector<32xbf16>
      %get3A_506 = arith.index_cast %scan3A_434 : i32 to index
      %get3A_507 = arith.constant 32 : index
      %get3A_508 = tpu.vector_load %arg6[%get3A_506, %get3A_507] {strides = array<i32>} : memref<2048x64xbf16, #tpu.memory_space<vmem>>, vector<32xbf16>,
      %max3A_509 = arith.maximumf %get3A_502, %get3A_508 : vector<32xbf16>
      %get3A_510 = arith.index_cast %scan3A_435 : i32 to index
      %get3A_511 = arith.constant 0 : index
      %get3A_512 = tpu.vector_load %arg6[%get3A_510, %get3A_511] {strides = array<i32>} : memref<2048x64xbf16, #tpu.memory_space<vmem>>, vector<32xbf16>,
      %max3A_513 = arith.maximumf %max3A, %get3A_512 : vector<32xbf16>
      %get3A_514 = arith.index_cast %scan3A_435 : i32 to index
      %get3A_515 = arith.constant 32 : index
      %get3A_516 = tpu.vector_load %arg6[%get3A_514, %get3A_515] {strides = array<i32>} : memref<2048x64xbf16, #tpu.memory_space<vmem>>, vector<32xbf16>,
      %max3A_517 = arith.maximumf %max3A_509, %get3A_516 : vector<32xbf16>
      %get3A_518 = arith.index_cast %scan3A_436 : i32 to index
      %get3A_519 = arith.constant 0 : index
      %get3A_520 = tpu.vector_load %arg6[%get3A_518, %get3A_519] {strides = array<i32>} : memref<2048x64xbf16, #tpu.memory_space<vmem>>, vector<32xbf16>,
      %max3A_521 = arith.maximumf %max3A_513, %get3A_520 : vector<32xbf16>
      %get3A_522 = arith.index_cast %scan3A_436 : i32 to index
      %get3A_523 = arith.constant 32 : index
      %get3A_524 = tpu.vector_load %arg6[%get3A_522, %get3A_523] {strides = array<i32>} : memref<2048x64xbf16, #tpu.memory_space<vmem>>, vector<32xbf16>,
      %max3A_525 = arith.maximumf %max3A_517, %get3A_524 : vector<32xbf16>
      %get3A_526 = arith.index_cast %scan3A_437 : i32 to index
      %get3A_527 = arith.constant 0 : index
      %get3A_528 = tpu.vector_load %arg6[%get3A_526, %get3A_527] {strides = array<i32>} : memref<2048x64xbf16, #tpu.memory_space<vmem>>, vector<32xbf16>,
      %max3A_529 = arith.maximumf %max3A_521, %get3A_528 : vector<32xbf16>
      %get3A_530 = arith.index_cast %scan3A_437 : i32 to index
      %get3A_531 = arith.constant 32 : index
      %get3A_532 = tpu.vector_load %arg6[%get3A_530, %get3A_531] {strides = array<i32>} : memref<2048x64xbf16, #tpu.memory_space<vmem>>, vector<32xbf16>,
      %max3A_533 = arith.maximumf %max3A_525, %get3A_532 : vector<32xbf16>
      %get3A_534 = arith.index_cast %scan3A_438 : i32 to index
      %get3A_535 = arith.constant 0 : index
      %get3A_536 = tpu.vector_load %arg6[%get3A_534, %get3A_535] {strides = array<i32>} : memref<2048x64xbf16, #tpu.memory_space<vmem>>, vector<32xbf16>,
      %max3A_537 = arith.maximumf %max3A_529, %get3A_536 : vector<32xbf16>
      %get3A_538 = arith.index_cast %scan3A_438 : i32 to index
      %get3A_539 = arith.constant 32 : index
      %get3A_540 = tpu.vector_load %arg6[%get3A_538, %get3A_539] {strides = array<i32>} : memref<2048x64xbf16, #tpu.memory_space<vmem>>, vector<32xbf16>,
      %max3A_541 = arith.maximumf %max3A_533, %get3A_540 : vector<32xbf16>
      %get3A_542 = arith.index_cast %scan3A_439 : i32 to index
      %get3A_543 = arith.constant 0 : index
      %get3A_544 = tpu.vector_load %arg6[%get3A_542, %get3A_543] {strides = array<i32>} : memref<2048x64xbf16, #tpu.memory_space<vmem>>, vector<32xbf16>,
      %max3A_545 = arith.maximumf %max3A_537, %get3A_544 : vector<32xbf16>
      %get3A_546 = arith.index_cast %scan3A_439 : i32 to index
      %get3A_547 = arith.constant 32 : index
      %get3A_548 = tpu.vector_load %arg6[%get3A_546, %get3A_547] {strides = array<i32>} : memref<2048x64xbf16, #tpu.memory_space<vmem>>, vector<32xbf16>,
      %max3A_549 = arith.maximumf %max3A_541, %get3A_548 : vector<32xbf16>
      %get3A_550 = arith.index_cast %scan3A_440 : i32 to index
      %get3A_551 = arith.constant 0 : index
      %get3A_552 = tpu.vector_load %arg6[%get3A_550, %get3A_551] {strides = array<i32>} : memref<2048x64xbf16, #tpu.memory_space<vmem>>, vector<32xbf16>,
      %max3A_553 = arith.maximumf %max3A_545, %get3A_552 : vector<32xbf16>
      %get3A_554 = arith.index_cast %scan3A_440 : i32 to index
      %get3A_555 = arith.constant 32 : index
      %get3A_556 = tpu.vector_load %arg6[%get3A_554, %get3A_555] {strides = array<i32>} : memref<2048x64xbf16, #tpu.memory_space<vmem>>, vector<32xbf16>,
      %max3A_557 = arith.maximumf %max3A_549, %get3A_556 : vector<32xbf16>
      %get3A_558 = arith.index_cast %scan3A_441 : i32 to index
      %get3A_559 = arith.constant 0 : index
      %get3A_560 = tpu.vector_load %arg6[%get3A_558, %get3A_559] {strides = array<i32>} : memref<2048x64xbf16, #tpu.memory_space<vmem>>, vector<32xbf16>,
      %max3A_561 = arith.maximumf %max3A_553, %get3A_560 : vector<32xbf16>
      %get3A_562 = arith.index_cast %scan3A_441 : i32 to index
      %get3A_563 = arith.constant 32 : index
      %get3A_564 = tpu.vector_load %arg6[%get3A_562, %get3A_563] {strides = array<i32>} : memref<2048x64xbf16, #tpu.memory_space<vmem>>, vector<32xbf16>,
      %max3A_565 = arith.maximumf %max3A_557, %get3A_564 : vector<32xbf16>
      %get3A_566 = arith.index_cast %scan3A_442 : i32 to index
      %get3A_567 = arith.constant 0 : index
      %get3A_568 = tpu.vector_load %arg6[%get3A_566, %get3A_567] {strides = array<i32>} : memref<2048x64xbf16, #tpu.memory_space<vmem>>, vector<32xbf16>,
      %max3A_569 = arith.maximumf %max3A_561, %get3A_568 : vector<32xbf16>
      %get3A_570 = arith.index_cast %scan3A_442 : i32 to index
      %get3A_571 = arith.constant 32 : index
      %get3A_572 = tpu.vector_load %arg6[%get3A_570, %get3A_571] {strides = array<i32>} : memref<2048x64xbf16, #tpu.memory_space<vmem>>, vector<32xbf16>,
      %max3A_573 = arith.maximumf %max3A_565, %get3A_572 : vector<32xbf16>
      %get3A_574 = arith.index_cast %scan3A_443 : i32 to index
      %get3A_575 = arith.constant 0 : index
      %get3A_576 = tpu.vector_load %arg6[%get3A_574, %get3A_575] {strides = array<i32>} : memref<2048x64xbf16, #tpu.memory_space<vmem>>, vector<32xbf16>,
      %max3A_577 = arith.maximumf %max3A_569, %get3A_576 : vector<32xbf16>
      %get3A_578 = arith.index_cast %scan3A_443 : i32 to index
      %get3A_579 = arith.constant 32 : index
      %get3A_580 = tpu.vector_load %arg6[%get3A_578, %get3A_579] {strides = array<i32>} : memref<2048x64xbf16, #tpu.memory_space<vmem>>, vector<32xbf16>,
      %max3A_581 = arith.maximumf %max3A_573, %get3A_580 : vector<32xbf16>
      %get3A_582 = arith.index_cast %scan3A_444 : i32 to index
      %get3A_583 = arith.constant 0 : index
      %get3A_584 = tpu.vector_load %arg6[%get3A_582, %get3A_583] {strides = array<i32>} : memref<2048x64xbf16, #tpu.memory_space<vmem>>, vector<32xbf16>,
      %max3A_585 = arith.maximumf %max3A_577, %get3A_584 : vector<32xbf16>
      %get3A_586 = arith.index_cast %scan3A_444 : i32 to index
      %get3A_587 = arith.constant 32 : index
      %get3A_588 = tpu.vector_load %arg6[%get3A_586, %get3A_587] {strides = array<i32>} : memref<2048x64xbf16, #tpu.memory_space<vmem>>, vector<32xbf16>,
      %max3A_589 = arith.maximumf %max3A_581, %get3A_588 : vector<32xbf16>
      %get3A_590 = arith.index_cast %scan3A_445 : i32 to index
      %get3A_591 = arith.constant 0 : index
      %get3A_592 = tpu.vector_load %arg6[%get3A_590, %get3A_591] {strides = array<i32>} : memref<2048x64xbf16, #tpu.memory_space<vmem>>, vector<32xbf16>,
      %max3A_593 = arith.maximumf %max3A_585, %get3A_592 : vector<32xbf16>
      %get3A_594 = arith.index_cast %scan3A_445 : i32 to index
      %get3A_595 = arith.constant 32 : index
      %get3A_596 = tpu.vector_load %arg6[%get3A_594, %get3A_595] {strides = array<i32>} : memref<2048x64xbf16, #tpu.memory_space<vmem>>, vector<32xbf16>,
      %max3A_597 = arith.maximumf %max3A_589, %get3A_596 : vector<32xbf16>
      %get3A_598 = arith.index_cast %scan3A_446 : i32 to index
      %get3A_599 = arith.constant 0 : index
      %get3A_600 = tpu.vector_load %arg6[%get3A_598, %get3A_599] {strides = array<i32>} : memref<2048x64xbf16, #tpu.memory_space<vmem>>, vector<32xbf16>,
      %max3A_601 = arith.maximumf %max3A_593, %get3A_600 : vector<32xbf16>
      %get3A_602 = arith.index_cast %scan3A_446 : i32 to index
      %get3A_603 = arith.constant 32 : index
      %get3A_604 = tpu.vector_load %arg6[%get3A_602, %get3A_603] {strides = array<i32>} : memref<2048x64xbf16, #tpu.memory_space<vmem>>, vector<32xbf16>,
      %max3A_605 = arith.maximumf %max3A_597, %get3A_604 : vector<32xbf16>
      %get3A_606 = arith.index_cast %scan3A_447 : i32 to index
      %get3A_607 = arith.constant 0 : index
      %get3A_608 = tpu.vector_load %arg6[%get3A_606, %get3A_607] {strides = array<i32>} : memref<2048x64xbf16, #tpu.memory_space<vmem>>, vector<32xbf16>,
      %max3A_609 = arith.maximumf %max3A_601, %get3A_608 : vector<32xbf16>
      %get3A_610 = arith.index_cast %scan3A_447 : i32 to index
      %get3A_611 = arith.constant 32 : index
      %get3A_612 = tpu.vector_load %arg6[%get3A_610, %get3A_611] {strides = array<i32>} : memref<2048x64xbf16, #tpu.memory_space<vmem>>, vector<32xbf16>,
      %max3A_613 = arith.maximumf %max3A_605, %get3A_612 : vector<32xbf16>
      %get3A_614 = arith.index_cast %scan3A_448 : i32 to index
      %get3A_615 = arith.constant 0 : index
      %get3A_616 = tpu.vector_load %arg6[%get3A_614, %get3A_615] {strides = array<i32>} : memref<2048x64xbf16, #tpu.memory_space<vmem>>, vector<32xbf16>,
      %max3A_617 = arith.maximumf %max3A_609, %get3A_616 : vector<32xbf16>
      %get3A_618 = arith.index_cast %scan3A_448 : i32 to index
      %get3A_619 = arith.constant 32 : index
      %get3A_620 = tpu.vector_load %arg6[%get3A_618, %get3A_619] {strides = array<i32>} : memref<2048x64xbf16, #tpu.memory_space<vmem>>, vector<32xbf16>,
      %max3A_621 = arith.maximumf %max3A_613, %get3A_620 : vector<32xbf16>
      %add3A_622 = arith.constant 512 : i32
      %add3A_623 = arith.addi %add3A_622, %scan3A_432 : i32
      %get3A_624 = arith.index_cast %add3A_623 : i32 to index
      %get3A_625 = arith.constant 0 : index
      %get3A_626 = tpu.vector_load %arg6[%get3A_624, %get3A_625] {strides = array<i32>} : memref<2048x64xbf16, #tpu.memory_space<vmem>>, vector<32xbf16>,
      %sub3A_627 = arith.subf %max3A_617, %get3A_626 : vector<32xbf16>
      %get3A_628 = arith.index_cast %add3A_623 : i32 to index
      %get3A_629 = arith.constant 32 : index
      %get3A_630 = tpu.vector_load %arg6[%get3A_628, %get3A_629] {strides = array<i32>} : memref<2048x64xbf16, #tpu.memory_space<vmem>>, vector<32xbf16>,
      %sub3A_631 = arith.subf %max3A_621, %get3A_630 : vector<32xbf16>
      %swap3A = arith.constant 1 : i32
      %swap3A_632 = arith.index_cast %swap3A : i32 to index
      %swap3A_633 = arith.index_cast %scan3A_432 : i32 to index
      %swap3A_634 = arith.constant 0 : index
      %swap3A_635 = tpu.vector_load %arg8[%swap3A_632, %swap3A_633, %swap3A_634] {strides = array<i32>} : memref<2x512x64xbf16, #tpu.memory_space<vmem>>, vector<32xbf16>,
      tpu.vector_store %arg8[%swap3A_632, %swap3A_633, %swap3A_634], %sub3A_627 {strides = array<i32>} : memref<2x512x64xbf16, #tpu.memory_space<vmem>>, vector<32xbf16>,
      %swap3A_636 = arith.constant 1 : i32
      %swap3A_637 = arith.index_cast %swap3A_636 : i32 to index
      %swap3A_638 = arith.index_cast %scan3A_432 : i32 to index
      %swap3A_639 = arith.constant 32 : index
      %swap3A_640 = tpu.vector_load %arg8[%swap3A_637, %swap3A_638, %swap3A_639] {strides = array<i32>} : memref<2x512x64xbf16, #tpu.memory_space<vmem>>, vector<32xbf16>,
      tpu.vector_store %arg8[%swap3A_637, %swap3A_638, %swap3A_639], %sub3A_631 {strides = array<i32>} : memref<2x512x64xbf16, #tpu.memory_space<vmem>>, vector<32xbf16>,
      %bitcast3A = vector.bitcast %sub3A_627 : vector<32xbf16> to vector<16xi32>
      %shift_left3A = arith.constant 16 : i32
      %shift_left3A_641 = vector.broadcast %shift_left3A : i32 to vector<16xi32>
      %shift_left3A_642 = arith.shli %bitcast3A, %shift_left3A_641 : vector<16xi32>
      %bitcast3A_643 = vector.bitcast %shift_left3A_642 : vector<16xi32> to vector<16xf32>
      %and3A_644 = arith.constant -65536 : i32
      %and3A_645 = vector.broadcast %and3A_644 : i32 to vector<16xi32>
      %and3A_646 = arith.andi %bitcast3A, %and3A_645 : vector<16xi32>
      %bitcast3A_647 = vector.bitcast %and3A_646 : vector<16xi32> to vector<16xf32>
      %bitcast3A_648 = vector.bitcast %sub3A_631 : vector<32xbf16> to vector<16xi32>
      %shift_left3A_649 = arith.constant 16 : i32
      %shift_left3A_650 = vector.broadcast %shift_left3A_649 : i32 to vector<16xi32>
      %shift_left3A_651 = arith.shli %bitcast3A_648, %shift_left3A_650 : vector<16xi32>
      %bitcast3A_652 = vector.bitcast %shift_left3A_651 : vector<16xi32> to vector<16xf32>
      %and3A_653 = arith.constant -65536 : i32
      %and3A_654 = vector.broadcast %and3A_653 : i32 to vector<16xi32>
      %and3A_655 = arith.andi %bitcast3A_648, %and3A_654 : vector<16xi32>
      %bitcast3A_656 = vector.bitcast %and3A_655 : vector<16xi32> to vector<16xf32>
      %add3A_657 = arith.addf %scan3A_449, %bitcast3A_643 : vector<16xf32>
      %add3A_658 = arith.addf %scan3A_450, %bitcast3A_647 : vector<16xf32>
      %add3A_659 = arith.addf %scan3A_451, %bitcast3A_652 : vector<16xf32>
      %add3A_660 = arith.addf %scan3A_452, %bitcast3A_656 : vector<16xf32>
      %mul3A_661 = arith.mulf %bitcast3A_643, %bitcast3A_643 : vector<16xf32>
      %add3A_662 = arith.addf %scan3A_453, %mul3A_661 : vector<16xf32>
      %mul3A_663 = arith.mulf %bitcast3A_647, %bitcast3A_647 : vector<16xf32>
      %add3A_664 = arith.addf %scan3A_454, %mul3A_663 : vector<16xf32>
      %mul3A_665 = arith.mulf %bitcast3A_652, %bitcast3A_652 : vector<16xf32>
      %add3A_666 = arith.addf %scan3A_455, %mul3A_665 : vector<16xf32>
      %mul3A_667 = arith.mulf %bitcast3A_656, %bitcast3A_656 : vector<16xf32>
      %add3A_668 = arith.addf %scan3A_456, %mul3A_667 : vector<16xf32>
      scf.yield %squeeze3A_466, %squeeze3A_468, %squeeze3A_470, %squeeze3A_472, %squeeze3A_474, %squeeze3A_476, %squeeze3A_478, %squeeze3A_480, %squeeze3A_482, %squeeze3A_484, %squeeze3A_486, %squeeze3A_488, %squeeze3A_490, %squeeze3A_492, %squeeze3A_494, %squeeze3A_496, %add3A_657, %add3A_658, %add3A_659, %add3A_660, %add3A_662, %add3A_664, %add3A_666, %add3A_668 : i32, i32, i32, i32, i32, i32, i32, i32, i32, i32, i32, i32, i32, i32, i32, i32, vector<16xf32>, vector<16xf32>, vector<16xf32>, vector<16xf32>, vector<16xf32>, vector<16xf32>, vector<16xf32>, vector<16xf32>
    }
    %scan3A_195 = arith.constant 512 : i32
    %mul3A_196 = arith.constant 2048 : i32
    %mul3A_197 = arith.muli %select_n3A, %mul3A_196 : i32
    %add3A_198 = arith.constant 512 : i32
    %add3A_199 = arith.addi %mul3A_197, %add3A_198 : i32
    %dma_start3A_200 = arith.constant 1 : i32
    %dma_start3A_201 = arith.constant 0 : i32
    %dma_start3A_202 = arith.constant 0 : i32
    %dma_start3A_203 = tpu.memref_slice %arg8[%dma_start3A_200, %dma_start3A_201, %dma_start3A_202] : memref<2x512x64xbf16, #tpu.memory_space<vmem>> -> memref<1x512x64xbf16, #tpu.memory_space<vmem>>
    %dma_start3A_204 = tpu.memref_squeeze %dma_start3A_203 : memref<1x512x64xbf16, #tpu.memory_space<vmem>> -> memref<512x64xbf16, #tpu.memory_space<vmem>>
    %dma_start3A_205 = tpu.memref_slice %arg4[%add3A_199, %mul3A_32] : memref<16384x256xbf16, #tpu.memory_space<hbm>> -> memref<512x64xbf16, #tpu.memory_space<hbm>>
    %dma_start3A_206 = tpu.memref_slice %arg4[%add3A_199, %mul3A_32] : memref<16384x256xbf16, #tpu.memory_space<hbm>> -> memref<512x64xbf16, #tpu.memory_space<hbm>>
    %dma_start3A_207 = arith.constant 0 : i32
    %dma_start3A_208 = arith.constant 0 : i32
    %dma_start3A_209 = tpu.memref_slice %arg8[%dma_start3A_200, %dma_start3A_207, %dma_start3A_208] : memref<2x512x64xbf16, #tpu.memory_space<vmem>> -> memref<1x512x64xbf16, #tpu.memory_space<vmem>>
    %dma_start3A_210 = tpu.memref_squeeze %dma_start3A_209 : memref<1x512x64xbf16, #tpu.memory_space<vmem>> -> memref<512x64xbf16, #tpu.memory_space<vmem>>
    tpu.enqueue_dma source(%dma_start3A_210 : memref<512x64xbf16, #tpu.memory_space<vmem>>) target(%dma_start3A_206 : memref<512x64xbf16, #tpu.memory_space<hbm>>) target_semaphore(%arg14 : memref<!tpu.dma_semaphore, #tpu.memory_space<semaphore_mem>>)
    %dma_wait3A_211 = arith.constant 0 : i32
    %dma_wait3A_212 = arith.constant 0 : i32
    %dma_wait3A_213 = tpu.memref_slice %arg7[%dma_wait3A_211, %dma_wait3A_212] : memref<2x8208xi32, #tpu.memory_space<vmem>> -> memref<1x8192xi32, #tpu.memory_space<vmem>>
    %dma_wait3A_214 = tpu.memref_squeeze %dma_wait3A_213 : memref<1x8192xi32, #tpu.memory_space<vmem>> -> memref<8192xi32, #tpu.memory_space<vmem>>
    %dma_wait3A_215 = tpu.memref_slice %arg3[%mul3A_144] : memref<262144xi32, #tpu.memory_space<hbm>> -> memref<8192xi32, #tpu.memory_space<hbm>>
    %dma_wait3A_216 = arith.constant 0 : i32
    %dma_wait3A_217 = tpu.memref_slice %arg7[%dma_wait3A_211, %dma_wait3A_216] : memref<2x8208xi32, #tpu.memory_space<vmem>> -> memref<1x8192xi32, #tpu.memory_space<vmem>>
    %dma_wait3A_218 = tpu.memref_squeeze %dma_wait3A_217 : memref<1x8192xi32, #tpu.memory_space<vmem>> -> memref<8192xi32, #tpu.memory_space<vmem>>
    %dma_wait3A_219 = tpu.memref_slice %arg3[%mul3A_144] : memref<262144xi32, #tpu.memory_space<hbm>> -> memref<8192xi32, #tpu.memory_space<hbm>>
    tpu.wait_dma2 semaphore(%arg11 : memref<!tpu.dma_semaphore, #tpu.memory_space<semaphore_mem>>) src(%dma_wait3A_219 : memref<8192xi32, #tpu.memory_space<hbm>>) dst(%dma_wait3A_218 : memref<8192xi32, #tpu.memory_space<vmem>>)
    %mul3A_220 = arith.constant 2048 : i32
    %mul3A_221 = arith.muli %select_n3A, %mul3A_220 : i32
    %add3A_222 = arith.constant 1536 : i32
    %add3A_223 = arith.addi %mul3A_221, %add3A_222 : i32
    %mul3A_224 = arith.constant 16 : i32
    %mul3A_225 = arith.muli %add3A_223, %mul3A_224 : i32
    %dma_start3A_226 = arith.constant 1 : i32
    %dma_start3A_227 = arith.constant 0 : i32
    %dma_start3A_228 = tpu.memref_slice %arg7[%dma_start3A_226, %dma_start3A_227] : memref<2x8208xi32, #tpu.memory_space<vmem>> -> memref<1x8192xi32, #tpu.memory_space<vmem>>
    %dma_start3A_229 = tpu.memref_squeeze %dma_start3A_228 : memref<1x8192xi32, #tpu.memory_space<vmem>> -> memref<8192xi32, #tpu.memory_space<vmem>>
    %dma_start3A_230 = tpu.memref_slice %arg3[%mul3A_225] : memref<262144xi32, #tpu.memory_space<hbm>> -> memref<8192xi32, #tpu.memory_space<hbm>>
    %dma_start3A_231 = arith.constant 0 : i32
    %dma_start3A_232 = tpu.memref_slice %arg7[%dma_start3A_226, %dma_start3A_231] : memref<2x8208xi32, #tpu.memory_space<vmem>> -> memref<1x8192xi32, #tpu.memory_space<vmem>>
    %dma_start3A_233 = tpu.memref_squeeze %dma_start3A_232 : memref<1x8192xi32, #tpu.memory_space<vmem>> -> memref<8192xi32, #tpu.memory_space<vmem>>
    %dma_start3A_234 = tpu.memref_slice %arg3[%mul3A_225] : memref<262144xi32, #tpu.memory_space<hbm>> -> memref<8192xi32, #tpu.memory_space<hbm>>
    tpu.enqueue_dma source(%dma_start3A_234 : memref<8192xi32, #tpu.memory_space<hbm>>) target(%dma_start3A_233 : memref<8192xi32, #tpu.memory_space<vmem>>) target_semaphore(%arg12 : memref<!tpu.dma_semaphore, #tpu.memory_space<semaphore_mem>>)
    %dma_wait3A_235 = arith.constant 0 : i32
    %dma_wait3A_236 = arith.constant 0 : i32
    %dma_wait3A_237 = arith.constant 0 : i32
    %dma_wait3A_238 = tpu.memref_slice %arg8[%dma_wait3A_235, %dma_wait3A_236, %dma_wait3A_237] : memref<2x512x64xbf16, #tpu.memory_space<vmem>> -> memref<1x512x64xbf16, #tpu.memory_space<vmem>>
    %dma_wait3A_239 = tpu.memref_squeeze %dma_wait3A_238 : memref<1x512x64xbf16, #tpu.memory_space<vmem>> -> memref<512x64xbf16, #tpu.memory_space<vmem>>
    %dma_wait3A_240 = tpu.memref_slice %arg4[%add3A_118, %mul3A_32] : memref<16384x256xbf16, #tpu.memory_space<hbm>> -> memref<512x64xbf16, #tpu.memory_space<hbm>>
    %dma_wait3A_241 = tpu.memref_slice %arg4[%add3A_118, %mul3A_32] : memref<16384x256xbf16, #tpu.memory_space<hbm>> -> memref<512x64xbf16, #tpu.memory_space<hbm>>
    %dma_wait3A_242 = arith.constant 0 : i32
    %dma_wait3A_243 = arith.constant 0 : i32
    %dma_wait3A_244 = tpu.memref_slice %arg8[%dma_wait3A_235, %dma_wait3A_242, %dma_wait3A_243] : memref<2x512x64xbf16, #tpu.memory_space<vmem>> -> memref<1x512x64xbf16, #tpu.memory_space<vmem>>
    %dma_wait3A_245 = tpu.memref_squeeze %dma_wait3A_244 : memref<1x512x64xbf16, #tpu.memory_space<vmem>> -> memref<512x64xbf16, #tpu.memory_space<vmem>>
    tpu.wait_dma2 semaphore(%arg13 : memref<!tpu.dma_semaphore, #tpu.memory_space<semaphore_mem>>) src(%dma_wait3A_245 : memref<512x64xbf16, #tpu.memory_space<vmem>>) dst(%dma_wait3A_241 : memref<512x64xbf16, #tpu.memory_space<hbm>>)
    %get3A_246 = arith.constant 0 : i32
    %get3A_247 = arith.index_cast %get3A_246 : i32 to index
    %get3A_248 = arith.constant 0 : index
    %get3A_249 = tpu.vector_load %arg7[%get3A_247, %get3A_248] {strides = array<i32>} : memref<2x8208xi32, #tpu.memory_space<vmem>>, vector<16xi32>,
    %slice3A_250 = vector.extract_strided_slice %get3A_249 {offsets = [0], sizes = [1], strides = [1]} : vector<16xi32> to vector<1xi32>
    %squeeze3A_251 = vector.extract %slice3A_250[0] : i32 from vector<1xi32>
    %slice3A_252 = vector.extract_strided_slice %get3A_249 {offsets = [1], sizes = [1], strides = [1]} : vector<16xi32> to vector<1xi32>
    %squeeze3A_253 = vector.extract %slice3A_252[0] : i32 from vector<1xi32>
    %slice3A_254 = vector.extract_strided_slice %get3A_249 {offsets = [2], sizes = [1], strides = [1]} : vector<16xi32> to vector<1xi32>
    %squeeze3A_255 = vector.extract %slice3A_254[0] : i32 from vector<1xi32>
    %slice3A_256 = vector.extract_strided_slice %get3A_249 {offsets = [3], sizes = [1], strides = [1]} : vector<16xi32> to vector<1xi32>
    %squeeze3A_257 = vector.extract %slice3A_256[0] : i32 from vector<1xi32>
    %slice3A_258 = vector.extract_strided_slice %get3A_249 {offsets = [4], sizes = [1], strides = [1]} : vector<16xi32> to vector<1xi32>
    %squeeze3A_259 = vector.extract %slice3A_258[0] : i32 from vector<1xi32>
    %slice3A_260 = vector.extract_strided_slice %get3A_249 {offsets = [5], sizes = [1], strides = [1]} : vector<16xi32> to vector<1xi32>
    %squeeze3A_261 = vector.extract %slice3A_260[0] : i32 from vector<1xi32>
    %slice3A_262 = vector.extract_strided_slice %get3A_249 {offsets = [6], sizes = [1], strides = [1]} : vector<16xi32> to vector<1xi32>
    %squeeze3A_263 = vector.extract %slice3A_262[0] : i32 from vector<1xi32>
    %slice3A_264 = vector.extract_strided_slice %get3A_249 {offsets = [7], sizes = [1], strides = [1]} : vector<16xi32> to vector<1xi32>
    %squeeze3A_265 = vector.extract %slice3A_264[0] : i32 from vector<1xi32>
    %slice3A_266 = vector.extract_strided_slice %get3A_249 {offsets = [8], sizes = [1], strides = [1]} : vector<16xi32> to vector<1xi32>
    %squeeze3A_267 = vector.extract %slice3A_266[0] : i32 from vector<1xi32>
    %slice3A_268 = vector.extract_strided_slice %get3A_249 {offsets = [9], sizes = [1], strides = [1]} : vector<16xi32> to vector<1xi32>
    %squeeze3A_269 = vector.extract %slice3A_268[0] : i32 from vector<1xi32>
    %slice3A_270 = vector.extract_strided_slice %get3A_249 {offsets = [10], sizes = [1], strides = [1]} : vector<16xi32> to vector<1xi32>
    %squeeze3A_271 = vector.extract %slice3A_270[0] : i32 from vector<1xi32>
    %slice3A_272 = vector.extract_strided_slice %get3A_249 {offsets = [11], sizes = [1], strides = [1]} : vector<16xi32> to vector<1xi32>
    %squeeze3A_273 = vector.extract %slice3A_272[0] : i32 from vector<1xi32>
    %slice3A_274 = vector.extract_strided_slice %get3A_249 {offsets = [12], sizes = [1], strides = [1]} : vector<16xi32> to vector<1xi32>
    %squeeze3A_275 = vector.extract %slice3A_274[0] : i32 from vector<1xi32>
    %slice3A_276 = vector.extract_strided_slice %get3A_249 {offsets = [13], sizes = [1], strides = [1]} : vector<16xi32> to vector<1xi32>
    %squeeze3A_277 = vector.extract %slice3A_276[0] : i32 from vector<1xi32>
    %slice3A_278 = vector.extract_strided_slice %get3A_249 {offsets = [14], sizes = [1], strides = [1]} : vector<16xi32> to vector<1xi32>
    %squeeze3A_279 = vector.extract %slice3A_278[0] : i32 from vector<1xi32>
    %slice3A_280 = vector.extract_strided_slice %get3A_249 {offsets = [15], sizes = [1], strides = [1]} : vector<16xi32> to vector<1xi32>
    %squeeze3A_281 = vector.extract %slice3A_280[0] : i32 from vector<1xi32>
    %scan3A_282 = arith.constant 0 : i32
    %scan3A_283 = arith.constant 512 : i32
    %scan3A_284 = arith.addi %scan3A_282, %scan3A_283 : i32
    %scan3A_285 = arith.constant 1 : i32
    %scan3A_286:24 = scf.for %scan3A_432 = %scan3A_282 to %scan3A_284 step %scan3A_285 iter_args(%scan3A_433 = %squeeze3A_251, %scan3A_434 = %squeeze3A_253, %scan3A_435 = %squeeze3A_255, %scan3A_436 = %squeeze3A_257, %scan3A_437 = %squeeze3A_259, %scan3A_438 = %squeeze3A_261, %scan3A_439 = %squeeze3A_263, %scan3A_440 = %squeeze3A_265, %scan3A_441 = %squeeze3A_267, %scan3A_442 = %squeeze3A_269, %scan3A_443 = %squeeze3A_271, %scan3A_444 = %squeeze3A_273, %scan3A_445 = %squeeze3A_275, %scan3A_446 = %squeeze3A_277, %scan3A_447 = %squeeze3A_279, %scan3A_448 = %squeeze3A_281, %scan3A_449 = %scan3A_194#16, %scan3A_450 = %scan3A_194#17, %scan3A_451 = %scan3A_194#18, %scan3A_452 = %scan3A_194#19, %scan3A_453 = %scan3A_194#20, %scan3A_454 = %scan3A_194#21, %scan3A_455 = %scan3A_194#22, %scan3A_456 = %scan3A_194#23) -> (i32, i32, i32, i32, i32, i32, i32, i32, i32, i32, i32, i32, i32, i32, i32, i32, vector<16xf32>, vector<16xf32>, vector<16xf32>, vector<16xf32>, vector<16xf32>, vector<16xf32>, vector<16xf32>, vector<16xf32>)  : i32 {
      %add3A_457 = arith.constant 1 : i32
      %add3A_458 = arith.addi %scan3A_432, %add3A_457 : i32
      %mul3A_459 = arith.constant 16 : i32
      %mul3A_460 = arith.muli %add3A_458, %mul3A_459 : i32
      %get3A_461 = arith.constant 0 : i32
      %get3A_462 = arith.index_cast %get3A_461 : i32 to index
      %get3A_463 = arith.index_cast %mul3A_460 : i32 to index
      %get3A_464 = tpu.vector_load %arg7[%get3A_462, %get3A_463] {strides = array<i32>} : memref<2x8208xi32, #tpu.memory_space<vmem>>, vector<16xi32>,
      %slice3A_465 = vector.extract_strided_slice %get3A_464 {offsets = [0], sizes = [1], strides = [1]} : vector<16xi32> to vector<1xi32>
      %squeeze3A_466 = vector.extract %slice3A_465[0] : i32 from vector<1xi32>
      %slice3A_467 = vector.extract_strided_slice %get3A_464 {offsets = [1], sizes = [1], strides = [1]} : vector<16xi32> to vector<1xi32>
      %squeeze3A_468 = vector.extract %slice3A_467[0] : i32 from vector<1xi32>
      %slice3A_469 = vector.extract_strided_slice %get3A_464 {offsets = [2], sizes = [1], strides = [1]} : vector<16xi32> to vector<1xi32>
      %squeeze3A_470 = vector.extract %slice3A_469[0] : i32 from vector<1xi32>
      %slice3A_471 = vector.extract_strided_slice %get3A_464 {offsets = [3], sizes = [1], strides = [1]} : vector<16xi32> to vector<1xi32>
      %squeeze3A_472 = vector.extract %slice3A_471[0] : i32 from vector<1xi32>
      %slice3A_473 = vector.extract_strided_slice %get3A_464 {offsets = [4], sizes = [1], strides = [1]} : vector<16xi32> to vector<1xi32>
      %squeeze3A_474 = vector.extract %slice3A_473[0] : i32 from vector<1xi32>
      %slice3A_475 = vector.extract_strided_slice %get3A_464 {offsets = [5], sizes = [1], strides = [1]} : vector<16xi32> to vector<1xi32>
      %squeeze3A_476 = vector.extract %slice3A_475[0] : i32 from vector<1xi32>
      %slice3A_477 = vector.extract_strided_slice %get3A_464 {offsets = [6], sizes = [1], strides = [1]} : vector<16xi32> to vector<1xi32>
      %squeeze3A_478 = vector.extract %slice3A_477[0] : i32 from vector<1xi32>
      %slice3A_479 = vector.extract_strided_slice %get3A_464 {offsets = [7], sizes = [1], strides = [1]} : vector<16xi32> to vector<1xi32>
      %squeeze3A_480 = vector.extract %slice3A_479[0] : i32 from vector<1xi32>
      %slice3A_481 = vector.extract_strided_slice %get3A_464 {offsets = [8], sizes = [1], strides = [1]} : vector<16xi32> to vector<1xi32>
      %squeeze3A_482 = vector.extract %slice3A_481[0] : i32 from vector<1xi32>
      %slice3A_483 = vector.extract_strided_slice %get3A_464 {offsets = [9], sizes = [1], strides = [1]} : vector<16xi32> to vector<1xi32>
      %squeeze3A_484 = vector.extract %slice3A_483[0] : i32 from vector<1xi32>
      %slice3A_485 = vector.extract_strided_slice %get3A_464 {offsets = [10], sizes = [1], strides = [1]} : vector<16xi32> to vector<1xi32>
      %squeeze3A_486 = vector.extract %slice3A_485[0] : i32 from vector<1xi32>
      %slice3A_487 = vector.extract_strided_slice %get3A_464 {offsets = [11], sizes = [1], strides = [1]} : vector<16xi32> to vector<1xi32>
      %squeeze3A_488 = vector.extract %slice3A_487[0] : i32 from vector<1xi32>
      %slice3A_489 = vector.extract_strided_slice %get3A_464 {offsets = [12], sizes = [1], strides = [1]} : vector<16xi32> to vector<1xi32>
      %squeeze3A_490 = vector.extract %slice3A_489[0] : i32 from vector<1xi32>
      %slice3A_491 = vector.extract_strided_slice %get3A_464 {offsets = [13], sizes = [1], strides = [1]} : vector<16xi32> to vector<1xi32>
      %squeeze3A_492 = vector.extract %slice3A_491[0] : i32 from vector<1xi32>
      %slice3A_493 = vector.extract_strided_slice %get3A_464 {offsets = [14], sizes = [1], strides = [1]} : vector<16xi32> to vector<1xi32>
      %squeeze3A_494 = vector.extract %slice3A_493[0] : i32 from vector<1xi32>
      %slice3A_495 = vector.extract_strided_slice %get3A_464 {offsets = [15], sizes = [1], strides = [1]} : vector<16xi32> to vector<1xi32>
      %squeeze3A_496 = vector.extract %slice3A_495[0] : i32 from vector<1xi32>
      %get3A_497 = arith.index_cast %scan3A_433 : i32 to index
      %get3A_498 = arith.constant 0 : index
      %get3A_499 = tpu.vector_load %arg6[%get3A_497, %get3A_498] {strides = array<i32>} : memref<2048x64xbf16, #tpu.memory_space<vmem>>, vector<32xbf16>,
      %get3A_500 = arith.index_cast %scan3A_433 : i32 to index
      %get3A_501 = arith.constant 32 : index
      %get3A_502 = tpu.vector_load %arg6[%get3A_500, %get3A_501] {strides = array<i32>} : memref<2048x64xbf16, #tpu.memory_space<vmem>>, vector<32xbf16>,
      %get3A_503 = arith.index_cast %scan3A_434 : i32 to index
      %get3A_504 = arith.constant 0 : index
      %get3A_505 = tpu.vector_load %arg6[%get3A_503, %get3A_504] {strides = array<i32>} : memref<2048x64xbf16, #tpu.memory_space<vmem>>, vector<32xbf16>,
      %max3A = arith.maximumf %get3A_499, %get3A_505 : vector<32xbf16>
      %get3A_506 = arith.index_cast %scan3A_434 : i32 to index
      %get3A_507 = arith.constant 32 : index
      %get3A_508 = tpu.vector_load %arg6[%get3A_506, %get3A_507] {strides = array<i32>} : memref<2048x64xbf16, #tpu.memory_space<vmem>>, vector<32xbf16>,
      %max3A_509 = arith.maximumf %get3A_502, %get3A_508 : vector<32xbf16>
      %get3A_510 = arith.index_cast %scan3A_435 : i32 to index
      %get3A_511 = arith.constant 0 : index
      %get3A_512 = tpu.vector_load %arg6[%get3A_510, %get3A_511] {strides = array<i32>} : memref<2048x64xbf16, #tpu.memory_space<vmem>>, vector<32xbf16>,
      %max3A_513 = arith.maximumf %max3A, %get3A_512 : vector<32xbf16>
      %get3A_514 = arith.index_cast %scan3A_435 : i32 to index
      %get3A_515 = arith.constant 32 : index
      %get3A_516 = tpu.vector_load %arg6[%get3A_514, %get3A_515] {strides = array<i32>} : memref<2048x64xbf16, #tpu.memory_space<vmem>>, vector<32xbf16>,
      %max3A_517 = arith.maximumf %max3A_509, %get3A_516 : vector<32xbf16>
      %get3A_518 = arith.index_cast %scan3A_436 : i32 to index
      %get3A_519 = arith.constant 0 : index
      %get3A_520 = tpu.vector_load %arg6[%get3A_518, %get3A_519] {strides = array<i32>} : memref<2048x64xbf16, #tpu.memory_space<vmem>>, vector<32xbf16>,
      %max3A_521 = arith.maximumf %max3A_513, %get3A_520 : vector<32xbf16>
      %get3A_522 = arith.index_cast %scan3A_436 : i32 to index
      %get3A_523 = arith.constant 32 : index
      %get3A_524 = tpu.vector_load %arg6[%get3A_522, %get3A_523] {strides = array<i32>} : memref<2048x64xbf16, #tpu.memory_space<vmem>>, vector<32xbf16>,
      %max3A_525 = arith.maximumf %max3A_517, %get3A_524 : vector<32xbf16>
      %get3A_526 = arith.index_cast %scan3A_437 : i32 to index
      %get3A_527 = arith.constant 0 : index
      %get3A_528 = tpu.vector_load %arg6[%get3A_526, %get3A_527] {strides = array<i32>} : memref<2048x64xbf16, #tpu.memory_space<vmem>>, vector<32xbf16>,
      %max3A_529 = arith.maximumf %max3A_521, %get3A_528 : vector<32xbf16>
      %get3A_530 = arith.index_cast %scan3A_437 : i32 to index
      %get3A_531 = arith.constant 32 : index
      %get3A_532 = tpu.vector_load %arg6[%get3A_530, %get3A_531] {strides = array<i32>} : memref<2048x64xbf16, #tpu.memory_space<vmem>>, vector<32xbf16>,
      %max3A_533 = arith.maximumf %max3A_525, %get3A_532 : vector<32xbf16>
      %get3A_534 = arith.index_cast %scan3A_438 : i32 to index
      %get3A_535 = arith.constant 0 : index
      %get3A_536 = tpu.vector_load %arg6[%get3A_534, %get3A_535] {strides = array<i32>} : memref<2048x64xbf16, #tpu.memory_space<vmem>>, vector<32xbf16>,
      %max3A_537 = arith.maximumf %max3A_529, %get3A_536 : vector<32xbf16>
      %get3A_538 = arith.index_cast %scan3A_438 : i32 to index
      %get3A_539 = arith.constant 32 : index
      %get3A_540 = tpu.vector_load %arg6[%get3A_538, %get3A_539] {strides = array<i32>} : memref<2048x64xbf16, #tpu.memory_space<vmem>>, vector<32xbf16>,
      %max3A_541 = arith.maximumf %max3A_533, %get3A_540 : vector<32xbf16>
      %get3A_542 = arith.index_cast %scan3A_439 : i32 to index
      %get3A_543 = arith.constant 0 : index
      %get3A_544 = tpu.vector_load %arg6[%get3A_542, %get3A_543] {strides = array<i32>} : memref<2048x64xbf16, #tpu.memory_space<vmem>>, vector<32xbf16>,
      %max3A_545 = arith.maximumf %max3A_537, %get3A_544 : vector<32xbf16>
      %get3A_546 = arith.index_cast %scan3A_439 : i32 to index
      %get3A_547 = arith.constant 32 : index
      %get3A_548 = tpu.vector_load %arg6[%get3A_546, %get3A_547] {strides = array<i32>} : memref<2048x64xbf16, #tpu.memory_space<vmem>>, vector<32xbf16>,
      %max3A_549 = arith.maximumf %max3A_541, %get3A_548 : vector<32xbf16>
      %get3A_550 = arith.index_cast %scan3A_440 : i32 to index
      %get3A_551 = arith.constant 0 : index
      %get3A_552 = tpu.vector_load %arg6[%get3A_550, %get3A_551] {strides = array<i32>} : memref<2048x64xbf16, #tpu.memory_space<vmem>>, vector<32xbf16>,
      %max3A_553 = arith.maximumf %max3A_545, %get3A_552 : vector<32xbf16>
      %get3A_554 = arith.index_cast %scan3A_440 : i32 to index
      %get3A_555 = arith.constant 32 : index
      %get3A_556 = tpu.vector_load %arg6[%get3A_554, %get3A_555] {strides = array<i32>} : memref<2048x64xbf16, #tpu.memory_space<vmem>>, vector<32xbf16>,
      %max3A_557 = arith.maximumf %max3A_549, %get3A_556 : vector<32xbf16>
      %get3A_558 = arith.index_cast %scan3A_441 : i32 to index
      %get3A_559 = arith.constant 0 : index
      %get3A_560 = tpu.vector_load %arg6[%get3A_558, %get3A_559] {strides = array<i32>} : memref<2048x64xbf16, #tpu.memory_space<vmem>>, vector<32xbf16>,
      %max3A_561 = arith.maximumf %max3A_553, %get3A_560 : vector<32xbf16>
      %get3A_562 = arith.index_cast %scan3A_441 : i32 to index
      %get3A_563 = arith.constant 32 : index
      %get3A_564 = tpu.vector_load %arg6[%get3A_562, %get3A_563] {strides = array<i32>} : memref<2048x64xbf16, #tpu.memory_space<vmem>>, vector<32xbf16>,
      %max3A_565 = arith.maximumf %max3A_557, %get3A_564 : vector<32xbf16>
      %get3A_566 = arith.index_cast %scan3A_442 : i32 to index
      %get3A_567 = arith.constant 0 : index
      %get3A_568 = tpu.vector_load %arg6[%get3A_566, %get3A_567] {strides = array<i32>} : memref<2048x64xbf16, #tpu.memory_space<vmem>>, vector<32xbf16>,
      %max3A_569 = arith.maximumf %max3A_561, %get3A_568 : vector<32xbf16>
      %get3A_570 = arith.index_cast %scan3A_442 : i32 to index
      %get3A_571 = arith.constant 32 : index
      %get3A_572 = tpu.vector_load %arg6[%get3A_570, %get3A_571] {strides = array<i32>} : memref<2048x64xbf16, #tpu.memory_space<vmem>>, vector<32xbf16>,
      %max3A_573 = arith.maximumf %max3A_565, %get3A_572 : vector<32xbf16>
      %get3A_574 = arith.index_cast %scan3A_443 : i32 to index
      %get3A_575 = arith.constant 0 : index
      %get3A_576 = tpu.vector_load %arg6[%get3A_574, %get3A_575] {strides = array<i32>} : memref<2048x64xbf16, #tpu.memory_space<vmem>>, vector<32xbf16>,
      %max3A_577 = arith.maximumf %max3A_569, %get3A_576 : vector<32xbf16>
      %get3A_578 = arith.index_cast %scan3A_443 : i32 to index
      %get3A_579 = arith.constant 32 : index
      %get3A_580 = tpu.vector_load %arg6[%get3A_578, %get3A_579] {strides = array<i32>} : memref<2048x64xbf16, #tpu.memory_space<vmem>>, vector<32xbf16>,
      %max3A_581 = arith.maximumf %max3A_573, %get3A_580 : vector<32xbf16>
      %get3A_582 = arith.index_cast %scan3A_444 : i32 to index
      %get3A_583 = arith.constant 0 : index
      %get3A_584 = tpu.vector_load %arg6[%get3A_582, %get3A_583] {strides = array<i32>} : memref<2048x64xbf16, #tpu.memory_space<vmem>>, vector<32xbf16>,
      %max3A_585 = arith.maximumf %max3A_577, %get3A_584 : vector<32xbf16>
      %get3A_586 = arith.index_cast %scan3A_444 : i32 to index
      %get3A_587 = arith.constant 32 : index
      %get3A_588 = tpu.vector_load %arg6[%get3A_586, %get3A_587] {strides = array<i32>} : memref<2048x64xbf16, #tpu.memory_space<vmem>>, vector<32xbf16>,
      %max3A_589 = arith.maximumf %max3A_581, %get3A_588 : vector<32xbf16>
      %get3A_590 = arith.index_cast %scan3A_445 : i32 to index
      %get3A_591 = arith.constant 0 : index
      %get3A_592 = tpu.vector_load %arg6[%get3A_590, %get3A_591] {strides = array<i32>} : memref<2048x64xbf16, #tpu.memory_space<vmem>>, vector<32xbf16>,
      %max3A_593 = arith.maximumf %max3A_585, %get3A_592 : vector<32xbf16>
      %get3A_594 = arith.index_cast %scan3A_445 : i32 to index
      %get3A_595 = arith.constant 32 : index
      %get3A_596 = tpu.vector_load %arg6[%get3A_594, %get3A_595] {strides = array<i32>} : memref<2048x64xbf16, #tpu.memory_space<vmem>>, vector<32xbf16>,
      %max3A_597 = arith.maximumf %max3A_589, %get3A_596 : vector<32xbf16>
      %get3A_598 = arith.index_cast %scan3A_446 : i32 to index
      %get3A_599 = arith.constant 0 : index
      %get3A_600 = tpu.vector_load %arg6[%get3A_598, %get3A_599] {strides = array<i32>} : memref<2048x64xbf16, #tpu.memory_space<vmem>>, vector<32xbf16>,
      %max3A_601 = arith.maximumf %max3A_593, %get3A_600 : vector<32xbf16>
      %get3A_602 = arith.index_cast %scan3A_446 : i32 to index
      %get3A_603 = arith.constant 32 : index
      %get3A_604 = tpu.vector_load %arg6[%get3A_602, %get3A_603] {strides = array<i32>} : memref<2048x64xbf16, #tpu.memory_space<vmem>>, vector<32xbf16>,
      %max3A_605 = arith.maximumf %max3A_597, %get3A_604 : vector<32xbf16>
      %get3A_606 = arith.index_cast %scan3A_447 : i32 to index
      %get3A_607 = arith.constant 0 : index
      %get3A_608 = tpu.vector_load %arg6[%get3A_606, %get3A_607] {strides = array<i32>} : memref<2048x64xbf16, #tpu.memory_space<vmem>>, vector<32xbf16>,
      %max3A_609 = arith.maximumf %max3A_601, %get3A_608 : vector<32xbf16>
      %get3A_610 = arith.index_cast %scan3A_447 : i32 to index
      %get3A_611 = arith.constant 32 : index
      %get3A_612 = tpu.vector_load %arg6[%get3A_610, %get3A_611] {strides = array<i32>} : memref<2048x64xbf16, #tpu.memory_space<vmem>>, vector<32xbf16>,
      %max3A_613 = arith.maximumf %max3A_605, %get3A_612 : vector<32xbf16>
      %get3A_614 = arith.index_cast %scan3A_448 : i32 to index
      %get3A_615 = arith.constant 0 : index
      %get3A_616 = tpu.vector_load %arg6[%get3A_614, %get3A_615] {strides = array<i32>} : memref<2048x64xbf16, #tpu.memory_space<vmem>>, vector<32xbf16>,
      %max3A_617 = arith.maximumf %max3A_609, %get3A_616 : vector<32xbf16>
      %get3A_618 = arith.index_cast %scan3A_448 : i32 to index
      %get3A_619 = arith.constant 32 : index
      %get3A_620 = tpu.vector_load %arg6[%get3A_618, %get3A_619] {strides = array<i32>} : memref<2048x64xbf16, #tpu.memory_space<vmem>>, vector<32xbf16>,
      %max3A_621 = arith.maximumf %max3A_613, %get3A_620 : vector<32xbf16>
      %add3A_622 = arith.constant 1024 : i32
      %add3A_623 = arith.addi %add3A_622, %scan3A_432 : i32
      %get3A_624 = arith.index_cast %add3A_623 : i32 to index
      %get3A_625 = arith.constant 0 : index
      %get3A_626 = tpu.vector_load %arg6[%get3A_624, %get3A_625] {strides = array<i32>} : memref<2048x64xbf16, #tpu.memory_space<vmem>>, vector<32xbf16>,
      %sub3A_627 = arith.subf %max3A_617, %get3A_626 : vector<32xbf16>
      %get3A_628 = arith.index_cast %add3A_623 : i32 to index
      %get3A_629 = arith.constant 32 : index
      %get3A_630 = tpu.vector_load %arg6[%get3A_628, %get3A_629] {strides = array<i32>} : memref<2048x64xbf16, #tpu.memory_space<vmem>>, vector<32xbf16>,
      %sub3A_631 = arith.subf %max3A_621, %get3A_630 : vector<32xbf16>
      %swap3A = arith.constant 0 : i32
      %swap3A_632 = arith.index_cast %swap3A : i32 to index
      %swap3A_633 = arith.index_cast %scan3A_432 : i32 to index
      %swap3A_634 = arith.constant 0 : index
      %swap3A_635 = tpu.vector_load %arg8[%swap3A_632, %swap3A_633, %swap3A_634] {strides = array<i32>} : memref<2x512x64xbf16, #tpu.memory_space<vmem>>, vector<32xbf16>,
      tpu.vector_store %arg8[%swap3A_632, %swap3A_633, %swap3A_634], %sub3A_627 {strides = array<i32>} : memref<2x512x64xbf16, #tpu.memory_space<vmem>>, vector<32xbf16>,
      %swap3A_636 = arith.constant 0 : i32
      %swap3A_637 = arith.index_cast %swap3A_636 : i32 to index
      %swap3A_638 = arith.index_cast %scan3A_432 : i32 to index
      %swap3A_639 = arith.constant 32 : index
      %swap3A_640 = tpu.vector_load %arg8[%swap3A_637, %swap3A_638, %swap3A_639] {strides = array<i32>} : memref<2x512x64xbf16, #tpu.memory_space<vmem>>, vector<32xbf16>,
      tpu.vector_store %arg8[%swap3A_637, %swap3A_638, %swap3A_639], %sub3A_631 {strides = array<i32>} : memref<2x512x64xbf16, #tpu.memory_space<vmem>>, vector<32xbf16>,
      %bitcast3A = vector.bitcast %sub3A_627 : vector<32xbf16> to vector<16xi32>
      %shift_left3A = arith.constant 16 : i32
      %shift_left3A_641 = vector.broadcast %shift_left3A : i32 to vector<16xi32>
      %shift_left3A_642 = arith.shli %bitcast3A, %shift_left3A_641 : vector<16xi32>
      %bitcast3A_643 = vector.bitcast %shift_left3A_642 : vector<16xi32> to vector<16xf32>
      %and3A_644 = arith.constant -65536 : i32
      %and3A_645 = vector.broadcast %and3A_644 : i32 to vector<16xi32>
      %and3A_646 = arith.andi %bitcast3A, %and3A_645 : vector<16xi32>
      %bitcast3A_647 = vector.bitcast %and3A_646 : vector<16xi32> to vector<16xf32>
      %bitcast3A_648 = vector.bitcast %sub3A_631 : vector<32xbf16> to vector<16xi32>
      %shift_left3A_649 = arith.constant 16 : i32
      %shift_left3A_650 = vector.broadcast %shift_left3A_649 : i32 to vector<16xi32>
      %shift_left3A_651 = arith.shli %bitcast3A_648, %shift_left3A_650 : vector<16xi32>
      %bitcast3A_652 = vector.bitcast %shift_left3A_651 : vector<16xi32> to vector<16xf32>
      %and3A_653 = arith.constant -65536 : i32
      %and3A_654 = vector.broadcast %and3A_653 : i32 to vector<16xi32>
      %and3A_655 = arith.andi %bitcast3A_648, %and3A_654 : vector<16xi32>
      %bitcast3A_656 = vector.bitcast %and3A_655 : vector<16xi32> to vector<16xf32>
      %add3A_657 = arith.addf %scan3A_449, %bitcast3A_643 : vector<16xf32>
      %add3A_658 = arith.addf %scan3A_450, %bitcast3A_647 : vector<16xf32>
      %add3A_659 = arith.addf %scan3A_451, %bitcast3A_652 : vector<16xf32>
      %add3A_660 = arith.addf %scan3A_452, %bitcast3A_656 : vector<16xf32>
      %mul3A_661 = arith.mulf %bitcast3A_643, %bitcast3A_643 : vector<16xf32>
      %add3A_662 = arith.addf %scan3A_453, %mul3A_661 : vector<16xf32>
      %mul3A_663 = arith.mulf %bitcast3A_647, %bitcast3A_647 : vector<16xf32>
      %add3A_664 = arith.addf %scan3A_454, %mul3A_663 : vector<16xf32>
      %mul3A_665 = arith.mulf %bitcast3A_652, %bitcast3A_652 : vector<16xf32>
      %add3A_666 = arith.addf %scan3A_455, %mul3A_665 : vector<16xf32>
      %mul3A_667 = arith.mulf %bitcast3A_656, %bitcast3A_656 : vector<16xf32>
      %add3A_668 = arith.addf %scan3A_456, %mul3A_667 : vector<16xf32>
      scf.yield %squeeze3A_466, %squeeze3A_468, %squeeze3A_470, %squeeze3A_472, %squeeze3A_474, %squeeze3A_476, %squeeze3A_478, %squeeze3A_480, %squeeze3A_482, %squeeze3A_484, %squeeze3A_486, %squeeze3A_488, %squeeze3A_490, %squeeze3A_492, %squeeze3A_494, %squeeze3A_496, %add3A_657, %add3A_658, %add3A_659, %add3A_660, %add3A_662, %add3A_664, %add3A_666, %add3A_668 : i32, i32, i32, i32, i32, i32, i32, i32, i32, i32, i32, i32, i32, i32, i32, i32, vector<16xf32>, vector<16xf32>, vector<16xf32>, vector<16xf32>, vector<16xf32>, vector<16xf32>, vector<16xf32>, vector<16xf32>
    }
    %scan3A_287 = arith.constant 512 : i32
    %mul3A_288 = arith.constant 2048 : i32
    %mul3A_289 = arith.muli %select_n3A, %mul3A_288 : i32
    %add3A_290 = arith.constant 1024 : i32
    %add3A_291 = arith.addi %mul3A_289, %add3A_290 : i32
    %dma_start3A_292 = arith.constant 0 : i32
    %dma_start3A_293 = arith.constant 0 : i32
    %dma_start3A_294 = arith.constant 0 : i32
    %dma_start3A_295 = tpu.memref_slice %arg8[%dma_start3A_292, %dma_start3A_293, %dma_start3A_294] : memref<2x512x64xbf16, #tpu.memory_space<vmem>> -> memref<1x512x64xbf16, #tpu.memory_space<vmem>>
    %dma_start3A_296 = tpu.memref_squeeze %dma_start3A_295 : memref<1x512x64xbf16, #tpu.memory_space<vmem>> -> memref<512x64xbf16, #tpu.memory_space<vmem>>
    %dma_start3A_297 = tpu.memref_slice %arg4[%add3A_291, %mul3A_32] : memref<16384x256xbf16, #tpu.memory_space<hbm>> -> memref<512x64xbf16, #tpu.memory_space<hbm>>
    %dma_start3A_298 = tpu.memref_slice %arg4[%add3A_291, %mul3A_32] : memref<16384x256xbf16, #tpu.memory_space<hbm>> -> memref<512x64xbf16, #tpu.memory_space<hbm>>
    %dma_start3A_299 = arith.constant 0 : i32
    %dma_start3A_300 = arith.constant 0 : i32
    %dma_start3A_301 = tpu.memref_slice %arg8[%dma_start3A_292, %dma_start3A_299, %dma_start3A_300] : memref<2x512x64xbf16, #tpu.memory_space<vmem>> -> memref<1x512x64xbf16, #tpu.memory_space<vmem>>
    %dma_start3A_302 = tpu.memref_squeeze %dma_start3A_301 : memref<1x512x64xbf16, #tpu.memory_space<vmem>> -> memref<512x64xbf16, #tpu.memory_space<vmem>>
    tpu.enqueue_dma source(%dma_start3A_302 : memref<512x64xbf16, #tpu.memory_space<vmem>>) target(%dma_start3A_298 : memref<512x64xbf16, #tpu.memory_space<hbm>>) target_semaphore(%arg13 : memref<!tpu.dma_semaphore, #tpu.memory_space<semaphore_mem>>)
    %dma_wait3A_303 = arith.constant 1 : i32
    %dma_wait3A_304 = arith.constant 0 : i32
    %dma_wait3A_305 = tpu.memref_slice %arg7[%dma_wait3A_303, %dma_wait3A_304] : memref<2x8208xi32, #tpu.memory_space<vmem>> -> memref<1x8192xi32, #tpu.memory_space<vmem>>
    %dma_wait3A_306 = tpu.memref_squeeze %dma_wait3A_305 : memref<1x8192xi32, #tpu.memory_space<vmem>> -> memref<8192xi32, #tpu.memory_space<vmem>>
    %dma_wait3A_307 = tpu.memref_slice %arg3[%mul3A_225] : memref<262144xi32, #tpu.memory_space<hbm>> -> memref<8192xi32, #tpu.memory_space<hbm>>
    %dma_wait3A_308 = arith.constant 0 : i32
    %dma_wait3A_309 = tpu.memref_slice %arg7[%dma_wait3A_303, %dma_wait3A_308] : memref<2x8208xi32, #tpu.memory_space<vmem>> -> memref<1x8192xi32, #tpu.memory_space<vmem>>
    %dma_wait3A_310 = tpu.memref_squeeze %dma_wait3A_309 : memref<1x8192xi32, #tpu.memory_space<vmem>> -> memref<8192xi32, #tpu.memory_space<vmem>>
    %dma_wait3A_311 = tpu.memref_slice %arg3[%mul3A_225] : memref<262144xi32, #tpu.memory_space<hbm>> -> memref<8192xi32, #tpu.memory_space<hbm>>
    tpu.wait_dma2 semaphore(%arg12 : memref<!tpu.dma_semaphore, #tpu.memory_space<semaphore_mem>>) src(%dma_wait3A_311 : memref<8192xi32, #tpu.memory_space<hbm>>) dst(%dma_wait3A_310 : memref<8192xi32, #tpu.memory_space<vmem>>)
    %dma_wait3A_312 = arith.constant 1 : i32
    %dma_wait3A_313 = arith.constant 0 : i32
    %dma_wait3A_314 = arith.constant 0 : i32
    %dma_wait3A_315 = tpu.memref_slice %arg8[%dma_wait3A_312, %dma_wait3A_313, %dma_wait3A_314] : memref<2x512x64xbf16, #tpu.memory_space<vmem>> -> memref<1x512x64xbf16, #tpu.memory_space<vmem>>
    %dma_wait3A_316 = tpu.memref_squeeze %dma_wait3A_315 : memref<1x512x64xbf16, #tpu.memory_space<vmem>> -> memref<512x64xbf16, #tpu.memory_space<vmem>>
    %dma_wait3A_317 = tpu.memref_slice %arg4[%add3A_199, %mul3A_32] : memref<16384x256xbf16, #tpu.memory_space<hbm>> -> memref<512x64xbf16, #tpu.memory_space<hbm>>
    %dma_wait3A_318 = tpu.memref_slice %arg4[%add3A_199, %mul3A_32] : memref<16384x256xbf16, #tpu.memory_space<hbm>> -> memref<512x64xbf16, #tpu.memory_space<hbm>>
    %dma_wait3A_319 = arith.constant 0 : i32
    %dma_wait3A_320 = arith.constant 0 : i32
    %dma_wait3A_321 = tpu.memref_slice %arg8[%dma_wait3A_312, %dma_wait3A_319, %dma_wait3A_320] : memref<2x512x64xbf16, #tpu.memory_space<vmem>> -> memref<1x512x64xbf16, #tpu.memory_space<vmem>>
    %dma_wait3A_322 = tpu.memref_squeeze %dma_wait3A_321 : memref<1x512x64xbf16, #tpu.memory_space<vmem>> -> memref<512x64xbf16, #tpu.memory_space<vmem>>
    tpu.wait_dma2 semaphore(%arg14 : memref<!tpu.dma_semaphore, #tpu.memory_space<semaphore_mem>>) src(%dma_wait3A_322 : memref<512x64xbf16, #tpu.memory_space<vmem>>) dst(%dma_wait3A_318 : memref<512x64xbf16, #tpu.memory_space<hbm>>)
    %get3A_323 = arith.constant 1 : i32
    %get3A_324 = arith.index_cast %get3A_323 : i32 to index
    %get3A_325 = arith.constant 0 : index
    %get3A_326 = tpu.vector_load %arg7[%get3A_324, %get3A_325] {strides = array<i32>} : memref<2x8208xi32, #tpu.memory_space<vmem>>, vector<16xi32>,
    %slice3A_327 = vector.extract_strided_slice %get3A_326 {offsets = [0], sizes = [1], strides = [1]} : vector<16xi32> to vector<1xi32>
    %squeeze3A_328 = vector.extract %slice3A_327[0] : i32 from vector<1xi32>
    %slice3A_329 = vector.extract_strided_slice %get3A_326 {offsets = [1], sizes = [1], strides = [1]} : vector<16xi32> to vector<1xi32>
    %squeeze3A_330 = vector.extract %slice3A_329[0] : i32 from vector<1xi32>
    %slice3A_331 = vector.extract_strided_slice %get3A_326 {offsets = [2], sizes = [1], strides = [1]} : vector<16xi32> to vector<1xi32>
    %squeeze3A_332 = vector.extract %slice3A_331[0] : i32 from vector<1xi32>
    %slice3A_333 = vector.extract_strided_slice %get3A_326 {offsets = [3], sizes = [1], strides = [1]} : vector<16xi32> to vector<1xi32>
    %squeeze3A_334 = vector.extract %slice3A_333[0] : i32 from vector<1xi32>
    %slice3A_335 = vector.extract_strided_slice %get3A_326 {offsets = [4], sizes = [1], strides = [1]} : vector<16xi32> to vector<1xi32>
    %squeeze3A_336 = vector.extract %slice3A_335[0] : i32 from vector<1xi32>
    %slice3A_337 = vector.extract_strided_slice %get3A_326 {offsets = [5], sizes = [1], strides = [1]} : vector<16xi32> to vector<1xi32>
    %squeeze3A_338 = vector.extract %slice3A_337[0] : i32 from vector<1xi32>
    %slice3A_339 = vector.extract_strided_slice %get3A_326 {offsets = [6], sizes = [1], strides = [1]} : vector<16xi32> to vector<1xi32>
    %squeeze3A_340 = vector.extract %slice3A_339[0] : i32 from vector<1xi32>
    %slice3A_341 = vector.extract_strided_slice %get3A_326 {offsets = [7], sizes = [1], strides = [1]} : vector<16xi32> to vector<1xi32>
    %squeeze3A_342 = vector.extract %slice3A_341[0] : i32 from vector<1xi32>
    %slice3A_343 = vector.extract_strided_slice %get3A_326 {offsets = [8], sizes = [1], strides = [1]} : vector<16xi32> to vector<1xi32>
    %squeeze3A_344 = vector.extract %slice3A_343[0] : i32 from vector<1xi32>
    %slice3A_345 = vector.extract_strided_slice %get3A_326 {offsets = [9], sizes = [1], strides = [1]} : vector<16xi32> to vector<1xi32>
    %squeeze3A_346 = vector.extract %slice3A_345[0] : i32 from vector<1xi32>
    %slice3A_347 = vector.extract_strided_slice %get3A_326 {offsets = [10], sizes = [1], strides = [1]} : vector<16xi32> to vector<1xi32>
    %squeeze3A_348 = vector.extract %slice3A_347[0] : i32 from vector<1xi32>
    %slice3A_349 = vector.extract_strided_slice %get3A_326 {offsets = [11], sizes = [1], strides = [1]} : vector<16xi32> to vector<1xi32>
    %squeeze3A_350 = vector.extract %slice3A_349[0] : i32 from vector<1xi32>
    %slice3A_351 = vector.extract_strided_slice %get3A_326 {offsets = [12], sizes = [1], strides = [1]} : vector<16xi32> to vector<1xi32>
    %squeeze3A_352 = vector.extract %slice3A_351[0] : i32 from vector<1xi32>
    %slice3A_353 = vector.extract_strided_slice %get3A_326 {offsets = [13], sizes = [1], strides = [1]} : vector<16xi32> to vector<1xi32>
    %squeeze3A_354 = vector.extract %slice3A_353[0] : i32 from vector<1xi32>
    %slice3A_355 = vector.extract_strided_slice %get3A_326 {offsets = [14], sizes = [1], strides = [1]} : vector<16xi32> to vector<1xi32>
    %squeeze3A_356 = vector.extract %slice3A_355[0] : i32 from vector<1xi32>
    %slice3A_357 = vector.extract_strided_slice %get3A_326 {offsets = [15], sizes = [1], strides = [1]} : vector<16xi32> to vector<1xi32>
    %squeeze3A_358 = vector.extract %slice3A_357[0] : i32 from vector<1xi32>
    %scan3A_359 = arith.constant 0 : i32
    %scan3A_360 = arith.constant 512 : i32
    %scan3A_361 = arith.addi %scan3A_359, %scan3A_360 : i32
    %scan3A_362 = arith.constant 1 : i32
    %scan3A_363:24 = scf.for %scan3A_432 = %scan3A_359 to %scan3A_361 step %scan3A_362 iter_args(%scan3A_433 = %squeeze3A_328, %scan3A_434 = %squeeze3A_330, %scan3A_435 = %squeeze3A_332, %scan3A_436 = %squeeze3A_334, %scan3A_437 = %squeeze3A_336, %scan3A_438 = %squeeze3A_338, %scan3A_439 = %squeeze3A_340, %scan3A_440 = %squeeze3A_342, %scan3A_441 = %squeeze3A_344, %scan3A_442 = %squeeze3A_346, %scan3A_443 = %squeeze3A_348, %scan3A_444 = %squeeze3A_350, %scan3A_445 = %squeeze3A_352, %scan3A_446 = %squeeze3A_354, %scan3A_447 = %squeeze3A_356, %scan3A_448 = %squeeze3A_358, %scan3A_449 = %scan3A_286#16, %scan3A_450 = %scan3A_286#17, %scan3A_451 = %scan3A_286#18, %scan3A_452 = %scan3A_286#19, %scan3A_453 = %scan3A_286#20, %scan3A_454 = %scan3A_286#21, %scan3A_455 = %scan3A_286#22, %scan3A_456 = %scan3A_286#23) -> (i32, i32, i32, i32, i32, i32, i32, i32, i32, i32, i32, i32, i32, i32, i32, i32, vector<16xf32>, vector<16xf32>, vector<16xf32>, vector<16xf32>, vector<16xf32>, vector<16xf32>, vector<16xf32>, vector<16xf32>)  : i32 {
      %add3A_457 = arith.constant 1 : i32
      %add3A_458 = arith.addi %scan3A_432, %add3A_457 : i32
      %mul3A_459 = arith.constant 16 : i32
      %mul3A_460 = arith.muli %add3A_458, %mul3A_459 : i32
      %get3A_461 = arith.constant 1 : i32
      %get3A_462 = arith.index_cast %get3A_461 : i32 to index
      %get3A_463 = arith.index_cast %mul3A_460 : i32 to index
      %get3A_464 = tpu.vector_load %arg7[%get3A_462, %get3A_463] {strides = array<i32>} : memref<2x8208xi32, #tpu.memory_space<vmem>>, vector<16xi32>,
      %slice3A_465 = vector.extract_strided_slice %get3A_464 {offsets = [0], sizes = [1], strides = [1]} : vector<16xi32> to vector<1xi32>
      %squeeze3A_466 = vector.extract %slice3A_465[0] : i32 from vector<1xi32>
      %slice3A_467 = vector.extract_strided_slice %get3A_464 {offsets = [1], sizes = [1], strides = [1]} : vector<16xi32> to vector<1xi32>
      %squeeze3A_468 = vector.extract %slice3A_467[0] : i32 from vector<1xi32>
      %slice3A_469 = vector.extract_strided_slice %get3A_464 {offsets = [2], sizes = [1], strides = [1]} : vector<16xi32> to vector<1xi32>
      %squeeze3A_470 = vector.extract %slice3A_469[0] : i32 from vector<1xi32>
      %slice3A_471 = vector.extract_strided_slice %get3A_464 {offsets = [3], sizes = [1], strides = [1]} : vector<16xi32> to vector<1xi32>
      %squeeze3A_472 = vector.extract %slice3A_471[0] : i32 from vector<1xi32>
      %slice3A_473 = vector.extract_strided_slice %get3A_464 {offsets = [4], sizes = [1], strides = [1]} : vector<16xi32> to vector<1xi32>
      %squeeze3A_474 = vector.extract %slice3A_473[0] : i32 from vector<1xi32>
      %slice3A_475 = vector.extract_strided_slice %get3A_464 {offsets = [5], sizes = [1], strides = [1]} : vector<16xi32> to vector<1xi32>
      %squeeze3A_476 = vector.extract %slice3A_475[0] : i32 from vector<1xi32>
      %slice3A_477 = vector.extract_strided_slice %get3A_464 {offsets = [6], sizes = [1], strides = [1]} : vector<16xi32> to vector<1xi32>
      %squeeze3A_478 = vector.extract %slice3A_477[0] : i32 from vector<1xi32>
      %slice3A_479 = vector.extract_strided_slice %get3A_464 {offsets = [7], sizes = [1], strides = [1]} : vector<16xi32> to vector<1xi32>
      %squeeze3A_480 = vector.extract %slice3A_479[0] : i32 from vector<1xi32>
      %slice3A_481 = vector.extract_strided_slice %get3A_464 {offsets = [8], sizes = [1], strides = [1]} : vector<16xi32> to vector<1xi32>
      %squeeze3A_482 = vector.extract %slice3A_481[0] : i32 from vector<1xi32>
      %slice3A_483 = vector.extract_strided_slice %get3A_464 {offsets = [9], sizes = [1], strides = [1]} : vector<16xi32> to vector<1xi32>
      %squeeze3A_484 = vector.extract %slice3A_483[0] : i32 from vector<1xi32>
      %slice3A_485 = vector.extract_strided_slice %get3A_464 {offsets = [10], sizes = [1], strides = [1]} : vector<16xi32> to vector<1xi32>
      %squeeze3A_486 = vector.extract %slice3A_485[0] : i32 from vector<1xi32>
      %slice3A_487 = vector.extract_strided_slice %get3A_464 {offsets = [11], sizes = [1], strides = [1]} : vector<16xi32> to vector<1xi32>
      %squeeze3A_488 = vector.extract %slice3A_487[0] : i32 from vector<1xi32>
      %slice3A_489 = vector.extract_strided_slice %get3A_464 {offsets = [12], sizes = [1], strides = [1]} : vector<16xi32> to vector<1xi32>
      %squeeze3A_490 = vector.extract %slice3A_489[0] : i32 from vector<1xi32>
      %slice3A_491 = vector.extract_strided_slice %get3A_464 {offsets = [13], sizes = [1], strides = [1]} : vector<16xi32> to vector<1xi32>
      %squeeze3A_492 = vector.extract %slice3A_491[0] : i32 from vector<1xi32>
      %slice3A_493 = vector.extract_strided_slice %get3A_464 {offsets = [14], sizes = [1], strides = [1]} : vector<16xi32> to vector<1xi32>
      %squeeze3A_494 = vector.extract %slice3A_493[0] : i32 from vector<1xi32>
      %slice3A_495 = vector.extract_strided_slice %get3A_464 {offsets = [15], sizes = [1], strides = [1]} : vector<16xi32> to vector<1xi32>
      %squeeze3A_496 = vector.extract %slice3A_495[0] : i32 from vector<1xi32>
      %get3A_497 = arith.index_cast %scan3A_433 : i32 to index
      %get3A_498 = arith.constant 0 : index
      %get3A_499 = tpu.vector_load %arg6[%get3A_497, %get3A_498] {strides = array<i32>} : memref<2048x64xbf16, #tpu.memory_space<vmem>>, vector<32xbf16>,
      %get3A_500 = arith.index_cast %scan3A_433 : i32 to index
      %get3A_501 = arith.constant 32 : index
      %get3A_502 = tpu.vector_load %arg6[%get3A_500, %get3A_501] {strides = array<i32>} : memref<2048x64xbf16, #tpu.memory_space<vmem>>, vector<32xbf16>,
      %get3A_503 = arith.index_cast %scan3A_434 : i32 to index
      %get3A_504 = arith.constant 0 : index
      %get3A_505 = tpu.vector_load %arg6[%get3A_503, %get3A_504] {strides = array<i32>} : memref<2048x64xbf16, #tpu.memory_space<vmem>>, vector<32xbf16>,
      %max3A = arith.maximumf %get3A_499, %get3A_505 : vector<32xbf16>
      %get3A_506 = arith.index_cast %scan3A_434 : i32 to index
      %get3A_507 = arith.constant 32 : index
      %get3A_508 = tpu.vector_load %arg6[%get3A_506, %get3A_507] {strides = array<i32>} : memref<2048x64xbf16, #tpu.memory_space<vmem>>, vector<32xbf16>,
      %max3A_509 = arith.maximumf %get3A_502, %get3A_508 : vector<32xbf16>
      %get3A_510 = arith.index_cast %scan3A_435 : i32 to index
      %get3A_511 = arith.constant 0 : index
      %get3A_512 = tpu.vector_load %arg6[%get3A_510, %get3A_511] {strides = array<i32>} : memref<2048x64xbf16, #tpu.memory_space<vmem>>, vector<32xbf16>,
      %max3A_513 = arith.maximumf %max3A, %get3A_512 : vector<32xbf16>
      %get3A_514 = arith.index_cast %scan3A_435 : i32 to index
      %get3A_515 = arith.constant 32 : index
      %get3A_516 = tpu.vector_load %arg6[%get3A_514, %get3A_515] {strides = array<i32>} : memref<2048x64xbf16, #tpu.memory_space<vmem>>, vector<32xbf16>,
      %max3A_517 = arith.maximumf %max3A_509, %get3A_516 : vector<32xbf16>
      %get3A_518 = arith.index_cast %scan3A_436 : i32 to index
      %get3A_519 = arith.constant 0 : index
      %get3A_520 = tpu.vector_load %arg6[%get3A_518, %get3A_519] {strides = array<i32>} : memref<2048x64xbf16, #tpu.memory_space<vmem>>, vector<32xbf16>,
      %max3A_521 = arith.maximumf %max3A_513, %get3A_520 : vector<32xbf16>
      %get3A_522 = arith.index_cast %scan3A_436 : i32 to index
      %get3A_523 = arith.constant 32 : index
      %get3A_524 = tpu.vector_load %arg6[%get3A_522, %get3A_523] {strides = array<i32>} : memref<2048x64xbf16, #tpu.memory_space<vmem>>, vector<32xbf16>,
      %max3A_525 = arith.maximumf %max3A_517, %get3A_524 : vector<32xbf16>
      %get3A_526 = arith.index_cast %scan3A_437 : i32 to index
      %get3A_527 = arith.constant 0 : index
      %get3A_528 = tpu.vector_load %arg6[%get3A_526, %get3A_527] {strides = array<i32>} : memref<2048x64xbf16, #tpu.memory_space<vmem>>, vector<32xbf16>,
      %max3A_529 = arith.maximumf %max3A_521, %get3A_528 : vector<32xbf16>
      %get3A_530 = arith.index_cast %scan3A_437 : i32 to index
      %get3A_531 = arith.constant 32 : index
      %get3A_532 = tpu.vector_load %arg6[%get3A_530, %get3A_531] {strides = array<i32>} : memref<2048x64xbf16, #tpu.memory_space<vmem>>, vector<32xbf16>,
      %max3A_533 = arith.maximumf %max3A_525, %get3A_532 : vector<32xbf16>
      %get3A_534 = arith.index_cast %scan3A_438 : i32 to index
      %get3A_535 = arith.constant 0 : index
      %get3A_536 = tpu.vector_load %arg6[%get3A_534, %get3A_535] {strides = array<i32>} : memref<2048x64xbf16, #tpu.memory_space<vmem>>, vector<32xbf16>,
      %max3A_537 = arith.maximumf %max3A_529, %get3A_536 : vector<32xbf16>
      %get3A_538 = arith.index_cast %scan3A_438 : i32 to index
      %get3A_539 = arith.constant 32 : index
      %get3A_540 = tpu.vector_load %arg6[%get3A_538, %get3A_539] {strides = array<i32>} : memref<2048x64xbf16, #tpu.memory_space<vmem>>, vector<32xbf16>,
      %max3A_541 = arith.maximumf %max3A_533, %get3A_540 : vector<32xbf16>
      %get3A_542 = arith.index_cast %scan3A_439 : i32 to index
      %get3A_543 = arith.constant 0 : index
      %get3A_544 = tpu.vector_load %arg6[%get3A_542, %get3A_543] {strides = array<i32>} : memref<2048x64xbf16, #tpu.memory_space<vmem>>, vector<32xbf16>,
      %max3A_545 = arith.maximumf %max3A_537, %get3A_544 : vector<32xbf16>
      %get3A_546 = arith.index_cast %scan3A_439 : i32 to index
      %get3A_547 = arith.constant 32 : index
      %get3A_548 = tpu.vector_load %arg6[%get3A_546, %get3A_547] {strides = array<i32>} : memref<2048x64xbf16, #tpu.memory_space<vmem>>, vector<32xbf16>,
      %max3A_549 = arith.maximumf %max3A_541, %get3A_548 : vector<32xbf16>
      %get3A_550 = arith.index_cast %scan3A_440 : i32 to index
      %get3A_551 = arith.constant 0 : index
      %get3A_552 = tpu.vector_load %arg6[%get3A_550, %get3A_551] {strides = array<i32>} : memref<2048x64xbf16, #tpu.memory_space<vmem>>, vector<32xbf16>,
      %max3A_553 = arith.maximumf %max3A_545, %get3A_552 : vector<32xbf16>
      %get3A_554 = arith.index_cast %scan3A_440 : i32 to index
      %get3A_555 = arith.constant 32 : index
      %get3A_556 = tpu.vector_load %arg6[%get3A_554, %get3A_555] {strides = array<i32>} : memref<2048x64xbf16, #tpu.memory_space<vmem>>, vector<32xbf16>,
      %max3A_557 = arith.maximumf %max3A_549, %get3A_556 : vector<32xbf16>
      %get3A_558 = arith.index_cast %scan3A_441 : i32 to index
      %get3A_559 = arith.constant 0 : index
      %get3A_560 = tpu.vector_load %arg6[%get3A_558, %get3A_559] {strides = array<i32>} : memref<2048x64xbf16, #tpu.memory_space<vmem>>, vector<32xbf16>,
      %max3A_561 = arith.maximumf %max3A_553, %get3A_560 : vector<32xbf16>
      %get3A_562 = arith.index_cast %scan3A_441 : i32 to index
      %get3A_563 = arith.constant 32 : index
      %get3A_564 = tpu.vector_load %arg6[%get3A_562, %get3A_563] {strides = array<i32>} : memref<2048x64xbf16, #tpu.memory_space<vmem>>, vector<32xbf16>,
      %max3A_565 = arith.maximumf %max3A_557, %get3A_564 : vector<32xbf16>
      %get3A_566 = arith.index_cast %scan3A_442 : i32 to index
      %get3A_567 = arith.constant 0 : index
      %get3A_568 = tpu.vector_load %arg6[%get3A_566, %get3A_567] {strides = array<i32>} : memref<2048x64xbf16, #tpu.memory_space<vmem>>, vector<32xbf16>,
      %max3A_569 = arith.maximumf %max3A_561, %get3A_568 : vector<32xbf16>
      %get3A_570 = arith.index_cast %scan3A_442 : i32 to index
      %get3A_571 = arith.constant 32 : index
      %get3A_572 = tpu.vector_load %arg6[%get3A_570, %get3A_571] {strides = array<i32>} : memref<2048x64xbf16, #tpu.memory_space<vmem>>, vector<32xbf16>,
      %max3A_573 = arith.maximumf %max3A_565, %get3A_572 : vector<32xbf16>
      %get3A_574 = arith.index_cast %scan3A_443 : i32 to index
      %get3A_575 = arith.constant 0 : index
      %get3A_576 = tpu.vector_load %arg6[%get3A_574, %get3A_575] {strides = array<i32>} : memref<2048x64xbf16, #tpu.memory_space<vmem>>, vector<32xbf16>,
      %max3A_577 = arith.maximumf %max3A_569, %get3A_576 : vector<32xbf16>
      %get3A_578 = arith.index_cast %scan3A_443 : i32 to index
      %get3A_579 = arith.constant 32 : index
      %get3A_580 = tpu.vector_load %arg6[%get3A_578, %get3A_579] {strides = array<i32>} : memref<2048x64xbf16, #tpu.memory_space<vmem>>, vector<32xbf16>,
      %max3A_581 = arith.maximumf %max3A_573, %get3A_580 : vector<32xbf16>
      %get3A_582 = arith.index_cast %scan3A_444 : i32 to index
      %get3A_583 = arith.constant 0 : index
      %get3A_584 = tpu.vector_load %arg6[%get3A_582, %get3A_583] {strides = array<i32>} : memref<2048x64xbf16, #tpu.memory_space<vmem>>, vector<32xbf16>,
      %max3A_585 = arith.maximumf %max3A_577, %get3A_584 : vector<32xbf16>
      %get3A_586 = arith.index_cast %scan3A_444 : i32 to index
      %get3A_587 = arith.constant 32 : index
      %get3A_588 = tpu.vector_load %arg6[%get3A_586, %get3A_587] {strides = array<i32>} : memref<2048x64xbf16, #tpu.memory_space<vmem>>, vector<32xbf16>,
      %max3A_589 = arith.maximumf %max3A_581, %get3A_588 : vector<32xbf16>
      %get3A_590 = arith.index_cast %scan3A_445 : i32 to index
      %get3A_591 = arith.constant 0 : index
      %get3A_592 = tpu.vector_load %arg6[%get3A_590, %get3A_591] {strides = array<i32>} : memref<2048x64xbf16, #tpu.memory_space<vmem>>, vector<32xbf16>,
      %max3A_593 = arith.maximumf %max3A_585, %get3A_592 : vector<32xbf16>
      %get3A_594 = arith.index_cast %scan3A_445 : i32 to index
      %get3A_595 = arith.constant 32 : index
      %get3A_596 = tpu.vector_load %arg6[%get3A_594, %get3A_595] {strides = array<i32>} : memref<2048x64xbf16, #tpu.memory_space<vmem>>, vector<32xbf16>,
      %max3A_597 = arith.maximumf %max3A_589, %get3A_596 : vector<32xbf16>
      %get3A_598 = arith.index_cast %scan3A_446 : i32 to index
      %get3A_599 = arith.constant 0 : index
      %get3A_600 = tpu.vector_load %arg6[%get3A_598, %get3A_599] {strides = array<i32>} : memref<2048x64xbf16, #tpu.memory_space<vmem>>, vector<32xbf16>,
      %max3A_601 = arith.maximumf %max3A_593, %get3A_600 : vector<32xbf16>
      %get3A_602 = arith.index_cast %scan3A_446 : i32 to index
      %get3A_603 = arith.constant 32 : index
      %get3A_604 = tpu.vector_load %arg6[%get3A_602, %get3A_603] {strides = array<i32>} : memref<2048x64xbf16, #tpu.memory_space<vmem>>, vector<32xbf16>,
      %max3A_605 = arith.maximumf %max3A_597, %get3A_604 : vector<32xbf16>
      %get3A_606 = arith.index_cast %scan3A_447 : i32 to index
      %get3A_607 = arith.constant 0 : index
      %get3A_608 = tpu.vector_load %arg6[%get3A_606, %get3A_607] {strides = array<i32>} : memref<2048x64xbf16, #tpu.memory_space<vmem>>, vector<32xbf16>,
      %max3A_609 = arith.maximumf %max3A_601, %get3A_608 : vector<32xbf16>
      %get3A_610 = arith.index_cast %scan3A_447 : i32 to index
      %get3A_611 = arith.constant 32 : index
      %get3A_612 = tpu.vector_load %arg6[%get3A_610, %get3A_611] {strides = array<i32>} : memref<2048x64xbf16, #tpu.memory_space<vmem>>, vector<32xbf16>,
      %max3A_613 = arith.maximumf %max3A_605, %get3A_612 : vector<32xbf16>
      %get3A_614 = arith.index_cast %scan3A_448 : i32 to index
      %get3A_615 = arith.constant 0 : index
      %get3A_616 = tpu.vector_load %arg6[%get3A_614, %get3A_615] {strides = array<i32>} : memref<2048x64xbf16, #tpu.memory_space<vmem>>, vector<32xbf16>,
      %max3A_617 = arith.maximumf %max3A_609, %get3A_616 : vector<32xbf16>
      %get3A_618 = arith.index_cast %scan3A_448 : i32 to index
      %get3A_619 = arith.constant 32 : index
      %get3A_620 = tpu.vector_load %arg6[%get3A_618, %get3A_619] {strides = array<i32>} : memref<2048x64xbf16, #tpu.memory_space<vmem>>, vector<32xbf16>,
      %max3A_621 = arith.maximumf %max3A_613, %get3A_620 : vector<32xbf16>
      %add3A_622 = arith.constant 1536 : i32
      %add3A_623 = arith.addi %add3A_622, %scan3A_432 : i32
      %get3A_624 = arith.index_cast %add3A_623 : i32 to index
      %get3A_625 = arith.constant 0 : index
      %get3A_626 = tpu.vector_load %arg6[%get3A_624, %get3A_625] {strides = array<i32>} : memref<2048x64xbf16, #tpu.memory_space<vmem>>, vector<32xbf16>,
      %sub3A_627 = arith.subf %max3A_617, %get3A_626 : vector<32xbf16>
      %get3A_628 = arith.index_cast %add3A_623 : i32 to index
      %get3A_629 = arith.constant 32 : index
      %get3A_630 = tpu.vector_load %arg6[%get3A_628, %get3A_629] {strides = array<i32>} : memref<2048x64xbf16, #tpu.memory_space<vmem>>, vector<32xbf16>,
      %sub3A_631 = arith.subf %max3A_621, %get3A_630 : vector<32xbf16>
      %swap3A = arith.constant 1 : i32
      %swap3A_632 = arith.index_cast %swap3A : i32 to index
      %swap3A_633 = arith.index_cast %scan3A_432 : i32 to index
      %swap3A_634 = arith.constant 0 : index
      %swap3A_635 = tpu.vector_load %arg8[%swap3A_632, %swap3A_633, %swap3A_634] {strides = array<i32>} : memref<2x512x64xbf16, #tpu.memory_space<vmem>>, vector<32xbf16>,
      tpu.vector_store %arg8[%swap3A_632, %swap3A_633, %swap3A_634], %sub3A_627 {strides = array<i32>} : memref<2x512x64xbf16, #tpu.memory_space<vmem>>, vector<32xbf16>,
      %swap3A_636 = arith.constant 1 : i32
      %swap3A_637 = arith.index_cast %swap3A_636 : i32 to index
      %swap3A_638 = arith.index_cast %scan3A_432 : i32 to index
      %swap3A_639 = arith.constant 32 : index
      %swap3A_640 = tpu.vector_load %arg8[%swap3A_637, %swap3A_638, %swap3A_639] {strides = array<i32>} : memref<2x512x64xbf16, #tpu.memory_space<vmem>>, vector<32xbf16>,
      tpu.vector_store %arg8[%swap3A_637, %swap3A_638, %swap3A_639], %sub3A_631 {strides = array<i32>} : memref<2x512x64xbf16, #tpu.memory_space<vmem>>, vector<32xbf16>,
      %bitcast3A = vector.bitcast %sub3A_627 : vector<32xbf16> to vector<16xi32>
      %shift_left3A = arith.constant 16 : i32
      %shift_left3A_641 = vector.broadcast %shift_left3A : i32 to vector<16xi32>
      %shift_left3A_642 = arith.shli %bitcast3A, %shift_left3A_641 : vector<16xi32>
      %bitcast3A_643 = vector.bitcast %shift_left3A_642 : vector<16xi32> to vector<16xf32>
      %and3A_644 = arith.constant -65536 : i32
      %and3A_645 = vector.broadcast %and3A_644 : i32 to vector<16xi32>
      %and3A_646 = arith.andi %bitcast3A, %and3A_645 : vector<16xi32>
      %bitcast3A_647 = vector.bitcast %and3A_646 : vector<16xi32> to vector<16xf32>
      %bitcast3A_648 = vector.bitcast %sub3A_631 : vector<32xbf16> to vector<16xi32>
      %shift_left3A_649 = arith.constant 16 : i32
      %shift_left3A_650 = vector.broadcast %shift_left3A_649 : i32 to vector<16xi32>
      %shift_left3A_651 = arith.shli %bitcast3A_648, %shift_left3A_650 : vector<16xi32>
      %bitcast3A_652 = vector.bitcast %shift_left3A_651 : vector<16xi32> to vector<16xf32>
      %and3A_653 = arith.constant -65536 : i32
      %and3A_654 = vector.broadcast %and3A_653 : i32 to vector<16xi32>
      %and3A_655 = arith.andi %bitcast3A_648, %and3A_654 : vector<16xi32>
      %bitcast3A_656 = vector.bitcast %and3A_655 : vector<16xi32> to vector<16xf32>
      %add3A_657 = arith.addf %scan3A_449, %bitcast3A_643 : vector<16xf32>
      %add3A_658 = arith.addf %scan3A_450, %bitcast3A_647 : vector<16xf32>
      %add3A_659 = arith.addf %scan3A_451, %bitcast3A_652 : vector<16xf32>
      %add3A_660 = arith.addf %scan3A_452, %bitcast3A_656 : vector<16xf32>
      %mul3A_661 = arith.mulf %bitcast3A_643, %bitcast3A_643 : vector<16xf32>
      %add3A_662 = arith.addf %scan3A_453, %mul3A_661 : vector<16xf32>
      %mul3A_663 = arith.mulf %bitcast3A_647, %bitcast3A_647 : vector<16xf32>
      %add3A_664 = arith.addf %scan3A_454, %mul3A_663 : vector<16xf32>
      %mul3A_665 = arith.mulf %bitcast3A_652, %bitcast3A_652 : vector<16xf32>
      %add3A_666 = arith.addf %scan3A_455, %mul3A_665 : vector<16xf32>
      %mul3A_667 = arith.mulf %bitcast3A_656, %bitcast3A_656 : vector<16xf32>
      %add3A_668 = arith.addf %scan3A_456, %mul3A_667 : vector<16xf32>
      scf.yield %squeeze3A_466, %squeeze3A_468, %squeeze3A_470, %squeeze3A_472, %squeeze3A_474, %squeeze3A_476, %squeeze3A_478, %squeeze3A_480, %squeeze3A_482, %squeeze3A_484, %squeeze3A_486, %squeeze3A_488, %squeeze3A_490, %squeeze3A_492, %squeeze3A_494, %squeeze3A_496, %add3A_657, %add3A_658, %add3A_659, %add3A_660, %add3A_662, %add3A_664, %add3A_666, %add3A_668 : i32, i32, i32, i32, i32, i32, i32, i32, i32, i32, i32, i32, i32, i32, i32, i32, vector<16xf32>, vector<16xf32>, vector<16xf32>, vector<16xf32>, vector<16xf32>, vector<16xf32>, vector<16xf32>, vector<16xf32>
    }
    %scan3A_364 = arith.constant 512 : i32
    %mul3A_365 = arith.constant 2048 : i32
    %mul3A_366 = arith.muli %select_n3A, %mul3A_365 : i32
    %add3A_367 = arith.constant 1536 : i32
    %add3A_368 = arith.addi %mul3A_366, %add3A_367 : i32
    %dma_start3A_369 = arith.constant 1 : i32
    %dma_start3A_370 = arith.constant 0 : i32
    %dma_start3A_371 = arith.constant 0 : i32
    %dma_start3A_372 = tpu.memref_slice %arg8[%dma_start3A_369, %dma_start3A_370, %dma_start3A_371] : memref<2x512x64xbf16, #tpu.memory_space<vmem>> -> memref<1x512x64xbf16, #tpu.memory_space<vmem>>
    %dma_start3A_373 = tpu.memref_squeeze %dma_start3A_372 : memref<1x512x64xbf16, #tpu.memory_space<vmem>> -> memref<512x64xbf16, #tpu.memory_space<vmem>>
    %dma_start3A_374 = tpu.memref_slice %arg4[%add3A_368, %mul3A_32] : memref<16384x256xbf16, #tpu.memory_space<hbm>> -> memref<512x64xbf16, #tpu.memory_space<hbm>>
    %dma_start3A_375 = tpu.memref_slice %arg4[%add3A_368, %mul3A_32] : memref<16384x256xbf16, #tpu.memory_space<hbm>> -> memref<512x64xbf16, #tpu.memory_space<hbm>>
    %dma_start3A_376 = arith.constant 0 : i32
    %dma_start3A_377 = arith.constant 0 : i32
    %dma_start3A_378 = tpu.memref_slice %arg8[%dma_start3A_369, %dma_start3A_376, %dma_start3A_377] : memref<2x512x64xbf16, #tpu.memory_space<vmem>> -> memref<1x512x64xbf16, #tpu.memory_space<vmem>>
    %dma_start3A_379 = tpu.memref_squeeze %dma_start3A_378 : memref<1x512x64xbf16, #tpu.memory_space<vmem>> -> memref<512x64xbf16, #tpu.memory_space<vmem>>
    tpu.enqueue_dma source(%dma_start3A_379 : memref<512x64xbf16, #tpu.memory_space<vmem>>) target(%dma_start3A_375 : memref<512x64xbf16, #tpu.memory_space<hbm>>) target_semaphore(%arg14 : memref<!tpu.dma_semaphore, #tpu.memory_space<semaphore_mem>>)
    %dma_wait3A_380 = arith.constant 0 : i32
    %dma_wait3A_381 = arith.constant 0 : i32
    %dma_wait3A_382 = arith.constant 0 : i32
    %dma_wait3A_383 = tpu.memref_slice %arg8[%dma_wait3A_380, %dma_wait3A_381, %dma_wait3A_382] : memref<2x512x64xbf16, #tpu.memory_space<vmem>> -> memref<1x512x64xbf16, #tpu.memory_space<vmem>>
    %dma_wait3A_384 = tpu.memref_squeeze %dma_wait3A_383 : memref<1x512x64xbf16, #tpu.memory_space<vmem>> -> memref<512x64xbf16, #tpu.memory_space<vmem>>
    %dma_wait3A_385 = tpu.memref_slice %arg4[%add3A_291, %mul3A_32] : memref<16384x256xbf16, #tpu.memory_space<hbm>> -> memref<512x64xbf16, #tpu.memory_space<hbm>>
    %dma_wait3A_386 = tpu.memref_slice %arg4[%add3A_291, %mul3A_32] : memref<16384x256xbf16, #tpu.memory_space<hbm>> -> memref<512x64xbf16, #tpu.memory_space<hbm>>
    %dma_wait3A_387 = arith.constant 0 : i32
    %dma_wait3A_388 = arith.constant 0 : i32
    %dma_wait3A_389 = tpu.memref_slice %arg8[%dma_wait3A_380, %dma_wait3A_387, %dma_wait3A_388] : memref<2x512x64xbf16, #tpu.memory_space<vmem>> -> memref<1x512x64xbf16, #tpu.memory_space<vmem>>
    %dma_wait3A_390 = tpu.memref_squeeze %dma_wait3A_389 : memref<1x512x64xbf16, #tpu.memory_space<vmem>> -> memref<512x64xbf16, #tpu.memory_space<vmem>>
    tpu.wait_dma2 semaphore(%arg13 : memref<!tpu.dma_semaphore, #tpu.memory_space<semaphore_mem>>) src(%dma_wait3A_390 : memref<512x64xbf16, #tpu.memory_space<vmem>>) dst(%dma_wait3A_386 : memref<512x64xbf16, #tpu.memory_space<hbm>>)
    %dma_wait3A_391 = arith.constant 1 : i32
    %dma_wait3A_392 = arith.constant 0 : i32
    %dma_wait3A_393 = arith.constant 0 : i32
    %dma_wait3A_394 = tpu.memref_slice %arg8[%dma_wait3A_391, %dma_wait3A_392, %dma_wait3A_393] : memref<2x512x64xbf16, #tpu.memory_space<vmem>> -> memref<1x512x64xbf16, #tpu.memory_space<vmem>>
    %dma_wait3A_395 = tpu.memref_squeeze %dma_wait3A_394 : memref<1x512x64xbf16, #tpu.memory_space<vmem>> -> memref<512x64xbf16, #tpu.memory_space<vmem>>
    %dma_wait3A_396 = tpu.memref_slice %arg4[%add3A_368, %mul3A_32] : memref<16384x256xbf16, #tpu.memory_space<hbm>> -> memref<512x64xbf16, #tpu.memory_space<hbm>>
    %dma_wait3A_397 = tpu.memref_slice %arg4[%add3A_368, %mul3A_32] : memref<16384x256xbf16, #tpu.memory_space<hbm>> -> memref<512x64xbf16, #tpu.memory_space<hbm>>
    %dma_wait3A_398 = arith.constant 0 : i32
    %dma_wait3A_399 = arith.constant 0 : i32
    %dma_wait3A_400 = tpu.memref_slice %arg8[%dma_wait3A_391, %dma_wait3A_398, %dma_wait3A_399] : memref<2x512x64xbf16, #tpu.memory_space<vmem>> -> memref<1x512x64xbf16, #tpu.memory_space<vmem>>
    %dma_wait3A_401 = tpu.memref_squeeze %dma_wait3A_400 : memref<1x512x64xbf16, #tpu.memory_space<vmem>> -> memref<512x64xbf16, #tpu.memory_space<vmem>>
    tpu.wait_dma2 semaphore(%arg14 : memref<!tpu.dma_semaphore, #tpu.memory_space<semaphore_mem>>) src(%dma_wait3A_401 : memref<512x64xbf16, #tpu.memory_space<vmem>>) dst(%dma_wait3A_397 : memref<512x64xbf16, #tpu.memory_space<hbm>>)
    %iota3A = tpu.iota {dimensions = array<i32: 0>} : vector<16xi32>
    %mul3A_402 = arith.constant 2 : i32
    %mul3A_403 = vector.broadcast %mul3A_402 : i32 to vector<16xi32>
    %mul3A_404 = arith.muli %iota3A, %mul3A_403 : vector<16xi32>
    %mul3A_405 = arith.constant 2 : i32
    %mul3A_406 = vector.broadcast %mul3A_405 : i32 to vector<16xi32>
    %mul3A_407 = arith.muli %iota3A, %mul3A_406 : vector<16xi32>
    %add3A_408 = arith.constant 1 : i32
    %add3A_409 = vector.broadcast %add3A_408 : i32 to vector<16xi32>
    %add3A_410 = arith.addi %mul3A_407, %add3A_409 : vector<16xi32>
    %mul3A_411 = arith.constant 0 : i32
    %mul3A_412 = vector.broadcast %mul3A_411 : i32 to vector<16xi32>
    %mul3A_413 = arith.muli %iota3A, %mul3A_412 : vector<16xi32>
    %mul3A_414 = arith.constant 0 : i32
    %mul3A_415 = vector.broadcast %mul3A_414 : i32 to vector<16xi32>
    %mul3A_416 = arith.muli %iota3A, %mul3A_415 : vector<16xi32>
    %add3A_417 = arith.constant 1 : i32
    %add3A_418 = vector.broadcast %add3A_417 : i32 to vector<16xi32>
    %add3A_419 = arith.addi %mul3A_416, %add3A_418 : vector<16xi32>
    tpu.vector_store_idx %arg9[%mul3A_413, %mul3A_404], %scan3A_363#16 : memref<2x64xf32, #tpu.memory_space<vmem>>[vector<16xi32>, vector<16xi32>], vector<16xf32>,
    tpu.vector_store_idx %arg9[%mul3A_413, %add3A_410], %scan3A_363#17 : memref<2x64xf32, #tpu.memory_space<vmem>>[vector<16xi32>, vector<16xi32>], vector<16xf32>,
    %add3A_420 = arith.constant 32 : i32
    %add3A_421 = vector.broadcast %add3A_420 : i32 to vector<16xi32>
    %add3A_422 = arith.addi %mul3A_404, %add3A_421 : vector<16xi32>
    tpu.vector_store_idx %arg9[%mul3A_413, %add3A_422], %scan3A_363#18 : memref<2x64xf32, #tpu.memory_space<vmem>>[vector<16xi32>, vector<16xi32>], vector<16xf32>,
    %add3A_423 = arith.constant 32 : i32
    %add3A_424 = vector.broadcast %add3A_423 : i32 to vector<16xi32>
    %add3A_425 = arith.addi %add3A_410, %add3A_424 : vector<16xi32>
    tpu.vector_store_idx %arg9[%mul3A_413, %add3A_425], %scan3A_363#19 : memref<2x64xf32, #tpu.memory_space<vmem>>[vector<16xi32>, vector<16xi32>], vector<16xf32>,
    tpu.vector_store_idx %arg9[%add3A_419, %mul3A_404], %scan3A_363#20 : memref<2x64xf32, #tpu.memory_space<vmem>>[vector<16xi32>, vector<16xi32>], vector<16xf32>,
    tpu.vector_store_idx %arg9[%add3A_419, %add3A_410], %scan3A_363#21 : memref<2x64xf32, #tpu.memory_space<vmem>>[vector<16xi32>, vector<16xi32>], vector<16xf32>,
    %add3A_426 = arith.constant 32 : i32
    %add3A_427 = vector.broadcast %add3A_426 : i32 to vector<16xi32>
    %add3A_428 = arith.addi %mul3A_404, %add3A_427 : vector<16xi32>
    tpu.vector_store_idx %arg9[%add3A_419, %add3A_428], %scan3A_363#22 : memref<2x64xf32, #tpu.memory_space<vmem>>[vector<16xi32>, vector<16xi32>], vector<16xf32>,
    %add3A_429 = arith.constant 32 : i32
    %add3A_430 = vector.broadcast %add3A_429 : i32 to vector<16xi32>
    %add3A_431 = arith.addi %add3A_410, %add3A_430 : vector<16xi32>
    tpu.vector_store_idx %arg9[%add3A_419, %add3A_431], %scan3A_363#23 : memref<2x64xf32, #tpu.memory_space<vmem>>[vector<16xi32>, vector<16xi32>], vector<16xf32>,
    "tpu.region"() ({
      %run_scoped3A = tpu.sem_alloc : memref<!tpu.dma_semaphore, #tpu.memory_space<semaphore_mem>>
      %dma_start3A_432 = arith.constant 0 : i32
      %dma_start3A_433 = tpu.memref_slice %arg5[%select_n3A, %dma_start3A_432, %mul3A_32] : memref<8x2x256xf32, #tpu.memory_space<hbm>> -> memref<1x2x64xf32, #tpu.memory_space<hbm>>
      %dma_start3A_434 = tpu.memref_squeeze %dma_start3A_433 : memref<1x2x64xf32, #tpu.memory_space<hbm>> -> memref<2x64xf32, #tpu.memory_space<hbm>>
      %dma_start3A_435 = arith.constant 0 : i32
      %dma_start3A_436 = tpu.memref_slice %arg5[%select_n3A, %dma_start3A_435, %mul3A_32] : memref<8x2x256xf32, #tpu.memory_space<hbm>> -> memref<1x2x64xf32, #tpu.memory_space<hbm>>
      %dma_start3A_437 = tpu.memref_squeeze %dma_start3A_436 : memref<1x2x64xf32, #tpu.memory_space<hbm>> -> memref<2x64xf32, #tpu.memory_space<hbm>>
      tpu.enqueue_dma source(%arg9 : memref<2x64xf32, #tpu.memory_space<vmem>>) target(%dma_start3A_437 : memref<2x64xf32, #tpu.memory_space<hbm>>) target_semaphore(%run_scoped3A : memref<!tpu.dma_semaphore, #tpu.memory_space<semaphore_mem>>)
      %dma_wait3A_438 = arith.constant 0 : i32
      %dma_wait3A_439 = tpu.memref_slice %arg5[%select_n3A, %dma_wait3A_438, %mul3A_32] : memref<8x2x256xf32, #tpu.memory_space<hbm>> -> memref<1x2x64xf32, #tpu.memory_space<hbm>>
      %dma_wait3A_440 = tpu.memref_squeeze %dma_wait3A_439 : memref<1x2x64xf32, #tpu.memory_space<hbm>> -> memref<2x64xf32, #tpu.memory_space<hbm>>
      %dma_wait3A_441 = arith.constant 0 : i32
      %dma_wait3A_442 = tpu.memref_slice %arg5[%select_n3A, %dma_wait3A_441, %mul3A_32] : memref<8x2x256xf32, #tpu.memory_space<hbm>> -> memref<1x2x64xf32, #tpu.memory_space<hbm>>
      %dma_wait3A_443 = tpu.memref_squeeze %dma_wait3A_442 : memref<1x2x64xf32, #tpu.memory_space<hbm>> -> memref<2x64xf32, #tpu.memory_space<hbm>>
      tpu.wait_dma2 semaphore(%run_scoped3A : memref<!tpu.dma_semaphore, #tpu.memory_space<semaphore_mem>>) src(%arg9 : memref<2x64xf32, #tpu.memory_space<vmem>>) dst(%dma_wait3A_443 : memref<2x64xf32, #tpu.memory_space<hbm>>)
      tpu.yield
    }) : () -> ()
    return
  }
}

module attributes {stable_mosaic.version = 14 : i64} {
  func.func @_mm_body(%arg0: i32, %arg1: memref<8192x256xf32, #tpu.memory_space<vmem>>, %arg2: memref<256x256xf32, #tpu.memory_space<vmem>>, %arg3: memref<8192x256xbf16, #tpu.memory_space<vmem>>) attributes {dimension_semantics = [#tpu.dimension_semantics<arbitrary>], iteration_bounds = array<i64: 2>, scalar_prefetch = 0 : i64, scratch_operands = 0 : i64, tpu.core_type = #tpu.core_type<tc>, window_params = [{transform_indices = @transform_0, window_bounds = array<i64: 8192, 256>}, {pipeline_mode = #tpu.pipeline_mode<synchronous>, transform_indices = @transform_1, window_bounds = array<i64: 256, 256>}, {transform_indices = @transform_2, window_bounds = array<i64: 8192, 256>}]} {
    %get3A = arith.constant 0 : index
    %get3A_0 = arith.constant 0 : index
    %get3A_1 = vector.load %arg1[%get3A, %get3A_0] : memref<8192x256xf32, #tpu.memory_space<vmem>>, vector<8192x256xf32>
    %convert_element_type3A = arith.truncf %get3A_1 : vector<8192x256xf32> to vector<8192x256xbf16>
    %get3A_2 = arith.constant 0 : index
    %get3A_3 = arith.constant 0 : index
    %get3A_4 = vector.load %arg2[%get3A_2, %get3A_3] : memref<256x256xf32, #tpu.memory_space<vmem>>, vector<256x256xf32>
    %convert_element_type3A_5 = arith.truncf %get3A_4 : vector<256x256xf32> to vector<256x256xbf16>
    %dot_general3A = arith.constant dense<0.000000e+00> : vector<8192x256xf32>
    %dot_general3A_6 = tpu.matmul %convert_element_type3A, %convert_element_type3A_5, %dot_general3A {dimension_numbers = #tpu.dot_dimension_numbers<[1], [1], [0], [0], [0, 0, 1, 0], [], []>, transpose_lhs_hint = false} : vector<8192x256xbf16>, vector<256x256xbf16>, vector<8192x256xf32> -> vector<8192x256xf32>
    %convert_element_type3A_7 = arith.truncf %dot_general3A_6 : vector<8192x256xf32> to vector<8192x256xbf16>
    %swap3A = arith.constant 0 : index
    %swap3A_8 = arith.constant 0 : index
    %swap3A_9 = vector.load %arg3[%swap3A, %swap3A_8] : memref<8192x256xbf16, #tpu.memory_space<vmem>>, vector<8192x256xbf16>
    tpu.vector_store %arg3[%swap3A, %swap3A_8], %convert_element_type3A_7 {strides = array<i32>} : memref<8192x256xbf16, #tpu.memory_space<vmem>>, vector<8192x256xbf16>,
    return
  }
  func.func @transform_0(%arg0: i32) -> (i32, i32) {
    %c0_i32 = arith.constant 0 : i32
    %c0_i32_0 = arith.constant 0 : i32
    return %arg0, %c0_i32 : i32, i32
  }
  func.func @transform_1(%arg0: i32) -> (i32, i32) {
    %c0_i32 = arith.constant 0 : i32
    %c0_i32_0 = arith.constant 0 : i32
    %c0_i32_1 = arith.constant 0 : i32
    return %c0_i32, %c0_i32_0 : i32, i32
  }
  func.func @transform_2(%arg0: i32) -> (i32, i32) {
    %c0_i32 = arith.constant 0 : i32
    %c0_i32_0 = arith.constant 0 : i32
    return %arg0, %c0_i32 : i32, i32
  }
}

module attributes {stable_mosaic.version = 14 : i64} {
  func.func @_bn_body(%arg0: i32, %arg1: memref<4096x256xbf16, #tpu.memory_space<vmem>>, %arg2: memref<8x2x256xf32, #tpu.memory_space<vmem>>, %arg3: memref<1x256xf32, #tpu.memory_space<vmem>>, %arg4: memref<1x256xf32, #tpu.memory_space<vmem>>, %arg5: memref<4096x256xf32, #tpu.memory_space<vmem>>) attributes {dimension_semantics = [#tpu.dimension_semantics<arbitrary>], iteration_bounds = array<i64: 4>, scalar_prefetch = 0 : i64, scratch_operands = 0 : i64, tpu.core_type = #tpu.core_type<tc>, window_params = [{transform_indices = @transform_0, window_bounds = array<i64: 4096, 256>}, {pipeline_mode = #tpu.pipeline_mode<synchronous>, transform_indices = @transform_1, window_bounds = array<i64: 8, 2, 256>}, {pipeline_mode = #tpu.pipeline_mode<synchronous>, transform_indices = @transform_2, window_bounds = array<i64: 1, 256>}, {pipeline_mode = #tpu.pipeline_mode<synchronous>, transform_indices = @transform_3, window_bounds = array<i64: 1, 256>}, {transform_indices = @transform_4, window_bounds = array<i64: 4096, 256>}]} {
    %get3A = arith.constant 0 : index
    %get3A_0 = arith.constant 0 : index
    %get3A_1 = arith.constant 0 : index
    %get3A_2 = vector.load %arg2[%get3A, %get3A_0, %get3A_1] : memref<8x2x256xf32, #tpu.memory_space<vmem>>, vector<8x2x256xf32>
    %reduce_sum3A = arith.constant dense<0.000000e+00> : vector<2x256xf32>
    %reduce_sum3A_3 = vector.multi_reduction <add>, %get3A_2, %reduce_sum3A [0] : vector<8x2x256xf32> to vector<2x256xf32>
    %slice3A = vector.extract_strided_slice %reduce_sum3A_3 {offsets = [0, 0], sizes = [1, 256], strides = [1, 1]} : vector<2x256xf32> to vector<1x256xf32>
    %div3A = arith.constant 1.638400e+04 : f32
    %div3A_4 = vector.broadcast %div3A : f32 to vector<1x256xf32>
    %div3A_5 = arith.divf %slice3A, %div3A_4 : vector<1x256xf32>
    %slice3A_6 = vector.extract_strided_slice %reduce_sum3A_3 {offsets = [1, 0], sizes = [1, 256], strides = [1, 1]} : vector<2x256xf32> to vector<1x256xf32>
    %div3A_7 = arith.constant 1.638400e+04 : f32
    %div3A_8 = vector.broadcast %div3A_7 : f32 to vector<1x256xf32>
    %div3A_9 = arith.divf %slice3A_6, %div3A_8 : vector<1x256xf32>
    %mul3A = arith.mulf %div3A_5, %div3A_5 : vector<1x256xf32>
    %sub3A = arith.subf %div3A_9, %mul3A : vector<1x256xf32>
    %add3A = arith.constant 9.99999974E-6 : f32
    %add3A_10 = vector.broadcast %add3A : f32 to vector<1x256xf32>
    %add3A_11 = arith.addf %sub3A, %add3A_10 : vector<1x256xf32>
    %rsqrt3A = math.rsqrt %add3A_11 : vector<1x256xf32>
    %get3A_12 = arith.constant 0 : index
    %get3A_13 = arith.constant 0 : index
    %get3A_14 = vector.load %arg1[%get3A_12, %get3A_13] : memref<4096x256xbf16, #tpu.memory_space<vmem>>, vector<4096x256xbf16>
    %convert_element_type3A = arith.extf %get3A_14 : vector<4096x256xbf16> to vector<4096x256xf32>
    %sub3A_15 = vector.broadcast %div3A_5 : vector<1x256xf32> to vector<4096x256xf32>
    %sub3A_16 = arith.subf %convert_element_type3A, %sub3A_15 : vector<4096x256xf32>
    %get3A_17 = arith.constant 0 : index
    %get3A_18 = arith.constant 0 : index
    %get3A_19 = vector.load %arg3[%get3A_17, %get3A_18] : memref<1x256xf32, #tpu.memory_space<vmem>>, vector<1x256xf32>
    %mul3A_20 = arith.mulf %rsqrt3A, %get3A_19 : vector<1x256xf32>
    %mul3A_21 = vector.broadcast %mul3A_20 : vector<1x256xf32> to vector<4096x256xf32>
    %mul3A_22 = arith.mulf %sub3A_16, %mul3A_21 : vector<4096x256xf32>
    %get3A_23 = arith.constant 0 : index
    %get3A_24 = arith.constant 0 : index
    %get3A_25 = vector.load %arg4[%get3A_23, %get3A_24] : memref<1x256xf32, #tpu.memory_space<vmem>>, vector<1x256xf32>
    %add3A_26 = vector.broadcast %get3A_25 : vector<1x256xf32> to vector<4096x256xf32>
    %add3A_27 = arith.addf %mul3A_22, %add3A_26 : vector<4096x256xf32>
    %swap3A = arith.constant 0 : index
    %swap3A_28 = arith.constant 0 : index
    %swap3A_29 = vector.load %arg5[%swap3A, %swap3A_28] : memref<4096x256xf32, #tpu.memory_space<vmem>>, vector<4096x256xf32>
    tpu.vector_store %arg5[%swap3A, %swap3A_28], %add3A_27 {strides = array<i32>} : memref<4096x256xf32, #tpu.memory_space<vmem>>, vector<4096x256xf32>,
    return
  }
  func.func @transform_0(%arg0: i32) -> (i32, i32) {
    %c0_i32 = arith.constant 0 : i32
    %c0_i32_0 = arith.constant 0 : i32
    return %arg0, %c0_i32 : i32, i32
  }
  func.func @transform_1(%arg0: i32) -> (i32, i32, i32) {
    %c0_i32 = arith.constant 0 : i32
    %c0_i32_0 = arith.constant 0 : i32
    %c0_i32_1 = arith.constant 0 : i32
    %c0_i32_2 = arith.constant 0 : i32
    return %c0_i32, %c0_i32_0, %c0_i32_1 : i32, i32, i32
  }
  func.func @transform_2(%arg0: i32) -> (i32, i32) {
    %c0_i32 = arith.constant 0 : i32
    %c0_i32_0 = arith.constant 0 : i32
    %c0_i32_1 = arith.constant 0 : i32
    return %c0_i32, %c0_i32_0 : i32, i32
  }
  func.func @transform_3(%arg0: i32) -> (i32, i32) {
    %c0_i32 = arith.constant 0 : i32
    %c0_i32_0 = arith.constant 0 : i32
    %c0_i32_1 = arith.constant 0 : i32
    return %c0_i32, %c0_i32_0 : i32, i32
  }
  func.func @transform_4(%arg0: i32) -> (i32, i32) {
    %c0_i32 = arith.constant 0 : i32
    %c0_i32_0 = arith.constant 0 : i32
    return %arg0, %c0_i32 : i32, i32
  }
}

</mosaic_0001>

<sc_bundles>
// kernel: kernel.5.cloned.1.call-start
scs
__scs_entry_jumppad:
0x0: {  	(pc) =	sbr.rel $0x88, $3  }
0x1: {  	(tag) =	ssettag $0x0;
	lr =	simm.s32 $0x1  }
0x2: {  	[smem:$0x3F9C] =	sst lr;
	_ =	strace $0xD0000000  }
0x3: {  	_ = 	snop  }
0x4: {  	_ = 	snop  }
0x5: {  	_ = 	snop  }
0x6: {  	_ = 	snop  }
0x7: {  	_ = 	snop  }
__scs_overlays_trampoline_lowered:
0x8: {  	[smem:$0x3FAB] =	sst s0  }
0x9: {  	[smem:$0x3FAC] =	sst s1  }
0xa: {  	[smem:$0x3FAD] =	sst s2  }
0xb: {  	[smem:$0x3FAE] =	sst s3  }
0xc: {  	[smem:$0x3FAF] =	sst s4  }
0xd: {  	[smem:$0x3FB0] =	sst s5  }
0xe: {  	[smem:$0x3FB1] =	sst s6  }
0xf: {  	[smem:$0x3FB2] =	sst s7  }
0x10: {  	[smem:$0x3FB3] =	sst s8  }
0x11: {  	[smem:$0x3FB4] =	sst s9;
	s0 =	simm.s32 @!p0 $0x0  }
0x12: {  	s1 =	sld [smem:$0x3F9A];
	s0 =	simm.s32 @p0 $0x1  }
0x13: {  	[smem:$0x3FB5] =	sst s0;
	s0 =	simm.s32 @!p1 $0x0  }
0x14: {  	s2 =	sld [smem:$0x3F99];
	s0 =	simm.s32 @p1 $0x1  }
0x15: {  	[smem:$0x3FB6] =	sst s0;
	s0 =	simm.s32 @!p2 $0x0  }
0x16: {  	s3 =	sld [smem:$0x3FDB];
	s0 =	simm.s32 @p2 $0x1  }
0x17: {  	s4 =	simm.s32 $0x1BF5;
	[smem:$0x3FB8] =	sst s0  }
0x18: {  	s0 =	sld [smem:$0x3F9B];
	_ =	swait.ge [sflag:s4], $0x0  }
0x19: {  	s7 =	sld [smem:$0x3F9C]  }
0x1a: {  	s8 =	sadd.s32 $0xFFFFE003, lr  }
0x1b: {  	s9 =	sadd.s32 $0xFFFFFEF7, lr;
	s5 =	simm.s32 $0xFFFFFFFF;
	p2 =	slt.u32 s8, $0xFFFFF086  }
0x1c: {  	p1 =	slt.u32 s9, $0xF7A;
	s5 =	simm.s32 @!p2 $0x0  }
0x1d: {  	s5 =	simm.s32 @p1 $0x1;
	p0 =	seq.s32 s7, s2  }
0x1e: {  	s7 =	smul.u32 @!p0 $0xF7A, s2;
	p2 =	seq.s32 @!p0 s5, $0x0  }
0x1f: {  	s9 =	smul.u32 $0xF7A, s1;
	s8 =	simm.s32 @!p0 $0x1BF5;
	p2 =	por !p2, p0  }
0x20: {  	[sflag:s8] =	ssyncset.s32 @!p0 $0xFFFFF086;
	s6 =	sadd.s32 @!p0 s3, s7;
	s7 =	simm.s32 @!p0 $0x108  }
0x21: {  	s3 =	sadd.s32 s3, s9;
	s6 =	sadd.s32 @!p0 $0x88, s6;
	s7 =	simm.s32 @p2 $0x1082  }
0x22: {  	[simem:s7], [sflag:s8] =	dma.local @!p0 [hbm:s6], $0xF7A  }
0x23: {  	s9 =	sor.u32 $0xD0000000, s2;
	s6 =	simm.s32 $0x108;
	_ =	swait.ge @!p0 [sflag:s8], $0x0  }
0x24: {  	s3 =	sadd.s32 $0x88, s3;
	s6 =	simm.s32 @!p1 $0x1082;
	[sflag:s4] =	ssyncset.s32 $0xFFFFF086  }
0x25: {  	[simem:s6], [sflag:s4] =	dma.local [hbm:s3], $0xF7A  }
0x26: {  	[smem:$0x3F9C] =	sst s1;
	(tag) =	ssettag s2;
	_ =	strace s9  }
0x27: {  	s1 =	sld [smem:$0x3FAC]  }
0x28: {  	s2 =	sld [smem:$0x3FAD]  }
0x29: {  	s4 =	sld [smem:$0x3FAF]  }
0x2a: {  	p0 =	seq.s32 s5, $0x0;
	s5 =	sld [smem:$0x3FB0]  }
0x2b: {  	s6 =	sld [smem:$0x3FB1]  }
0x2c: {  	s7 =	sld [smem:$0x3FB2]  }
0x2d: {  	s3 =	simm.s32 $0x108;
	s8 =	sld [smem:$0x3FB3]  }
0x2e: {  	s3 =	simm.s32 @!p0 $0x1082;
	s9 =	sld [smem:$0x3FB4]  }
0x2f: {  	lr =	sadd.s32 s0, s3;
	s0 =	sld [smem:$0x3FAB]  }
0x30: {  	s3 =	sld [smem:$0x3FAE]  }
0x31: {  	[smem:$0x3FB7] =	sst s10  }
0x32: {  	s10 =	sld [smem:$0x3FB5];
	_ =	sdelay $0x3  }
0x33: {  	p0 =	seq.s32 s10, $0x1;
	s10 =	sld [smem:$0x3FB7];
	_ =	sdelay $0x3  }
0x34: {  	[smem:$0x3FB7] =	sst s10  }
0x35: {  	s10 =	sld [smem:$0x3FB6];
	_ =	sdelay $0x3  }
0x36: {  	p1 =	seq.s32 s10, $0x1;
	s10 =	sld [smem:$0x3FB7];
	_ =	sdelay $0x3  }
0x37: {  	[smem:$0x3FB7] =	sst s10  }
0x38: {  	s10 =	sld [smem:$0x3FB8]  }
0x39: {  	_ = 	snop;
	(pc) =	sbr.ind lr, $3  }
0x3a: {  	_ = 	snop  }
0x3b: {  	_ = 	snop  }
0x3c: {  	p2 =	seq.s32 s10, $0x1;
	s10 =	sld [smem:$0x3FB7]  }
0x3d: {  	_ =	shalt  }
0x3e: {  	_ =	shalt  }
0x3f: {  	_ =	shalt  }
0x40: {  	_ =	shalt  }
0x41: {  	_ =	shalt  }
0x42: {  	_ =	shalt  }
0x43: {  	_ =	shalt  }
0x44: {  	_ =	shalt  }
0x45: {  	_ =	shalt  }
0x46: {  	_ =	shalt  }
0x47: {  	_ =	shalt  }
0x48: {  	_ =	shalt  }
0x49: {  	_ =	shalt  }
0x4a: {  	_ =	shalt  }
0x4b: {  	_ =	shalt  }
0x4c: {  	_ =	shalt  }
0x4d: {  	_ =	shalt  }
0x4e: {  	_ =	shalt  }
0x4f: {  	_ =	shalt  }
0x50: {  	_ =	shalt  }
0x51: {  	_ =	shalt  }
0x52: {  	_ =	shalt  }
0x53: {  	_ =	shalt  }
0x54: {  	_ =	shalt  }
0x55: {  	_ =	shalt  }
0x56: {  	_ =	shalt  }
0x57: {  	_ =	shalt  }
0x58: {  	_ =	shalt  }
0x59: {  	_ =	shalt  }
0x5a: {  	_ =	shalt  }
0x5b: {  	_ =	shalt  }
0x5c: {  	_ =	shalt  }
0x5d: {  	_ =	shalt  }
0x5e: {  	_ =	shalt  }
0x5f: {  	_ =	shalt  }
0x60: {  	_ =	shalt  }
0x61: {  	_ =	shalt  }
0x62: {  	_ =	shalt  }
0x63: {  	_ =	shalt  }
0x64: {  	_ =	shalt  }
0x65: {  	_ =	shalt  }
0x66: {  	_ =	shalt  }
0x67: {  	_ =	shalt  }
0x68: {  	_ =	shalt  }
0x69: {  	_ =	shalt  }
0x6a: {  	_ =	shalt  }
0x6b: {  	_ =	shalt  }
0x6c: {  	_ =	shalt  }
0x6d: {  	_ =	shalt  }
0x6e: {  	_ =	shalt  }
0x6f: {  	_ =	shalt  }
0x70: {  	_ =	shalt  }
0x71: {  	_ =	shalt  }
0x72: {  	_ =	shalt  }
0x73: {  	_ =	shalt  }
0x74: {  	_ =	shalt  }
0x75: {  	_ =	shalt  }
0x76: {  	_ =	shalt  }
0x77: {  	_ =	shalt  }
0x78: {  	_ =	shalt  }
0x79: {  	_ =	shalt  }
0x7a: {  	_ =	shalt  }
0x7b: {  	_ =	shalt  }
0x7c: {  	_ =	shalt  }
0x7d: {  	_ =	shalt  }
0x7e: {  	_ =	shalt  }
0x7f: {  	_ =	shalt  }
0x80: {  	_ =	shalt  }
0x81: {  	_ =	shalt  }
0x82: {  	_ =	shalt  }
0x83: {  	_ =	shalt  }
0x84: {  	_ =	shalt  }
0x85: {  	_ =	shalt  }
0x86: {  	_ =	shalt  }
0x87: {  	_ =	shalt  }
.Lfunc_end0:
.L_simem_size_0:
called_computation_lowered:
.L_overlay_start_0:
0x88: {  	s2 =	sld [smem:$0x3FD9]  }
0x89: {  	s3 =	sld [smem:$0x3FFE];
	_ =	sdelay $0x1  }
0x8a: {  	s1 =	srdreg.scid  }
0x8b: {  	s0 =	sand.u32 $0x1, s1  }
0x8c: {  	s17 =	sshll.u32 s0, $0xA;
	s2 =	sadd.s32 s3, s2  }
0x8d: {  	s2 =	sadd.s32 s2, s17  }
0x8e: {  	[smem:$0x3FC3] =	sst s2  }
0x8f: {  	_ = 	snop  }
0x90: {  	s2 =	sld [smem:$0x3FD0];
	(tm) =	ssettm $0x1  }
0x91: {  	s18 =	sld [smem:$0x3FFB];
	_ =	sdelay $0x3  }
0x92: {  	_ =	strace s18  }
0x93: {  	s3 =	sld [smem:$0x3FFC];
	_ =	sdelay $0x3  }
0x94: {  	_ =	strace s3  }
0x95: {  	s3 =	sld [smem:$0x3FFD];
	_ =	sdelay $0x3  }
0x96: {  	_ =	strace s3  }
0x97: {  	_ =	strace $0x8FFFFFFF  }
0x98: {  	s19 =	sld [smem:$0x3FDB];
	_ =	sdelay $0x1  }
0x99: {  	s4 =	simm.s32 $_scs_section_size  }
0x9a: {  	s5 =	simm.s32 $_size__tile_overlayer_lowered;
	s6 =	simm.s32 $_tile_overlayer_lowered  }
0x9b: {  	s22 =	simm.s32 $0x1BFF;
	s21 =	sshll.u32 s6, $0x1;
	s3 =	sadd.s32 s4, s19  }
0x9c: {  	s7 =	simm.s32 $0x0;
	s20 =	sshll.u32 s5, $0x1;
	s5 =	sadd.s32 s21, s3  }
0x9d: {  	[timem:s7], [sflag:s22] =	dma.local [hbm:s5], s20  }
0x9e: {  	_ =	swait.ge [sflag:s22], s20  }
0x9f: {  	s4 =	ssub.s32 $0x0, s20;
	[sflag:s22] =	ssyncset.done $0x0  }
0xa0: {  	[sflag:s22] =	ssyncadd.s32 s4;
	_ =	sdelay $0x1  }
0xa1: {  	s23 =	simm.s32 $0x1B8B  }
0xa2: {  	_ =	swait.ge [sflag:s23], $0x1  }
0xa3: {  	[sflag:s23] =	ssyncset.done $0x0  }
0xa4: {  	s25 =	simm.s32 $0x1B8E;
	s24 =	sld [smem:$0x3FFE];
	[sflag:s23] =	ssyncadd.s32 $0xFFFFFFFF  }
0xa5: {  	s26 =	simm.s32 $execute0_lowered;
	[smem:$0x3FD2] =	sst s25  }
0xa6: {  	s5 =	sshll.u32 s26, $0x1;
	_ =	strace $0x80000046;
	[dreg:$0x1] =	wrdreg $0xFFFFFFFF  }
0xa7: {  	s28 =	simm.s32 $_size_execute0_lowered;
	s3 =	sadd.s32 s3, s5;
	[dreg:$0x0] =	wrdreg $0x0  }
0xa8: {  	s5 =	sshll.u32 s28, $0x1;
	[dreg:$0x2] =	wrdreg s3  }
0xa9: {  	[dreg:$0x3] =	wrdreg s5  }
0xaa: {  	[dreg:$0x4] =	wrdreg $0xC0  }
0xab: {  	_ =	task [dreg:s7], $0x5FFFF  }
0xac: {  	[dreg:$0x1] =	wrdreg $0xFFFFFFFF  }
0xad: {  	[dreg:$0x0] =	wrdreg $0x60  }
0xae: {  	[dreg:$0x2] =	wrdreg s2  }
0xaf: {  	[dreg:$0x3] =	wrdreg s24  }
0xb0: {  	[dreg:$0x4] =	wrdreg $0x9  }
0xb1: {  	_ =	task.clear_ibuf [dreg:s7], $0x5FFFF;
	_ =	strace $0x90000046  }
0xb2: {  	s29 =	simm.s32 $0x9;
	_ =	strace $0x80000048  }
0xb3: {  	_ =	swait.ge [sflag:s29], $0x1  }
0xb4: {  	[sflag:s29] =	ssyncadd.s32 $0xFFFFFFFF  }
0xb5: {  	_ =	strace $0x90000048  }
0xb6: {  	_ =	sfence  }
0xb7: {  	s30 =	sld [smem:$0x0];
	_ =	sdelay $0x2  }
0xb8: {  	s31 =	sshll.u32 s1, $0xD;
	s1 =	sshrl.u32 s1, $0x2  }
0xb9: {  	s3 =	sand.u32 $0x4000, s31;
	s1 =	sadd.s32 s1, s30  }
0xba: {  	s0 =	sor.u32 s3, s0;
	s1 =	sshll.u32 s1, $0x11  }
0xbb: {  	s0 =	sor.u32 s1, s0  }
0xbc: {  	s0 =	sadd.s32 $0x8F2B, s0  }
0xbd: {  	[sflag:s0] =	ssyncadd.remote.s32 $0x1  }
0xbe: {  	_ =	sfence.sel $0xFFFF  }
0xbf: {  	[dreg:$0x0] =	wrdreg $0xFFFFFFFF;
	(pc) =	sbr.abs _section_cstart, $3  }
0xc0: {  	[dreg:$0x1] =	wrdreg $0xFFFFFFFF  }
0xc1: {  	_ =	task.clear_ibuf [dreg:s7], $0x2FFFF;
	_ =	strace $0x9FFFFFFF  }
0xc2: {  	(tm) =	ssettm $0x7FFFFFFF  }
0xc3: {  	_ =	shalt  }
tec
execute0_lowered:
.L_overlay_start_1:
0x0: {  	(tag) =	ssettag $0x1  }
0x1: {  	s0 =	rddreg [dreg:$0x0]  }
0x2: {  	s5 =	stileid.u32;
	s1 =	rddreg [dreg:$0x1]  }
0x3: {  	s2 =	srdreg.scid;
	s29 =	simm.s32 $0x6;
	s30 =	simm.s32 $0x0  }
0x4: {  	s3 =	sshll.u32 s5, $0x1;
	s4 =	sand.u32 $0x1, s2;
	s2 =	simm.s32 $0x0  }
0x5: {  	s5 =	sshrl.u32 s5, $0x1;
	s7 =	sadd.s32 $0x1200, s1;
	s8 =	sadd.s32 $0x9200, s1  }
0x6: {  	s3 =	sand.u32 $0x2, s3;
	[smem:$0x7FF] =	sst s2;
	s6 =	sshll.u32 s5, $0x9  }
0x7: {  	s13 =	sshll.u32 s5, $0x13;
	s10 =	sshll.u32 s5, $0xB;
	s15 =	sshll.u32 s5, $0xC  }
0x8: {  	s3 =	sor.u32 s4, s3;
	_ =	strace $0x80000047;
	s4 =	ssub.s32 $0x2, s4  }
0x9: {  	s14 =	sor.u32 $0x200, s10;
	s18 =	sor.u32 $0x400, s10;
	s23 =	sor.u32 $0x600, s10  }
0xa: {  	s3 =	sshll.u32 s3, $0x6;
	s9 =	sshrl.u32 s4, $0x1;
	s16 =	sshll.u32 s14, $0x1  }
0xb: {  	s20 =	sshll.u32 s18, $0x1;
	s21 =	sshll.u32 s14, $0x8;
	s24 =	sshll.u32 s23, $0x8  }
0xc: {  	s25 =	sshll.u32 s23, $0x1;
	s14 =	simm.s32 $0x20;
	s23 =	simm.s32 $0x4  }
0xd: {  	s6 =	sor.u32 s6, s3;
	s4 =	ssub.s32 s4, s9;
	s17 =	sadd.s32 s7, s16  }
0xe: {  	s5 =	sadd.s32 s7, s20;
	s22 =	sor.u32 s3, s21;
	[dreg:$0x5] =	wrdreg s17  }
0xf: {  	s21 =	simm.s32 $0x3;
	s6 =	sshrl.u32 s6, $0x3;
	[dreg:$0x7] =	wrdreg s5  }
0x10: {  	s5 =	sshrl.u32 s22, $0x4;
	s31 =	smax.u32 s4, $0x1;
	s17 =	simm.s32 $0x1  }
0x11: {  	s1 =	sadd.s32 s6, s1;
	s6 =	sor.u32 s13, s3;
	s5 =	sadd.s32 s8, s5  }
0x12: {  	[dreg:$0xd] =	wrdreg s31;
	s13 =	simm.s32 $0x10000;
	s6 =	sshrl.u32 s6, $0x4  }
0x13: {  	[dreg:$0x8] =	wrdreg s5;
	s5 =	sadd.s32 s7, s25;
	s0 =	sadd.s32 s0, s6  }
0x14: {  	s28 =	sadd.s32 $0x49200, s1;
	[dreg:$0x3] =	wrdreg s0;
	s0 =	sadd.s32 s7, s15  }
0x15: {  	s25 =	simm.s32 $0x1C020;
	[dreg:$0x4] =	wrdreg s0;
	s0 =	sshll.u32 s18, $0x8  }
0x16: {  	s19 =	sadd.s32 s8, s6;
	[dreg:$0x9] =	wrdreg s5;
	s0 =	sor.u32 s3, s0  }
0x17: {  	[dreg:$0xc] =	wrdreg s28;
	s3 =	sor.u32 s3, s24;
	s0 =	sshrl.u32 s0, $0x4  }
0x18: {  	[dreg:$0x6] =	wrdreg s19;
	s3 =	sshrl.u32 s3, $0x4;
	s0 =	sadd.s32 s8, s0  }
0x19: {  	v0 =	vlaneseq.u32;
	s15 =	simm.s32 $0x80;
	s26 =	sadd.s32 s8, s3;
	[dreg:$0xa] =	wrdreg s0  }
0x1a: {  	v0 =	vmul.u32 $0x2, v0;
	s18 =	simm.s32 $0x2;
	s24 =	simm.s32 $0x5;
	[dreg:$0xb] =	wrdreg s26  }
.LBB2_1:
0x1b: {  	s0 =	rddreg [dreg:$0x3]  }
0x1c: {  	[tilespmem:s2], [sflag:$0x1] =	stream.strided.gather [hbm4b:s0+s14], $0x10000, s15, s14, $0x38;
	[tilespmem:$0x1C0A0] =	vst v63  }
0x1d: {  	s16 =	rddreg [dreg:$0x4]  }
0x1e: {  	[tilespmem:s13], [sflag:$0x2] =	stream.linear.gather [hbm4b:s16+s2], $0x2000, $0x38;
	[tilespmem:$0x1C0A0] =	vst v63  }
0x1f: {  	_ =	swait.ge [sflag:s17], $0x10000  }
0x20: {  	[sflag:s17] =	ssyncset.done $0x0  }
0x21: {  	[sflag:s17] =	ssyncadd.s32 $0xFFFF0000  }
0x22: {  	_ =	swait.ge [sflag:s18], $0x2000  }
0x23: {  	[sflag:s18] =	ssyncset.done $0x0  }
0x24: {  	s1 =	simm.s32 $0x12010;
	s19 =	rddreg [dreg:$0x5];
	[sflag:s18] =	ssyncadd.s32 $0xFFFFE000  }
0x25: {  	[tilespmem:s1], [sflag:$0x3] =	stream.linear.gather [hbm4b:s19+s2], $0x2000, $0x38;
	[tilespmem:$0x1C0A0] =	vst v63  }
0x26: {  	v1 =	vld [tilespmem:$0x10000];
	_ =	sdelay $0x4  }
0x27: {  	(v2sf) =	vpush v1, $0x0  }
0x28: {  	(v2sf) =	vpush v1, $0x1  }
0x29: {  	(v2sf) =	vpush v1, $0x2  }
0x2a: {  	(v2sf) =	vpush v1, $0x3  }
0x2b: {  	(v2sf) =	vpush v1, $0x4  }
0x2c: {  	(v2sf) =	vpush v1, $0x5  }
0x2d: {  	(v2sf) =	vpush v1, $0x6  }
0x2e: {  	(v2sf) =	vpush v1, $0x7  }
0x2f: {  	(v2sf) =	vpush v1, $0x8;
	_ =	sdelay $0x5  }
0x30: {  	(v2sf) =	vpush v1, $0x9  }
0x31: {  	(v2sf) =	vpush v1, $0xA;
	s3 =	spop (v2sf)  }
0x32: {  	(v2sf) =	vpush v1, $0xB;
	s4 =	spop (v2sf)  }
0x33: {  	(v2sf) =	vpush v1, $0xC;
	s5 =	spop (v2sf)  }
0x34: {  	(v2sf) =	vpush v1, $0xD;
	s6 =	spop (v2sf)  }
0x35: {  	(v2sf) =	vpush v1, $0xE;
	s20 =	spop (v2sf)  }
0x36: {  	(v2sf) =	vpush v1, $0xF;
	s7 =	spop (v2sf)  }
0x37: {  	s5 =	sshll.u32 s5, $0x7;
	s8 =	spop (v2sf)  }
0x38: {  	s6 =	sshll.u32 s6, $0x7;
	s5 =	sshra.s32 s5, $0x2;
	s9 =	spop (v2sf)  }
0x39: {  	s6 =	sshra.s32 s6, $0x2;
	v23 =	vld [tilespmem:s5+$0x0];
	s11 =	spop (v2sf)  }
0x3a: {  	v21 =	vld [tilespmem:s6+$0x0];
	s1 =	sshll.u32 s11, $0x7  }
0x3b: {  	s7 =	sshll.u32 s7, $0x7;
	v22 =	vld [tilespmem:s6+$0x10];
	s16 =	sshra.s32 s1, $0x2;
	s1 =	simm.s32 $0x10010  }
0x3c: {  	s8 =	sshll.u32 s8, $0x7;
	s7 =	sshra.s32 s7, $0x2;
	v14 =	vld [tilespmem:s1+$0x0]  }
0x3d: {  	s8 =	sshra.s32 s8, $0x2;
	v17 =	vld [tilespmem:s7+$0x0]  }
0x3e: {  	s0 =	simm.s32 $0x80;
	s3 =	sshll.u32 s3, $0x7;
	s4 =	sshll.u32 s4, $0x7;
	v13 =	vld [tilespmem:s8+$0x0]  }
0x3f: {  	s12 =	sshll.u32 s20, $0x7;
	s9 =	sshll.u32 s9, $0x7;
	s19 =	spop (v2sf);
	v16 =	vld [tilespmem:s8+$0x10]  }
0x40: {  	s9 =	sshra.s32 s9, $0x2;
	s22 =	spop (v2sf);
	s20 =	sshll.u32 s19, $0x7;
	v9 =	vld [tilespmem:s16+$0x0]  }
0x41: {  	s19 =	sshra.s32 s4, $0x2;
	s26 =	spop (v2sf);
	v11 =	vld [tilespmem:s16+$0x10];
	s16 =	sshra.s32 s12, $0x2;
	(v2sf) =	vpush v14, $0x0  }
0x42: {  	s20 =	sshra.s32 s20, $0x2;
	s8 =	sshll.u32 s22, $0x7;
	s28 =	spop (v2sf);
	v19 =	vld [tilespmem:s16+$0x0];
	(v2sf) =	vpush v14, $0x2  }
0x43: {  	v20 =	vld [tilespmem:s16+$0x10];
	s16 =	sshra.s32 s3, $0x2;
	s12 =	sshll.u32 s26, $0x7;
	s31 =	spop (v2sf);
	(v2sf) =	vpush v14, $0x3  }
0x44: {  	v2 =	vimm.f32 $0.0e+00;
	v3 =	vimm.f32 $0.0e+00;
	v10 =	vld [tilespmem:s9+$0x0];
	s4 =	sshra.s32 s8, $0x2;
	s11 =	sshll.u32 s28, $0x7;
	s10 =	spop (v2sf);
	(v2sf) =	vpush v14, $0x4  }
0x45: {  	v4 =	vimm.f32 $0.0e+00;
	v5 =	vimm.f32 $0.0e+00;
	v15 =	vld [tilespmem:s9+$0x10];
	s3 =	sshra.s32 s12, $0x2;
	s22 =	sshll.u32 s31, $0x7;
	s9 =	spop (v2sf);
	(v2sf) =	vpush v14, $0x5  }
0x46: {  	v6 =	vimm.f32 $0.0e+00;
	v7 =	vimm.f32 $0.0e+00;
	v18 =	vld [tilespmem:s7+$0x10];
	s28 =	sshra.s32 s11, $0x2;
	s31 =	sshra.s32 s22, $0x2;
	s26 =	sshll.u32 s10, $0x7;
	(v2sf) =	vpush v14, $0x7  }
0x47: {  	v8 =	vimm.f32 $0.0e+00;
	v1 =	vimm.f32 $0.0e+00;
	v12 =	vld [tilespmem:s20+$0x10];
	s6 =	sshll.u32 s9, $0x7;
	s9 =	sshra.s32 s26, $0x2;
	s26 =	simm.s32 $0x0;
	(v2sf) =	vpush v14, $0x1  }
.LBB2_2:
0x48: {  	p0 =	sne.s32 s0, $0xFF80;
	v24 =	vld [tilespmem:s5+$0x10];
	s1 =	sadd.s32 $0x10, s1;
	s5 =	smov.u32 s0  }
0x49: {  	s0 =	sadd.s32 $0x80, s0;
	v25 =	vld [tilespmem:s19+$0x10];
	(v2sf) =	vpush v14, $0xA  }
0x4a: {  	v26 =	vld [tilespmem:s19+$0x0];
	(v2sf) =	vpush v14, $0xC  }
0x4b: {  	v27 =	vld [tilespmem:s16+$0x10];
	(v2sf) =	vpush v14, $0x9  }
0x4c: {  	s8 =	sshra.s32 s26, $0x2;
	s26 =	smov.u32 s5;
	v28 =	vld [tilespmem:s16+$0x0];
	(v2sf) =	vpush v14, $0xB  }
0x4d: {  	v29 =	vld [tilespmem:s8+$0x10];
	(v2sf) =	vpush v14, $0x8  }
0x4e: {  	v30 =	vld [tilespmem:s9+$0x0];
	(v2sf) =	vpush v14, $0xD  }
0x4f: {  	v31 =	vld [tilespmem:s9+$0x10]  }
0x50: {  	v25 =	vmax.bf16 v27, v25;
	v27 =	vld [tilespmem:s20+$0x0];
	s5 =	spop (v2sf)  }
0x51: {  	v26 =	vmax.bf16 v28, v26;
	v24 =	vmax.bf16 v25, v24;
	v25 =	vld [tilespmem:s4+$0x10];
	s7 =	spop (v2sf)  }
0x52: {  	v23 =	vmax.bf16 v26, v23;
	v22 =	vmax.bf16 v24, v22;
	v24 =	vld [tilespmem:s4+$0x0];
	s4 =	spop (v2sf);
	(v2sf) =	vpush v14, $0x6  }
0x53: {  	v21 =	vmax.bf16 v23, v21;
	v20 =	vmax.bf16 v22, v20;
	v22 =	vld [tilespmem:s3+$0x10];
	s9 =	spop (v2sf);
	(v2sf) =	vpush v14, $0xE  }
0x54: {  	s10 =	sshll.u32 s9, $0x7;
	v19 =	vmax.bf16 v21, v19;
	v18 =	vmax.bf16 v20, v18;
	v20 =	vld [tilespmem:s3+$0x0];
	s3 =	sshra.s32 s6, $0x2;
	s9 =	spop (v2sf);
	(v2sf) =	vpush v14, $0xF  }
0x55: {  	s4 =	sshll.u32 s4, $0x7;
	s22 =	sshra.s32 s10, $0x2;
	v14 =	vmax.bf16 v19, v17;
	v16 =	vmax.bf16 v18, v16;
	v17 =	vld [tilespmem:s28+$0x10];
	s6 =	spop (v2sf)  }
0x56: {  	s10 =	sshll.u32 s7, $0x7;
	s7 =	sshra.s32 s4, $0x2;
	v13 =	vmax.bf16 v14, v13;
	v14 =	vmax.bf16 v16, v15;
	v15 =	vld [tilespmem:s28+$0x0];
	s4 =	spop (v2sf)  }
0x57: {  	s16 =	sshll.u32 s5, $0x7;
	s5 =	sshra.s32 s10, $0x2;
	s4 =	sshll.u32 s4, $0x7;
	v10 =	vmax.bf16 v13, v10;
	v11 =	vmax.bf16 v14, v11;
	v13 =	vld [tilespmem:s31+$0x10]  }
0x58: {  	s16 =	sshra.s32 s16, $0x2;
	s19 =	sshra.s32 s4, $0x2;
	v9 =	vmax.bf16 v10, v9;
	v10 =	vmax.bf16 v11, v12;
	v11 =	vld [tilespmem:s31+$0x0];
	s4 =	spop (v2sf)  }
0x59: {  	v9 =	vmax.bf16 v9, v27;
	v10 =	vmax.bf16 v10, v25;
	v12 =	vld [tilespmem:s3+$0x10];
	s10 =	spop (v2sf)  }
0x5a: {  	v9 =	vmax.bf16 v9, v24;
	v10 =	vmax.bf16 v10, v22;
	v14 =	vld [tilespmem:s3+$0x0];
	s3 =	spop (v2sf)  }
0x5b: {  	v9 =	vmax.bf16 v9, v20;
	v10 =	vmax.bf16 v10, v17;
	v16 =	vld [tilespmem:s8+$0x0];
	s20 =	spop (v2sf)  }
0x5c: {  	v9 =	vmax.bf16 v9, v15;
	v10 =	vmax.bf16 v10, v13;
	s28 =	spop (v2sf)  }
0x5d: {  	s4 =	sshll.u32 s4, $0x7;
	s10 =	sshll.u32 s10, $0x7;
	v9 =	vmax.bf16 v9, v11;
	v10 =	vmax.bf16 v10, v31;
	s31 =	spop (v2sf)  }
0x5e: {  	s4 =	sshra.s32 s4, $0x2;
	s3 =	sshll.u32 s3, $0x7;
	s11 =	sshll.u32 s20, $0x7;
	v9 =	vmax.bf16 v9, v30;
	v10 =	vmax.bf16 v10, v12  }
0x5f: {  	s20 =	sshra.s32 s3, $0x2;
	s28 =	sshll.u32 s28, $0x7;
	s3 =	sshra.s32 s11, $0x2;
	v9 =	vmax.bf16 v9, v14;
	v10 =	vsub.bf16 v10, v29  }
0x60: {  	s11 =	sshra.s32 s28, $0x2;
	s28 =	sshra.s32 s10, $0x2;
	s10 =	sshll.u32 s31, $0x7;
	v9 =	vsub.bf16 v9, v16  }
0x61: {  	s6 =	sshll.u32 s6, $0x7;
	s31 =	sshra.s32 s10, $0x2;
	[tilespmem:s8+$0x14030] =	vst v10;
	v11 =	vshll.u32 v10, $0x10;
	v13 =	vand.u32 $0xFFFF0000, v10;
	s10 =	spop (v2sf)  }
0x62: {  	s12 =	sshra.s32 s6, $0x2;
	[tilespmem:s8+$0x14020] =	vst v9;
	v10 =	vshll.u32 v9, $0x10;
	v14 =	vand.u32 $0xFFFF0000, v9;
	v15 =	vmul.f32 v11, v11;
	s8 =	spop (v2sf)  }
0x63: {  	v12 =	vld [tilespmem:s20+$0x10];
	v1 =	vadd.f32 v10, v1;
	v16 =	vmul.f32 v10, v10;
	v17 =	vmul.f32 v14, v14;
	s6 =	spop (v2sf)  }
0x64: {  	v2 =	vadd.f32 v14, v2;
	v9 =	vld [tilespmem:s11+$0x0];
	s6 =	sshll.u32 s6, $0x7;
	v3 =	vadd.f32 v15, v3;
	v15 =	vmul.f32 v13, v13  }
0x65: {  	s10 =	sshll.u32 s10, $0x7;
	v10 =	vld [tilespmem:s12+$0x0];
	v4 =	vadd.f32 v16, v4;
	v5 =	vadd.f32 v17, v5  }
0x66: {  	v6 =	vadd.f32 v11, v6;
	s10 =	sshra.s32 s10, $0x2;
	v14 =	vld [tilespmem:s1+$0x0];
	v7 =	vadd.f32 v15, v7  }
0x67: {  	s9 =	sshll.u32 s9, $0x7;
	v8 =	vadd.f32 v13, v8;
	s8 =	sshll.u32 s8, $0x7;
	v11 =	vld [tilespmem:s11+$0x10]  }
0x68: {  	s11 =	sshra.s32 s9, $0x2;
	s9 =	sshra.s32 s8, $0x2;
	v13 =	vld [tilespmem:s10+$0x0]  }
0x69: {  	v15 =	vld [tilespmem:s12+$0x10]  }
0x6a: {  	v17 =	vld [tilespmem:s11+$0x0]  }
0x6b: {  	v16 =	vld [tilespmem:s10+$0x10];
	(v2sf) =	vpush v14, $0x0  }
0x6c: {  	v19 =	vld [tilespmem:s22+$0x0];
	(v2sf) =	vpush v14, $0x2  }
.Ltmp0:
0x6d: {  	v18 =	vld [tilespmem:s11+$0x10];
	(v2sf) =	vpush v14, $0x3;
	(pc) =	sbr.rel @p0 .LBB2_2-.Ltmp0, $4  }
0x6e: {  	v21 =	vld [tilespmem:s7+$0x0];
	(v2sf) =	vpush v14, $0x4  }
0x6f: {  	v20 =	vld [tilespmem:s22+$0x10];
	(v2sf) =	vpush v14, $0x5  }
0x70: {  	v22 =	vld [tilespmem:s7+$0x10];
	(v2sf) =	vpush v14, $0x7  }
0x71: {  	v23 =	vld [tilespmem:s5+$0x0];
	(v2sf) =	vpush v14, $0x1  }
0x72: {  	v24 =	vld [tilespmem:s5+$0x10]  }
0x73: {  	v25 =	vld [tilespmem:s19+$0x10]  }
0x74: {  	v26 =	vld [tilespmem:s19+$0x0]  }
0x75: {  	(v2sf) =	vpush v14, $0xA;
	v27 =	vld [tilespmem:s16+$0x10]  }
0x76: {  	v28 =	vld [tilespmem:s16+$0x0];
	(v2sf) =	vpush v14, $0xC  }
0x77: {  	v30 =	vld [tilespmem:s9+$0x0];
	(v2sf) =	vpush v14, $0x9  }
0x78: {  	v31 =	vld [tilespmem:s9+$0x10];
	(v2sf) =	vpush v14, $0xB  }
0x79: {  	v59 =	vld [tilespmem:s20+$0x0];
	(v2sf) =	vpush v14, $0x8  }
0x7a: {  	v60 =	vld [tilespmem:s4+$0x10];
	(v2sf) =	vpush v14, $0xD;
	v25 =	vmax.bf16 v27, v25  }
0x7b: {  	s0 =	sshra.s32 s26, $0x2;
	v61 =	vld [tilespmem:s4+$0x0];
	v26 =	vmax.bf16 v28, v26;
	v24 =	vmax.bf16 v25, v24;
	(v2sf) =	vpush v14, $0x6  }
0x7c: {  	v29 =	vld [tilespmem:s0+$0x10];
	v23 =	vmax.bf16 v26, v23;
	v22 =	vmax.bf16 v24, v22;
	(v2sf) =	vpush v14, $0xE  }
0x7d: {  	v21 =	vmax.bf16 v23, v21;
	s1 =	spop (v2sf);
	v20 =	vmax.bf16 v22, v20;
	v22 =	vld [tilespmem:s3+$0x10];
	(v2sf) =	vpush v14, $0xF  }
0x7e: {  	v14 =	vmax.bf16 v21, v19;
	v19 =	vld [tilespmem:s3+$0x0];
	s1 =	spop (v2sf);
	v18 =	vmax.bf16 v20, v18  }
0x7f: {  	v14 =	vmax.bf16 v14, v17;
	v17 =	vld [tilespmem:s28+$0x10];
	s1 =	spop (v2sf);
	v16 =	vmax.bf16 v18, v16  }
0x80: {  	v13 =	vmax.bf16 v14, v13;
	s1 =	spop (v2sf);
	v14 =	vmax.bf16 v16, v15;
	v15 =	vld [tilespmem:s28+$0x0]  }
0x81: {  	v10 =	vmax.bf16 v13, v10;
	v13 =	vld [tilespmem:s31+$0x10];
	s1 =	spop (v2sf);
	v11 =	vmax.bf16 v14, v11  }
0x82: {  	v9 =	vmax.bf16 v10, v9;
	s1 =	sshra.s32 s6, $0x2;
	s5 =	spop (v2sf);
	v10 =	vmax.bf16 v11, v12;
	v11 =	vld [tilespmem:s31+$0x0]  }
0x83: {  	v9 =	vmax.bf16 v9, v59;
	s6 =	spop (v2sf);
	v10 =	vmax.bf16 v10, v60;
	v12 =	vld [tilespmem:s1+$0x10]  }
0x84: {  	v9 =	vmax.bf16 v9, v61;
	v14 =	vld [tilespmem:s1+$0x0];
	s7 =	spop (v2sf);
	v10 =	vmax.bf16 v10, v22  }
0x85: {  	v16 =	vld [tilespmem:s0+$0x0];
	v9 =	vmax.bf16 v9, v19;
	s8 =	spop (v2sf);
	v10 =	vmax.bf16 v10, v17  }
0x86: {  	v9 =	vmax.bf16 v9, v15;
	s9 =	spop (v2sf);
	v10 =	vmax.bf16 v10, v13  }
0x87: {  	s10 =	spop (v2sf);
	v9 =	vmax.bf16 v9, v11;
	v10 =	vmax.bf16 v10, v31  }
0x88: {  	s11 =	spop (v2sf);
	v9 =	vmax.bf16 v9, v30;
	v10 =	vmax.bf16 v10, v12  }
0x89: {  	s12 =	spop (v2sf);
	v9 =	vmax.bf16 v9, v14;
	v13 =	vsub.bf16 v10, v29  }
0x8a: {  	v17 =	vsub.bf16 v9, v16;
	s16 =	spop (v2sf)  }
0x8b: {  	[tilespmem:s0+$0x14030] =	vst v13;
	s19 =	spop (v2sf)  }
0x8c: {  	s1 =	simm.s32 $0x14020;
	[tilespmem:s0+$0x14020] =	vst v17;
	s20 =	spop (v2sf);
	s0 =	rddreg [dreg:$0x6]  }
0x8d: {  	[hbm4b:s0+s14] =	stream.strided.scatter [tilespmem:s1], [sflag:$0x4], $0x4000, s15, s14, $0x38;
	[tilespmem:$0x1C0A0] =	vst v63  }
0x8e: {  	_ =	swait.ge [sflag:s21], $0x2000  }
0x8f: {  	[sflag:s21] =	ssyncset.done $0x0  }
0x90: {  	s22 =	rddreg [dreg:$0x7];
	[sflag:s21] =	ssyncadd.s32 $0xFFFFE000  }
0x91: {  	[tilespmem:s13], [sflag:$0x2] =	stream.linear.gather [hbm4b:s22+s2], $0x2000, $0x38;
	[tilespmem:$0x1C0A0] =	vst v63  }
0x92: {  	v9 =	vld [tilespmem:$0x12010];
	_ =	sdelay $0x4  }
0x93: {  	(v2sf) =	vpush v9, $0x0  }
0x94: {  	(v2sf) =	vpush v9, $0x1  }
0x95: {  	(v2sf) =	vpush v9, $0x2;
	_ =	sdelay $0x1  }
0x96: {  	(v2sf) =	vpush v9, $0x3;
	_ =	sdelay $0x1  }
0x97: {  	(v2sf) =	vpush v9, $0x4  }
0x98: {  	(v2sf) =	vpush v9, $0x5  }
0x99: {  	(v2sf) =	vpush v9, $0x6  }
0x9a: {  	(v2sf) =	vpush v9, $0x7  }
0x9b: {  	(v2sf) =	vpush v9, $0x8  }
0x9c: {  	(v2sf) =	vpush v9, $0x9  }
0x9d: {  	(v2sf) =	vpush v9, $0xA  }
0x9e: {  	(v2sf) =	vpush v9, $0xB  }
0x9f: {  	(v2sf) =	vpush v9, $0xC  }
0xa0: {  	s3 =	spop (v2sf);
	(v2sf) =	vpush v9, $0xD  }
0xa1: {  	s4 =	spop (v2sf);
	(v2sf) =	vpush v9, $0xE  }
0xa2: {  	s5 =	spop (v2sf);
	(v2sf) =	vpush v9, $0xF;
	_ =	sdelay $0x1  }
0xa3: {  	s31 =	simm.s32 $0x12020;
	v23 =	vshll.u32 v13, $0x10;
	s6 =	spop (v2sf);
	s5 =	sshll.u32 s5, $0x7  }
0xa4: {  	v19 =	vshll.u32 v17, $0x10;
	v21 =	vmul.f32 v23, v23;
	v15 =	vld [tilespmem:s31+$0x0];
	s6 =	sshll.u32 s6, $0x7;
	s5 =	sshra.s32 s5, $0x2  }
0xa5: {  	v6 =	vadd.f32 v23, v6;
	v22 =	vmul.f32 v19, v19;
	s3 =	sshll.u32 s3, $0x7;
	s7 =	spop (v2sf);
	s6 =	sshra.s32 s6, $0x2;
	v23 =	vld [tilespmem:s5+$0x0]  }
0xa6: {  	v3 =	vadd.f32 v21, v3;
	s4 =	sshll.u32 s4, $0x7;
	s26 =	spop (v2sf);
	s7 =	sshll.u32 s7, $0x7;
	v21 =	vld [tilespmem:s6+$0x0]  }
0xa7: {  	v4 =	vadd.f32 v22, v4;
	s13 =	spop (v2sf);
	s0 =	sshll.u32 s26, $0x7;
	s7 =	sshra.s32 s7, $0x2;
	v22 =	vld [tilespmem:s6+$0x10]  }
0xa8: {  	v1 =	vadd.f32 v19, v1;
	s8 =	spop (v2sf);
	s1 =	sshll.u32 s13, $0x7;
	s26 =	sshra.s32 s0, $0x2;
	v19 =	vld [tilespmem:s7+$0x0]  }
0xa9: {  	v20 =	vand.u32 $0xFFFF0000, v17;
	s0 =	simm.s32 $0xFFFF0080;
	s16 =	spop (v2sf);
	s8 =	sshll.u32 s8, $0x7;
	v17 =	vld [tilespmem:s26+$0x0]  }
0xaa: {  	s19 =	sshra.s32 s1, $0x2;
	s1 =	simm.s32 $0xFFFF0000;
	v18 =	vld [tilespmem:s26+$0x10];
	s10 =	spop (v2sf)  }
0xab: {  	s9 =	sshll.u32 s16, $0x7;
	s8 =	sshra.s32 s8, $0x2;
	v12 =	vld [tilespmem:s19+$0x0];
	s11 =	spop (v2sf)  }
0xac: {  	(v2sf) =	vpush v15, $0x0;
	v16 =	vld [tilespmem:s19+$0x10];
	s16 =	sshra.s32 s3, $0x2;
	s9 =	sshra.s32 s9, $0x2;
	s12 =	spop (v2sf)  }
0xad: {  	(v2sf) =	vpush v15, $0x2;
	s19 =	sshra.s32 s4, $0x2;
	s10 =	sshll.u32 s10, $0x7;
	v9 =	vld [tilespmem:s9+$0x0];
	s20 =	spop (v2sf)  }
0xae: {  	v63 =	vand.u32 $0xFFFF0000, v13;
	(v2sf) =	vpush v15, $0x3;
	v11 =	vld [tilespmem:s9+$0x10];
	s13 =	sshll.u32 s11, $0x7;
	s12 =	sshll.u32 s12, $0x7;
	s9 =	spop (v2sf)  }
0xaf: {  	v13 =	vmul.f32 v63, v63;
	v8 =	vadd.f32 v63, v8;
	(v2sf) =	vpush v15, $0x4;
	v10 =	vld [tilespmem:s8+$0x0];
	s4 =	sshra.s32 s13, $0x2;
	s26 =	sshll.u32 s20, $0x7;
	s22 =	spop (v2sf)  }
0xb0: {  	v2 =	vadd.f32 v20, v2;
	v62 =	vmul.f32 v20, v20;
	v14 =	vld [tilespmem:s8+$0x10];
	s20 =	sshra.s32 s10, $0x2;
	s3 =	sshra.s32 s12, $0x2;
	s8 =	spop (v2sf);
	(v2sf) =	vpush v15, $0x5  }
0xb1: {  	v7 =	vadd.f32 v13, v7;
	v20 =	vld [tilespmem:s7+$0x10];
	s28 =	sshra.s32 s26, $0x2;
	s13 =	sshll.u32 s9, $0x7;
	s22 =	sshll.u32 s22, $0x7;
	(v2sf) =	vpush v15, $0x7  }
0xb2: {  	v5 =	vadd.f32 v62, v5;
	v13 =	vld [tilespmem:s20+$0x10];
	s26 =	sshra.s32 s13, $0x2;
	s6 =	sshll.u32 s8, $0x7;
	s9 =	sshra.s32 s22, $0x2;
	(v2sf) =	vpush v15, $0x1  }
.LBB2_4:
0xb3: {  	p0 =	sne.s32 s0, $0xFFFFFF80;
	v24 =	vld [tilespmem:s5+$0x10];
	s31 =	sadd.s32 $0x10, s31;
	s5 =	smov.u32 s0  }
0xb4: {  	s0 =	sadd.s32 $0x80, s0;
	v25 =	vld [tilespmem:s19+$0x10];
	(v2sf) =	vpush v15, $0xA  }
0xb5: {  	v26 =	vld [tilespmem:s19+$0x0];
	(v2sf) =	vpush v15, $0xC  }
0xb6: {  	v27 =	vld [tilespmem:s16+$0x10];
	(v2sf) =	vpush v15, $0x9  }
0xb7: {  	s8 =	sshra.s32 s1, $0x2;
	s1 =	smov.u32 s5;
	v28 =	vld [tilespmem:s16+$0x0];
	(v2sf) =	vpush v15, $0xB  }
0xb8: {  	v29 =	vld [tilespmem:s8+$0x8010];
	(v2sf) =	vpush v15, $0x8  }
0xb9: {  	v30 =	vld [tilespmem:s9+$0x0];
	(v2sf) =	vpush v15, $0xD  }
0xba: {  	v31 =	vld [tilespmem:s9+$0x10]  }
0xbb: {  	v25 =	vmax.bf16 v27, v25;
	v27 =	vld [tilespmem:s20+$0x0];
	s5 =	spop (v2sf)  }
0xbc: {  	v26 =	vmax.bf16 v28, v26;
	v24 =	vmax.bf16 v25, v24;
	v25 =	vld [tilespmem:s4+$0x10];
	s7 =	spop (v2sf)  }
0xbd: {  	v23 =	vmax.bf16 v26, v23;
	v22 =	vmax.bf16 v24, v22;
	v24 =	vld [tilespmem:s4+$0x0];
	s4 =	spop (v2sf);
	(v2sf) =	vpush v15, $0x6  }
0xbe: {  	v21 =	vmax.bf16 v23, v21;
	v20 =	vmax.bf16 v22, v20;
	v22 =	vld [tilespmem:s3+$0x10];
	s9 =	spop (v2sf);
	(v2sf) =	vpush v15, $0xE  }
0xbf: {  	s10 =	sshll.u32 s9, $0x7;
	v19 =	vmax.bf16 v21, v19;
	v18 =	vmax.bf16 v20, v18;
	v20 =	vld [tilespmem:s3+$0x0];
	s3 =	sshra.s32 s6, $0x2;
	s9 =	spop (v2sf);
	(v2sf) =	vpush v15, $0xF  }
0xc0: {  	s4 =	sshll.u32 s4, $0x7;
	s22 =	sshra.s32 s10, $0x2;
	v15 =	vmax.bf16 v19, v17;
	v16 =	vmax.bf16 v18, v16;
	v17 =	vld [tilespmem:s28+$0x10];
	s6 =	spop (v2sf)  }
0xc1: {  	s10 =	sshll.u32 s7, $0x7;
	s7 =	sshra.s32 s4, $0x2;
	v12 =	vmax.bf16 v15, v12;
	v14 =	vmax.bf16 v16, v14;
	v15 =	vld [tilespmem:s28+$0x0];
	s4 =	spop (v2sf)  }
0xc2: {  	s11 =	sshll.u32 s5, $0x7;
	s5 =	sshra.s32 s10, $0x2;
	s4 =	sshll.u32 s4, $0x7;
	v10 =	vmax.bf16 v12, v10;
	v11 =	vmax.bf16 v14, v11;
	v12 =	vld [tilespmem:s26+$0x10]  }
0xc3: {  	s16 =	sshra.s32 s11, $0x2;
	s19 =	sshra.s32 s4, $0x2;
	v9 =	vmax.bf16 v10, v9;
	v10 =	vmax.bf16 v11, v13;
	v11 =	vld [tilespmem:s26+$0x0];
	s4 =	spop (v2sf)  }
0xc4: {  	v9 =	vmax.bf16 v9, v27;
	v10 =	vmax.bf16 v10, v25;
	v13 =	vld [tilespmem:s3+$0x10];
	s10 =	spop (v2sf)  }
0xc5: {  	v9 =	vmax.bf16 v9, v24;
	v10 =	vmax.bf16 v10, v22;
	v14 =	vld [tilespmem:s3+$0x0];
	s3 =	spop (v2sf)  }
0xc6: {  	v9 =	vmax.bf16 v9, v20;
	v10 =	vmax.bf16 v10, v17;
	v16 =	vld [tilespmem:s8+$0x8000];
	s11 =	spop (v2sf)  }
0xc7: {  	v9 =	vmax.bf16 v9, v15;
	v10 =	vmax.bf16 v10, v12;
	s12 =	spop (v2sf)  }
0xc8: {  	s4 =	sshll.u32 s4, $0x7;
	s10 =	sshll.u32 s10, $0x7;
	v9 =	vmax.bf16 v9, v11;
	v10 =	vmax.bf16 v10, v31;
	s26 =	spop (v2sf)  }
0xc9: {  	s4 =	sshra.s32 s4, $0x2;
	s3 =	sshll.u32 s3, $0x7;
	s11 =	sshll.u32 s11, $0x7;
	v9 =	vmax.bf16 v9, v30;
	v10 =	vmax.bf16 v10, v13  }
0xca: {  	s20 =	sshra.s32 s3, $0x2;
	s12 =	sshll.u32 s12, $0x7;
	s3 =	sshra.s32 s11, $0x2;
	v9 =	vmax.bf16 v9, v14;
	v10 =	vsub.bf16 v10, v29  }
0xcb: {  	s28 =	sshra.s32 s10, $0x2;
	s11 =	sshra.s32 s12, $0x2;
	s10 =	sshll.u32 s26, $0x7;
	v9 =	vsub.bf16 v9, v16  }
0xcc: {  	s6 =	sshll.u32 s6, $0x7;
	s26 =	sshra.s32 s10, $0x2;
	[tilespmem:s8+$0x1C030] =	vst v10;
	v11 =	vshll.u32 v10, $0x10;
	v12 =	vand.u32 $0xFFFF0000, v10;
	s10 =	spop (v2sf)  }
0xcd: {  	s12 =	sshra.s32 s6, $0x2;
	[tilespmem:s8+$0x1C020] =	vst v9;
	v10 =	vshll.u32 v9, $0x10;
	v14 =	vand.u32 $0xFFFF0000, v9;
	v15 =	vmul.f32 v11, v11;
	s8 =	spop (v2sf)  }
0xce: {  	v13 =	vld [tilespmem:s20+$0x10];
	v1 =	vadd.f32 v10, v1;
	v16 =	vmul.f32 v10, v10;
	v17 =	vmul.f32 v14, v14;
	s6 =	spop (v2sf)  }
0xcf: {  	v2 =	vadd.f32 v14, v2;
	v14 =	vmul.f32 v12, v12;
	v9 =	vld [tilespmem:s11+$0x0];
	s6 =	sshll.u32 s6, $0x7;
	v3 =	vadd.f32 v15, v3  }
0xd0: {  	s10 =	sshll.u32 s10, $0x7;
	v10 =	vld [tilespmem:s12+$0x0];
	v4 =	vadd.f32 v16, v4;
	v5 =	vadd.f32 v17, v5  }
0xd1: {  	v6 =	vadd.f32 v11, v6;
	s10 =	sshra.s32 s10, $0x2;
	v7 =	vadd.f32 v14, v7;
	v15 =	vld [tilespmem:s31+$0x0]  }
0xd2: {  	s9 =	sshll.u32 s9, $0x7;
	v8 =	vadd.f32 v12, v8;
	s8 =	sshll.u32 s8, $0x7;
	v11 =	vld [tilespmem:s11+$0x10]  }
0xd3: {  	s11 =	sshra.s32 s9, $0x2;
	s9 =	sshra.s32 s8, $0x2;
	v12 =	vld [tilespmem:s10+$0x0]  }
0xd4: {  	v14 =	vld [tilespmem:s12+$0x10]  }
0xd5: {  	v17 =	vld [tilespmem:s11+$0x0]  }
0xd6: {  	v16 =	vld [tilespmem:s10+$0x10];
	(v2sf) =	vpush v15, $0x0  }
0xd7: {  	v19 =	vld [tilespmem:s22+$0x0];
	(v2sf) =	vpush v15, $0x2  }
.Ltmp1:
0xd8: {  	v18 =	vld [tilespmem:s11+$0x10];
	(v2sf) =	vpush v15, $0x3;
	(pc) =	sbr.rel @p0 .LBB2_4-.Ltmp1, $4  }
0xd9: {  	v21 =	vld [tilespmem:s7+$0x0];
	(v2sf) =	vpush v15, $0x4  }
0xda: {  	v20 =	vld [tilespmem:s22+$0x10];
	(v2sf) =	vpush v15, $0x5  }
0xdb: {  	v22 =	vld [tilespmem:s7+$0x10];
	(v2sf) =	vpush v15, $0x7  }
0xdc: {  	v23 =	vld [tilespmem:s5+$0x0];
	(v2sf) =	vpush v15, $0x1  }
0xdd: {  	v24 =	vld [tilespmem:s5+$0x10]  }
0xde: {  	v25 =	vld [tilespmem:s19+$0x10]  }
0xdf: {  	v26 =	vld [tilespmem:s19+$0x0]  }
0xe0: {  	(v2sf) =	vpush v15, $0xA;
	v27 =	vld [tilespmem:s16+$0x10]  }
0xe1: {  	v28 =	vld [tilespmem:s16+$0x0];
	(v2sf) =	vpush v15, $0xC  }
0xe2: {  	v30 =	vld [tilespmem:s9+$0x0];
	(v2sf) =	vpush v15, $0x9  }
0xe3: {  	v31 =	vld [tilespmem:s9+$0x10];
	(v2sf) =	vpush v15, $0xB  }
0xe4: {  	v58 =	vld [tilespmem:s20+$0x0];
	(v2sf) =	vpush v15, $0x8  }
0xe5: {  	v59 =	vld [tilespmem:s4+$0x10];
	(v2sf) =	vpush v15, $0xD;
	v25 =	vmax.bf16 v27, v25  }
0xe6: {  	s0 =	sshra.s32 s1, $0x2;
	v60 =	vld [tilespmem:s4+$0x0];
	v26 =	vmax.bf16 v28, v26;
	v24 =	vmax.bf16 v25, v24;
	(v2sf) =	vpush v15, $0x6  }
0xe7: {  	v29 =	vld [tilespmem:s0+$0x8010];
	v23 =	vmax.bf16 v26, v23;
	v22 =	vmax.bf16 v24, v22;
	(v2sf) =	vpush v15, $0xE  }
0xe8: {  	v21 =	vmax.bf16 v23, v21;
	s12 =	spop (v2sf);
	v20 =	vmax.bf16 v22, v20;
	v22 =	vld [tilespmem:s3+$0x10];
	(v2sf) =	vpush v15, $0xF  }
0xe9: {  	v15 =	vmax.bf16 v21, v19;
	v19 =	vld [tilespmem:s3+$0x0];
	s13 =	spop (v2sf);
	v18 =	vmax.bf16 v20, v18  }
0xea: {  	v15 =	vmax.bf16 v15, v17;
	v17 =	vld [tilespmem:s28+$0x10];
	s16 =	spop (v2sf);
	v16 =	vmax.bf16 v18, v16  }
0xeb: {  	v12 =	vmax.bf16 v15, v12;
	v15 =	vld [tilespmem:s28+$0x0];
	s19 =	spop (v2sf);
	v14 =	vmax.bf16 v16, v14  }
0xec: {  	v10 =	vmax.bf16 v12, v10;
	v12 =	vld [tilespmem:s26+$0x10];
	s20 =	spop (v2sf);
	v11 =	vmax.bf16 v14, v11  }
0xed: {  	s1 =	sshra.s32 s6, $0x2;
	v9 =	vmax.bf16 v10, v9;
	s22 =	spop (v2sf);
	v10 =	vmax.bf16 v11, v13;
	v11 =	vld [tilespmem:s26+$0x0]  }
0xee: {  	v9 =	vmax.bf16 v9, v58;
	v13 =	vld [tilespmem:s1+$0x10];
	s26 =	spop (v2sf);
	v10 =	vmax.bf16 v10, v59  }
0xef: {  	v14 =	vld [tilespmem:s1+$0x0];
	v9 =	vmax.bf16 v9, v60;
	s4 =	spop (v2sf);
	v10 =	vmax.bf16 v10, v22  }
0xf0: {  	v16 =	vld [tilespmem:s0+$0x8000];
	v9 =	vmax.bf16 v9, v19;
	s5 =	spop (v2sf);
	v10 =	vmax.bf16 v10, v17  }
0xf1: {  	v9 =	vmax.bf16 v9, v15;
	s6 =	spop (v2sf);
	v10 =	vmax.bf16 v10, v12  }
0xf2: {  	s7 =	spop (v2sf);
	v9 =	vmax.bf16 v9, v11;
	v10 =	vmax.bf16 v10, v31  }
0xf3: {  	s8 =	spop (v2sf);
	v9 =	vmax.bf16 v9, v30;
	v10 =	vmax.bf16 v10, v13  }
0xf4: {  	s9 =	spop (v2sf);
	v9 =	vmax.bf16 v9, v14;
	v10 =	vsub.bf16 v10, v29  }
0xf5: {  	v9 =	vsub.bf16 v9, v16;
	s10 =	spop (v2sf)  }
0xf6: {  	[tilespmem:s0+$0x1C030] =	vst v10;
	s11 =	spop (v2sf)  }
0xf7: {  	s1 =	simm.s32 $0x18020;
	[tilespmem:s0+$0x1C020] =	vst v9;
	s12 =	spop (v2sf);
	s0 =	rddreg [dreg:$0x8]  }
0xf8: {  	[hbm4b:s0+s14] =	stream.strided.scatter [tilespmem:s1], [sflag:$0x5], $0x4000, s15, s14, $0x38;
	[tilespmem:$0x1C0A0] =	vst v63  }
0xf9: {  	_ =	swait.ge [sflag:s18], $0x2000  }
0xfa: {  	s31 =	simm.s32 $0x0;
	[sflag:s18] =	ssyncset.done $0x0  }
0xfb: {  	s16 =	simm.s32 $0x12010;
	s13 =	rddreg [dreg:$0x9];
	[sflag:s18] =	ssyncadd.s32 $0xFFFFE000  }
0xfc: {  	[tilespmem:s16], [sflag:$0x3] =	stream.linear.gather [hbm4b:s13+s31], $0x2000, $0x38;
	[tilespmem:$0x1C0A0] =	vst v63  }
0xfd: {  	_ =	swait.ge [sflag:s23], $0x4000  }
0xfe: {  	[sflag:s23] =	ssyncset.done $0x0  }
0xff: {  	[sflag:s23] =	ssyncadd.s32 $0xFFFFC000  }
0x100: {  	v11 =	vld [tilespmem:$0x10000];
	_ =	sdelay $0x4  }
0x101: {  	(v2sf) =	vpush v11, $0x0  }
0x102: {  	(v2sf) =	vpush v11, $0x1  }
0x103: {  	(v2sf) =	vpush v11, $0x2  }
0x104: {  	(v2sf) =	vpush v11, $0x3  }
0x105: {  	(v2sf) =	vpush v11, $0x4  }
0x106: {  	(v2sf) =	vpush v11, $0x5  }
0x107: {  	(v2sf) =	vpush v11, $0x6  }
0x108: {  	(v2sf) =	vpush v11, $0x7;
	_ =	sdelay $0x4  }
0x109: {  	(v2sf) =	vpush v11, $0x8  }
0x10a: {  	(v2sf) =	vpush v11, $0x9  }
0x10b: {  	(v2sf) =	vpush v11, $0xA  }
0x10c: {  	(v2sf) =	vpush v11, $0xB;
	s3 =	spop (v2sf)  }
0x10d: {  	(v2sf) =	vpush v11, $0xC;
	s4 =	spop (v2sf)  }
0x10e: {  	(v2sf) =	vpush v11, $0xD;
	s5 =	spop (v2sf)  }
0x10f: {  	v61 =	vshll.u32 v10, $0x10;
	(v2sf) =	vpush v11, $0xE;
	s6 =	spop (v2sf)  }
0x110: {  	v21 =	vand.u32 $0xFFFF0000, v9;
	v22 =	vmul.f32 v61, v61;
	(v2sf) =	vpush v11, $0xF;
	s7 =	spop (v2sf)  }
0x111: {  	v63 =	vand.u32 $0xFFFF0000, v10;
	v62 =	vmul.f32 v21, v21;
	s5 =	sshll.u32 s5, $0x7;
	s19 =	spop (v2sf)  }
0x112: {  	v20 =	vshll.u32 v9, $0x10;
	v9 =	vadd.f32 v21, v2;
	v2 =	vadd.f32 v22, v3;
	s6 =	sshll.u32 s6, $0x7;
	s5 =	sshra.s32 s5, $0x2;
	s8 =	spop (v2sf)  }
0x113: {  	v23 =	vmul.f32 v20, v20;
	v3 =	vadd.f32 v62, v5;
	v5 =	vadd.f32 v63, v8;
	s6 =	sshra.s32 s6, $0x2;
	v8 =	vld [tilespmem:s5+$0x0];
	s13 =	spop (v2sf)  }
0x114: {  	v22 =	vld [tilespmem:s6+$0x0];
	s1 =	sshll.u32 s13, $0x7  }
0x115: {  	v10 =	vadd.f32 v23, v4;
	s7 =	sshll.u32 s7, $0x7;
	v23 =	vld [tilespmem:s6+$0x10];
	s11 =	sshra.s32 s1, $0x2;
	s1 =	simm.s32 $0x10010  }
0x116: {  	s7 =	sshra.s32 s7, $0x2;
	v16 =	vld [tilespmem:s1+$0x0]  }
0x117: {  	v1 =	vadd.f32 v20, v1;
	s3 =	sshll.u32 s3, $0x7;
	s0 =	sshll.u32 s19, $0x7;
	v20 =	vld [tilespmem:s7+$0x0]  }
0x118: {  	s4 =	sshll.u32 s4, $0x7;
	s19 =	sshra.s32 s0, $0x2;
	v21 =	vld [tilespmem:s7+$0x10];
	s16 =	spop (v2sf)  }
0x119: {  	s8 =	sshll.u32 s8, $0x7;
	s0 =	simm.s32 $0x80;
	v18 =	vld [tilespmem:s19+$0x0];
	s10 =	spop (v2sf)  }
0x11a: {  	s8 =	sshra.s32 s8, $0x2;
	v19 =	vld [tilespmem:s19+$0x10];
	s9 =	sshll.u32 s16, $0x7;
	s12 =	spop (v2sf)  }
0x11b: {  	s19 =	sshra.s32 s4, $0x2;
	v14 =	vld [tilespmem:s8+$0x0];
	s9 =	sshra.s32 s9, $0x2;
	s20 =	spop (v2sf);
	(v2sf) =	vpush v16, $0x0  }
0x11c: {  	s16 =	sshra.s32 s3, $0x2;
	s10 =	sshll.u32 s10, $0x7;
	v11 =	vld [tilespmem:s9+$0x0];
	s22 =	spop (v2sf);
	(v2sf) =	vpush v16, $0x2  }
0x11d: {  	v13 =	vld [tilespmem:s9+$0x10];
	s13 =	sshll.u32 s12, $0x7;
	s12 =	sshll.u32 s20, $0x7;
	s9 =	spop (v2sf);
	(v2sf) =	vpush v16, $0x3  }
0x11e: {  	v12 =	vld [tilespmem:s11+$0x0];
	s4 =	sshra.s32 s13, $0x2;
	s20 =	sshra.s32 s10, $0x2;
	s26 =	spop (v2sf);
	(v2sf) =	vpush v16, $0x4  }
0x11f: {  	v4 =	vmul.f32 v63, v63;
	v15 =	vld [tilespmem:s11+$0x10];
	s22 =	sshll.u32 s22, $0x7;
	s3 =	sshra.s32 s12, $0x2;
	s11 =	spop (v2sf);
	(v2sf) =	vpush v16, $0x5  }
0x120: {  	v6 =	vadd.f32 v61, v6;
	v17 =	vld [tilespmem:s8+$0x10];
	s28 =	sshra.s32 s22, $0x2;
	s13 =	sshll.u32 s9, $0x7;
	s22 =	sshll.u32 s26, $0x7;
	(v2sf) =	vpush v16, $0x7  }
0x121: {  	v4 =	vadd.f32 v4, v7;
	v7 =	vld [tilespmem:s20+$0x10];
	s26 =	sshra.s32 s13, $0x2;
	s6 =	sshll.u32 s11, $0x7;
	s9 =	sshra.s32 s22, $0x2;
	(v2sf) =	vpush v16, $0x1  }
.LBB2_6:
0x122: {  	p0 =	sne.s32 s0, $0xFF80;
	v24 =	vld [tilespmem:s5+$0x10];
	s1 =	sadd.s32 $0x10, s1;
	s5 =	smov.u32 s0  }
0x123: {  	s0 =	sadd.s32 $0x80, s0;
	v25 =	vld [tilespmem:s19+$0x10];
	(v2sf) =	vpush v16, $0xA  }
0x124: {  	v26 =	vld [tilespmem:s19+$0x0];
	(v2sf) =	vpush v16, $0xC  }
0x125: {  	v27 =	vld [tilespmem:s16+$0x10];
	(v2sf) =	vpush v16, $0x9  }
0x126: {  	s8 =	sshra.s32 s31, $0x2;
	s31 =	smov.u32 s5;
	v28 =	vld [tilespmem:s16+$0x0];
	(v2sf) =	vpush v16, $0xB  }
0x127: {  	v29 =	vld [tilespmem:s8+$0x8010];
	(v2sf) =	vpush v16, $0x8  }
0x128: {  	v30 =	vld [tilespmem:s9+$0x0];
	(v2sf) =	vpush v16, $0xD  }
0x129: {  	v31 =	vld [tilespmem:s9+$0x10]  }
0x12a: {  	v25 =	vmax.bf16 v27, v25;
	v27 =	vld [tilespmem:s20+$0x0];
	s5 =	spop (v2sf)  }
0x12b: {  	v26 =	vmax.bf16 v28, v26;
	v24 =	vmax.bf16 v25, v24;
	v25 =	vld [tilespmem:s4+$0x10];
	s7 =	spop (v2sf)  }
0x12c: {  	v8 =	vmax.bf16 v26, v8;
	v23 =	vmax.bf16 v24, v23;
	v24 =	vld [tilespmem:s4+$0x0];
	s4 =	spop (v2sf);
	(v2sf) =	vpush v16, $0x6  }
0x12d: {  	v8 =	vmax.bf16 v8, v22;
	v21 =	vmax.bf16 v23, v21;
	v22 =	vld [tilespmem:s3+$0x10];
	s9 =	spop (v2sf);
	(v2sf) =	vpush v16, $0xE  }
0x12e: {  	s10 =	sshll.u32 s9, $0x7;
	v8 =	vmax.bf16 v8, v20;
	v19 =	vmax.bf16 v21, v19;
	v20 =	vld [tilespmem:s3+$0x0];
	s3 =	sshra.s32 s6, $0x2;
	s9 =	spop (v2sf);
	(v2sf) =	vpush v16, $0xF  }
0x12f: {  	s4 =	sshll.u32 s4, $0x7;
	s22 =	sshra.s32 s10, $0x2;
	v8 =	vmax.bf16 v8, v18;
	v16 =	vmax.bf16 v19, v17;
	v17 =	vld [tilespmem:s28+$0x10];
	s6 =	spop (v2sf)  }
0x130: {  	s10 =	sshll.u32 s7, $0x7;
	s7 =	sshra.s32 s4, $0x2;
	v8 =	vmax.bf16 v8, v14;
	v14 =	vmax.bf16 v16, v15;
	v15 =	vld [tilespmem:s28+$0x0];
	s4 =	spop (v2sf)  }
0x131: {  	s11 =	sshll.u32 s5, $0x7;
	s5 =	sshra.s32 s10, $0x2;
	s4 =	sshll.u32 s4, $0x7;
	v8 =	vmax.bf16 v8, v12;
	v12 =	vmax.bf16 v14, v13;
	v13 =	vld [tilespmem:s26+$0x10]  }
0x132: {  	s16 =	sshra.s32 s11, $0x2;
	s19 =	sshra.s32 s4, $0x2;
	v8 =	vmax.bf16 v8, v11;
	v7 =	vmax.bf16 v12, v7;
	v11 =	vld [tilespmem:s26+$0x0];
	s4 =	spop (v2sf)  }
0x133: {  	v8 =	vmax.bf16 v8, v27;
	v7 =	vmax.bf16 v7, v25;
	v12 =	vld [tilespmem:s3+$0x10];
	s10 =	spop (v2sf)  }
0x134: {  	v8 =	vmax.bf16 v8, v24;
	v7 =	vmax.bf16 v7, v22;
	v14 =	vld [tilespmem:s3+$0x0];
	s3 =	spop (v2sf)  }
0x135: {  	v8 =	vmax.bf16 v8, v20;
	v7 =	vmax.bf16 v7, v17;
	v16 =	vld [tilespmem:s8+$0x8000];
	s11 =	spop (v2sf)  }
0x136: {  	v8 =	vmax.bf16 v8, v15;
	v7 =	vmax.bf16 v7, v13;
	s12 =	spop (v2sf)  }
0x137: {  	s4 =	sshll.u32 s4, $0x7;
	s10 =	sshll.u32 s10, $0x7;
	v8 =	vmax.bf16 v8, v11;
	v7 =	vmax.bf16 v7, v31;
	s26 =	spop (v2sf)  }
0x138: {  	s4 =	sshra.s32 s4, $0x2;
	s3 =	sshll.u32 s3, $0x7;
	s11 =	sshll.u32 s11, $0x7;
	v8 =	vmax.bf16 v8, v30;
	v7 =	vmax.bf16 v7, v12  }
0x139: {  	s20 =	sshra.s32 s3, $0x2;
	s12 =	sshll.u32 s12, $0x7;
	s3 =	sshra.s32 s11, $0x2;
	v8 =	vmax.bf16 v8, v14;
	v7 =	vsub.bf16 v7, v29  }
0x13a: {  	s28 =	sshra.s32 s10, $0x2;
	s11 =	sshra.s32 s12, $0x2;
	s10 =	sshll.u32 s26, $0x7;
	v8 =	vsub.bf16 v8, v16  }
0x13b: {  	s6 =	sshll.u32 s6, $0x7;
	s26 =	sshra.s32 s10, $0x2;
	[tilespmem:s8+$0x14030] =	vst v7;
	v13 =	vshll.u32 v7, $0x10;
	v14 =	vand.u32 $0xFFFF0000, v7;
	s10 =	spop (v2sf)  }
0x13c: {  	s12 =	sshra.s32 s6, $0x2;
	[tilespmem:s8+$0x14020] =	vst v8;
	v11 =	vshll.u32 v8, $0x10;
	v8 =	vand.u32 $0xFFFF0000, v8;
	v12 =	vmul.f32 v13, v13;
	s8 =	spop (v2sf)  }
0x13d: {  	v7 =	vld [tilespmem:s20+$0x10];
	v1 =	vadd.f32 v11, v1;
	v15 =	vmul.f32 v11, v11;
	v16 =	vmul.f32 v8, v8;
	s6 =	spop (v2sf)  }
0x13e: {  	v9 =	vadd.f32 v8, v9;
	v8 =	vmul.f32 v14, v14;
	v11 =	vld [tilespmem:s11+$0x0];
	s6 =	sshll.u32 s6, $0x7;
	v2 =	vadd.f32 v12, v2  }
0x13f: {  	s10 =	sshll.u32 s10, $0x7;
	v12 =	vld [tilespmem:s12+$0x0];
	v10 =	vadd.f32 v15, v10;
	v3 =	vadd.f32 v16, v3  }
0x140: {  	v6 =	vadd.f32 v13, v6;
	s10 =	sshra.s32 s10, $0x2;
	v4 =	vadd.f32 v8, v4;
	v16 =	vld [tilespmem:s1+$0x0]  }
0x141: {  	s9 =	sshll.u32 s9, $0x7;
	v5 =	vadd.f32 v14, v5;
	s8 =	sshll.u32 s8, $0x7;
	v13 =	vld [tilespmem:s11+$0x10]  }
0x142: {  	s11 =	sshra.s32 s9, $0x2;
	s9 =	sshra.s32 s8, $0x2;
	v14 =	vld [tilespmem:s10+$0x0]  }
0x143: {  	v15 =	vld [tilespmem:s12+$0x10]  }
0x144: {  	v18 =	vld [tilespmem:s11+$0x0]  }
0x145: {  	v17 =	vld [tilespmem:s10+$0x10];
	(v2sf) =	vpush v16, $0x0  }
0x146: {  	v20 =	vld [tilespmem:s22+$0x0];
	(v2sf) =	vpush v16, $0x2  }
.Ltmp2:
0x147: {  	v19 =	vld [tilespmem:s11+$0x10];
	(v2sf) =	vpush v16, $0x3;
	(pc) =	sbr.rel @p0 .LBB2_6-.Ltmp2, $4  }
0x148: {  	v22 =	vld [tilespmem:s7+$0x0];
	(v2sf) =	vpush v16, $0x4  }
0x149: {  	v21 =	vld [tilespmem:s22+$0x10];
	(v2sf) =	vpush v16, $0x5  }
0x14a: {  	v23 =	vld [tilespmem:s7+$0x10];
	(v2sf) =	vpush v16, $0x7  }
0x14b: {  	v8 =	vld [tilespmem:s5+$0x0];
	(v2sf) =	vpush v16, $0x1  }
0x14c: {  	v24 =	vld [tilespmem:s5+$0x10]  }
0x14d: {  	v25 =	vld [tilespmem:s19+$0x10]  }
0x14e: {  	v26 =	vld [tilespmem:s19+$0x0]  }
0x14f: {  	(v2sf) =	vpush v16, $0xA;
	v27 =	vld [tilespmem:s16+$0x10]  }
0x150: {  	v28 =	vld [tilespmem:s16+$0x0];
	(v2sf) =	vpush v16, $0xC  }
0x151: {  	v30 =	vld [tilespmem:s9+$0x0];
	(v2sf) =	vpush v16, $0x9  }
0x152: {  	v31 =	vld [tilespmem:s9+$0x10];
	(v2sf) =	vpush v16, $0xB  }
0x153: {  	v59 =	vld [tilespmem:s20+$0x0];
	(v2sf) =	vpush v16, $0x8  }
0x154: {  	v60 =	vld [tilespmem:s4+$0x10];
	(v2sf) =	vpush v16, $0xD;
	v25 =	vmax.bf16 v27, v25  }
0x155: {  	s0 =	sshra.s32 s31, $0x2;
	v61 =	vld [tilespmem:s4+$0x0];
	v26 =	vmax.bf16 v28, v26;
	v24 =	vmax.bf16 v25, v24;
	(v2sf) =	vpush v16, $0x6  }
0x156: {  	v29 =	vld [tilespmem:s0+$0x8010];
	v8 =	vmax.bf16 v26, v8;
	v23 =	vmax.bf16 v24, v23;
	(v2sf) =	vpush v16, $0xE  }
0x157: {  	v8 =	vmax.bf16 v8, v22;
	v22 =	vld [tilespmem:s3+$0x10];
	s1 =	spop (v2sf);
	v21 =	vmax.bf16 v23, v21;
	(v2sf) =	vpush v16, $0xF  }
0x158: {  	v8 =	vmax.bf16 v8, v20;
	s1 =	spop (v2sf);
	v16 =	vmax.bf16 v21, v19;
	v19 =	vld [tilespmem:s3+$0x0]  }
0x159: {  	v8 =	vmax.bf16 v8, v18;
	s1 =	spop (v2sf);
	v16 =	vmax.bf16 v16, v17;
	v17 =	vld [tilespmem:s28+$0x10]  }
0x15a: {  	v8 =	vmax.bf16 v8, v14;
	s1 =	spop (v2sf);
	v14 =	vmax.bf16 v16, v15;
	v15 =	vld [tilespmem:s28+$0x0]  }
0x15b: {  	v8 =	vmax.bf16 v8, v12;
	s1 =	spop (v2sf);
	v12 =	vmax.bf16 v14, v13;
	v13 =	vld [tilespmem:s26+$0x10]  }
0x15c: {  	v8 =	vmax.bf16 v8, v11;
	v11 =	vld [tilespmem:s26+$0x0];
	s1 =	sshra.s32 s6, $0x2;
	s4 =	spop (v2sf);
	v7 =	vmax.bf16 v12, v7  }
0x15d: {  	v8 =	vmax.bf16 v8, v59;
	s5 =	spop (v2sf);
	v7 =	vmax.bf16 v7, v60;
	v12 =	vld [tilespmem:s1+$0x10]  }
0x15e: {  	v8 =	vmax.bf16 v8, v61;
	v14 =	vld [tilespmem:s1+$0x0];
	s6 =	spop (v2sf);
	v7 =	vmax.bf16 v7, v22  }
0x15f: {  	v16 =	vld [tilespmem:s0+$0x8000];
	v8 =	vmax.bf16 v8, v19;
	s7 =	spop (v2sf);
	v7 =	vmax.bf16 v7, v17  }
0x160: {  	v8 =	vmax.bf16 v8, v15;
	s8 =	spop (v2sf);
	v7 =	vmax.bf16 v7, v13  }
0x161: {  	v8 =	vmax.bf16 v8, v11;
	s9 =	spop (v2sf);
	v7 =	vmax.bf16 v7, v31  }
0x162: {  	v8 =	vmax.bf16 v8, v30;
	s10 =	spop (v2sf);
	v7 =	vmax.bf16 v7, v12  }
0x163: {  	v8 =	vmax.bf16 v8, v14;
	s11 =	spop (v2sf);
	v20 =	vsub.bf16 v7, v29  }
0x164: {  	v7 =	vsub.bf16 v8, v16;
	s12 =	spop (v2sf)  }
0x165: {  	[tilespmem:s0+$0x14030] =	vst v20;
	s13 =	spop (v2sf)  }
0x166: {  	s1 =	simm.s32 $0x14020;
	[tilespmem:s0+$0x14020] =	vst v7;
	s0 =	rddreg [dreg:$0xa];
	s16 =	spop (v2sf)  }
0x167: {  	[hbm4b:s0+s14] =	stream.strided.scatter [tilespmem:s1], [sflag:$0x4], $0x4000, s15, s14, $0x38;
	[tilespmem:$0x1C0A0] =	vst v63  }
0x168: {  	_ =	swait.ge [sflag:s21], $0x2000  }
0x169: {  	[sflag:s21] =	ssyncset.done $0x0  }
0x16a: {  	[sflag:s21] =	ssyncadd.s32 $0xFFFFE000  }
0x16b: {  	_ =	swait.ge [sflag:s24], $0x4000  }
0x16c: {  	[sflag:s24] =	ssyncset.done $0x0  }
0x16d: {  	[sflag:s24] =	ssyncadd.s32 $0xFFFFC000  }
0x16e: {  	v8 =	vld [tilespmem:$0x12010];
	_ =	sdelay $0x4  }
0x16f: {  	(v2sf) =	vpush v8, $0x0  }
0x170: {  	(v2sf) =	vpush v8, $0x1  }
0x171: {  	(v2sf) =	vpush v8, $0x2  }
0x172: {  	(v2sf) =	vpush v8, $0x3  }
0x173: {  	(v2sf) =	vpush v8, $0x4;
	_ =	sdelay $0x2  }
0x174: {  	(v2sf) =	vpush v8, $0x5;
	_ =	sdelay $0x1  }
0x175: {  	(v2sf) =	vpush v8, $0x6  }
0x176: {  	(v2sf) =	vpush v8, $0x7;
	_ =	sdelay $0x1  }
0x177: {  	(v2sf) =	vpush v8, $0x8  }
0x178: {  	(v2sf) =	vpush v8, $0x9  }
0x179: {  	(v2sf) =	vpush v8, $0xA  }
0x17a: {  	s3 =	spop (v2sf);
	(v2sf) =	vpush v8, $0xB  }
0x17b: {  	s4 =	spop (v2sf);
	(v2sf) =	vpush v8, $0xC  }
0x17c: {  	s5 =	spop (v2sf);
	(v2sf) =	vpush v8, $0xD  }
0x17d: {  	s6 =	spop (v2sf);
	(v2sf) =	vpush v8, $0xE  }
0x17e: {  	s19 =	spop (v2sf);
	(v2sf) =	vpush v8, $0xF;
	_ =	sdelay $0x2  }
0x17f: {  	s7 =	spop (v2sf)  }
0x180: {  	v21 =	vshll.u32 v20, $0x10;
	v8 =	vshll.u32 v7, $0x10;
	s7 =	sshll.u32 s7, $0x7  }
0x181: {  	v22 =	vmul.f32 v21, v21;
	v23 =	vmul.f32 v8, v8;
	s8 =	spop (v2sf);
	s7 =	sshra.s32 s7, $0x2  }
0x182: {  	v19 =	vand.u32 $0xFFFF0000, v7;
	v7 =	vadd.f32 v8, v1;
	s20 =	spop (v2sf);
	s8 =	sshll.u32 s8, $0x7;
	v18 =	vld [tilespmem:s7+$0x0]  }
0x183: {  	v1 =	vadd.f32 v22, v2;
	v2 =	vadd.f32 v23, v10;
	s1 =	sshll.u32 s20, $0x7;
	s8 =	sshra.s32 s8, $0x2;
	v10 =	vld [tilespmem:s7+$0x10]  }
0x184: {  	s22 =	spop (v2sf);
	s26 =	sshra.s32 s1, $0x2;
	s1 =	simm.s32 $0x12020;
	v15 =	vld [tilespmem:s8+$0x0]  }
0x185: {  	s10 =	spop (v2sf);
	v16 =	vld [tilespmem:s1+$0x0]  }
0x186: {  	s31 =	simm.s32 $0x0;
	s0 =	simm.s32 $0x80;
	v8 =	vadd.f32 v19, v9;
	v9 =	vld [tilespmem:s8+$0x10];
	s11 =	spop (v2sf)  }
0x187: {  	v63 =	vand.u32 $0xFFFF0000, v20;
	s3 =	sshll.u32 s3, $0x7;
	s6 =	sshll.u32 s6, $0x7;
	v13 =	vld [tilespmem:s26+$0x0];
	s12 =	spop (v2sf)  }
0x188: {  	s5 =	sshll.u32 s5, $0x7;
	v22 =	vmul.f32 v63, v63;
	s8 =	sshra.s32 s6, $0x2;
	v17 =	vld [tilespmem:s26+$0x10];
	s16 =	spop (v2sf)  }
0x189: {  	s9 =	sshll.u32 s22, $0x7;
	s22 =	sshll.u32 s19, $0x7;
	v20 =	vld [tilespmem:s8+$0x0];
	s13 =	spop (v2sf)  }
0x18a: {  	v4 =	vadd.f32 v22, v4;
	s6 =	sshra.s32 s5, $0x2;
	s10 =	sshll.u32 s10, $0x7;
	v22 =	vld [tilespmem:s8+$0x10];
	s20 =	spop (v2sf);
	(v2sf) =	vpush v16, $0x0  }
0x18b: {  	s9 =	sshra.s32 s9, $0x2;
	v23 =	vld [tilespmem:s6+$0x0];
	s28 =	sshra.s32 s10, $0x2;
	s10 =	spop (v2sf);
	(v2sf) =	vpush v16, $0x2  }
0x18c: {  	s22 =	sshra.s32 s22, $0x2;
	s26 =	sshll.u32 s4, $0x7;
	s4 =	sshra.s32 s3, $0x2;
	v12 =	vld [tilespmem:s9+$0x0];
	(v2sf) =	vpush v16, $0x3  }
0x18d: {  	v14 =	vld [tilespmem:s9+$0x10];
	s19 =	sshra.s32 s26, $0x2;
	s7 =	sshll.u32 s11, $0x7;
	s11 =	sshll.u32 s12, $0x7;
	(v2sf) =	vpush v16, $0x4  }
0x18e: {  	v62 =	vmul.f32 v19, v19;
	v6 =	vadd.f32 v21, v6;
	v19 =	vld [tilespmem:s22+$0x0];
	s5 =	sshra.s32 s7, $0x2;
	s12 =	sshll.u32 s16, $0x7;
	s16 =	sshra.s32 s11, $0x2;
	(v2sf) =	vpush v16, $0x5  }
0x18f: {  	v5 =	vadd.f32 v63, v5;
	v21 =	vld [tilespmem:s22+$0x10];
	s3 =	sshra.s32 s12, $0x2;
	s13 =	sshll.u32 s13, $0x7;
	s22 =	sshll.u32 s20, $0x7;
	(v2sf) =	vpush v16, $0x7  }
0x190: {  	v3 =	vadd.f32 v62, v3;
	v11 =	vld [tilespmem:s28+$0x10];
	s26 =	sshra.s32 s13, $0x2;
	s20 =	sshll.u32 s10, $0x7;
	s9 =	sshra.s32 s22, $0x2;
	(v2sf) =	vpush v16, $0x1  }
.LBB2_8:
0x191: {  	p0 =	sne.s32 s0, $0xFF80;
	v24 =	vld [tilespmem:s6+$0x10];
	s1 =	sadd.s32 $0x10, s1;
	s6 =	smov.u32 s0  }
0x192: {  	s0 =	sadd.s32 $0x80, s0;
	v25 =	vld [tilespmem:s19+$0x10];
	(v2sf) =	vpush v16, $0xA  }
0x193: {  	v26 =	vld [tilespmem:s19+$0x0];
	(v2sf) =	vpush v16, $0xC  }
0x194: {  	v27 =	vld [tilespmem:s4+$0x10];
	(v2sf) =	vpush v16, $0x9  }
0x195: {  	s8 =	sshra.s32 s31, $0x2;
	s31 =	smov.u32 s6;
	v28 =	vld [tilespmem:s4+$0x0];
	(v2sf) =	vpush v16, $0xB  }
0x196: {  	v29 =	vld [tilespmem:s8+$0xC010];
	(v2sf) =	vpush v16, $0x8  }
0x197: {  	v30 =	vld [tilespmem:s9+$0x0];
	(v2sf) =	vpush v16, $0xD  }
0x198: {  	v31 =	vld [tilespmem:s9+$0x10]  }
0x199: {  	v25 =	vmax.bf16 v27, v25;
	v27 =	vld [tilespmem:s28+$0x0];
	s4 =	spop (v2sf)  }
0x19a: {  	v26 =	vmax.bf16 v28, v26;
	v24 =	vmax.bf16 v25, v24;
	v25 =	vld [tilespmem:s5+$0x10];
	s6 =	spop (v2sf)  }
0x19b: {  	v23 =	vmax.bf16 v26, v23;
	v22 =	vmax.bf16 v24, v22;
	v24 =	vld [tilespmem:s5+$0x0];
	s5 =	spop (v2sf);
	(v2sf) =	vpush v16, $0x6  }
0x19c: {  	v20 =	vmax.bf16 v23, v20;
	v21 =	vmax.bf16 v22, v21;
	v22 =	vld [tilespmem:s16+$0x10];
	s7 =	spop (v2sf);
	(v2sf) =	vpush v16, $0xE  }
0x19d: {  	s10 =	sshra.s32 s20, $0x2;
	s7 =	sshll.u32 s7, $0x7;
	v19 =	vmax.bf16 v20, v19;
	v10 =	vmax.bf16 v21, v10;
	v20 =	vld [tilespmem:s16+$0x0];
	s9 =	spop (v2sf);
	(v2sf) =	vpush v16, $0xF  }
0x19e: {  	s5 =	sshll.u32 s5, $0x7;
	s22 =	sshra.s32 s7, $0x2;
	v16 =	vmax.bf16 v19, v18;
	v9 =	vmax.bf16 v10, v9;
	v10 =	vld [tilespmem:s3+$0x10];
	s20 =	spop (v2sf)  }
0x19f: {  	s6 =	sshll.u32 s6, $0x7;
	s7 =	sshra.s32 s5, $0x2;
	v15 =	vmax.bf16 v16, v15;
	v9 =	vmax.bf16 v9, v17;
	v16 =	vld [tilespmem:s3+$0x0];
	s3 =	spop (v2sf)  }
0x1a0: {  	s4 =	sshll.u32 s4, $0x7;
	s6 =	sshra.s32 s6, $0x2;
	s3 =	sshll.u32 s3, $0x7;
	v13 =	vmax.bf16 v15, v13;
	v9 =	vmax.bf16 v9, v14;
	v14 =	vld [tilespmem:s26+$0x10]  }
0x1a1: {  	s4 =	sshra.s32 s4, $0x2;
	s19 =	sshra.s32 s3, $0x2;
	v12 =	vmax.bf16 v13, v12;
	v9 =	vmax.bf16 v9, v11;
	v11 =	vld [tilespmem:s26+$0x0];
	s3 =	spop (v2sf)  }
0x1a2: {  	v12 =	vmax.bf16 v12, v27;
	v9 =	vmax.bf16 v9, v25;
	v13 =	vld [tilespmem:s10+$0x10];
	s5 =	spop (v2sf)  }
0x1a3: {  	v12 =	vmax.bf16 v12, v24;
	v9 =	vmax.bf16 v9, v22;
	v15 =	vld [tilespmem:s10+$0x0];
	s10 =	spop (v2sf)  }
0x1a4: {  	v12 =	vmax.bf16 v12, v20;
	v9 =	vmax.bf16 v9, v10;
	v10 =	vld [tilespmem:s8+$0xC000];
	s11 =	spop (v2sf)  }
0x1a5: {  	v12 =	vmax.bf16 v12, v16;
	v9 =	vmax.bf16 v9, v14;
	s12 =	spop (v2sf)  }
0x1a6: {  	s3 =	sshll.u32 s3, $0x7;
	s26 =	sshll.u32 s5, $0x7;
	v11 =	vmax.bf16 v12, v11;
	v9 =	vmax.bf16 v9, v31;
	s13 =	spop (v2sf)  }
0x1a7: {  	s5 =	sshra.s32 s3, $0x2;
	s10 =	sshll.u32 s10, $0x7;
	s3 =	sshll.u32 s11, $0x7;
	v11 =	vmax.bf16 v11, v30;
	v9 =	vmax.bf16 v9, v13  }
0x1a8: {  	s28 =	sshra.s32 s10, $0x2;
	s11 =	sshll.u32 s12, $0x7;
	s16 =	sshra.s32 s3, $0x2;
	v11 =	vmax.bf16 v11, v15;
	v9 =	vsub.bf16 v9, v29  }
0x1a9: {  	s3 =	sshra.s32 s26, $0x2;
	s10 =	sshra.s32 s11, $0x2;
	s11 =	sshll.u32 s13, $0x7;
	v10 =	vsub.bf16 v11, v10  }
0x1aa: {  	s12 =	sshll.u32 s20, $0x7;
	s26 =	sshra.s32 s11, $0x2;
	[tilespmem:s8+$0x18030] =	vst v9;
	v14 =	vshll.u32 v9, $0x10;
	v9 =	vand.u32 $0xFFFF0000, v9;
	s11 =	spop (v2sf)  }
0x1ab: {  	s12 =	sshra.s32 s12, $0x2;
	[tilespmem:s8+$0x18020] =	vst v10;
	v12 =	vshll.u32 v10, $0x10;
	v10 =	vand.u32 $0xFFFF0000, v10;
	v13 =	vmul.f32 v14, v14;
	s8 =	spop (v2sf)  }
0x1ac: {  	v11 =	vld [tilespmem:s28+$0x10];
	v7 =	vadd.f32 v12, v7;
	v15 =	vmul.f32 v12, v12;
	v16 =	vmul.f32 v10, v10;
	s13 =	spop (v2sf)  }
0x1ad: {  	v8 =	vadd.f32 v10, v8;
	v10 =	vmul.f32 v9, v9;
	v12 =	vld [tilespmem:s10+$0x0];
	s20 =	sshll.u32 s13, $0x7;
	v1 =	vadd.f32 v13, v1  }
0x1ae: {  	s11 =	sshll.u32 s11, $0x7;
	v13 =	vld [tilespmem:s12+$0x0];
	v2 =	vadd.f32 v15, v2;
	v3 =	vadd.f32 v16, v3  }
0x1af: {  	v6 =	vadd.f32 v14, v6;
	s11 =	sshra.s32 s11, $0x2;
	v4 =	vadd.f32 v10, v4;
	v16 =	vld [tilespmem:s1+$0x0]  }
0x1b0: {  	s9 =	sshll.u32 s9, $0x7;
	v5 =	vadd.f32 v9, v5;
	s8 =	sshll.u32 s8, $0x7;
	v14 =	vld [tilespmem:s10+$0x10]  }
0x1b1: {  	s10 =	sshra.s32 s9, $0x2;
	s9 =	sshra.s32 s8, $0x2;
	v15 =	vld [tilespmem:s11+$0x0]  }
0x1b2: {  	v17 =	vld [tilespmem:s12+$0x10]  }
0x1b3: {  	v18 =	vld [tilespmem:s10+$0x0]  }
0x1b4: {  	v9 =	vld [tilespmem:s11+$0x10];
	(v2sf) =	vpush v16, $0x0  }
0x1b5: {  	v19 =	vld [tilespmem:s22+$0x0];
	(v2sf) =	vpush v16, $0x2  }
.Ltmp3:
0x1b6: {  	v10 =	vld [tilespmem:s10+$0x10];
	(v2sf) =	vpush v16, $0x3;
	(pc) =	sbr.rel @p0 .LBB2_8-.Ltmp3, $4  }
0x1b7: {  	v20 =	vld [tilespmem:s7+$0x0];
	(v2sf) =	vpush v16, $0x4  }
0x1b8: {  	v21 =	vld [tilespmem:s22+$0x10];
	(v2sf) =	vpush v16, $0x5  }
0x1b9: {  	v22 =	vld [tilespmem:s7+$0x10];
	(v2sf) =	vpush v16, $0x7  }
0x1ba: {  	v23 =	vld [tilespmem:s6+$0x0];
	(v2sf) =	vpush v16, $0x1  }
0x1bb: {  	v24 =	vld [tilespmem:s6+$0x10]  }
0x1bc: {  	v25 =	vld [tilespmem:s19+$0x10]  }
0x1bd: {  	v26 =	vld [tilespmem:s19+$0x0]  }
0x1be: {  	(v2sf) =	vpush v16, $0xA;
	v27 =	vld [tilespmem:s4+$0x10]  }
0x1bf: {  	v28 =	vld [tilespmem:s4+$0x0];
	(v2sf) =	vpush v16, $0xC  }
0x1c0: {  	v30 =	vld [tilespmem:s9+$0x0];
	(v2sf) =	vpush v16, $0x9  }
0x1c1: {  	v31 =	vld [tilespmem:s9+$0x10];
	(v2sf) =	vpush v16, $0xB  }
0x1c2: {  	v41 =	vld [tilespmem:s28+$0x0];
	(v2sf) =	vpush v16, $0x8  }
0x1c3: {  	v42 =	vld [tilespmem:s5+$0x10];
	(v2sf) =	vpush v16, $0xD;
	v25 =	vmax.bf16 v27, v25  }
0x1c4: {  	v43 =	vld [tilespmem:s5+$0x0];
	v26 =	vmax.bf16 v28, v26;
	v24 =	vmax.bf16 v25, v24;
	(v2sf) =	vpush v16, $0x6  }
0x1c5: {  	v44 =	vld [tilespmem:s16+$0x10];
	v23 =	vmax.bf16 v26, v23;
	v22 =	vmax.bf16 v24, v22;
	(v2sf) =	vpush v16, $0xE  }
0x1c6: {  	v46 =	vld [tilespmem:s16+$0x0];
	v20 =	vmax.bf16 v23, v20;
	s1 =	spop (v2sf);
	v21 =	vmax.bf16 v22, v21;
	(v2sf) =	vpush v16, $0xF  }
0x1c7: {  	v47 =	vld [tilespmem:s3+$0x10];
	v45 =	vmax.bf16 v20, v19;
	s1 =	spop (v2sf);
	v10 =	vmax.bf16 v21, v10  }
0x1c8: {  	v48 =	vld [tilespmem:s3+$0x0];
	v16 =	vmax.bf16 v45, v18;
	s1 =	spop (v2sf);
	v9 =	vmax.bf16 v10, v9  }
0x1c9: {  	v49 =	vld [tilespmem:s26+$0x10];
	v15 =	vmax.bf16 v16, v15;
	s1 =	spop (v2sf);
	v9 =	vmax.bf16 v9, v17  }
0x1ca: {  	s0 =	sshra.s32 s31, $0x2;
	v50 =	vld [tilespmem:s26+$0x0];
	v13 =	vmax.bf16 v15, v13;
	s1 =	spop (v2sf);
	v9 =	vmax.bf16 v9, v14  }
0x1cb: {  	v29 =	vld [tilespmem:s0+$0xC010];
	v12 =	vmax.bf16 v13, v12;
	s1 =	sshra.s32 s20, $0x2;
	s7 =	spop (v2sf);
	v9 =	vmax.bf16 v9, v11  }
0x1cc: {  	v12 =	vmax.bf16 v12, v41;
	s8 =	spop (v2sf);
	v9 =	vmax.bf16 v9, v42;
	v51 =	vld [tilespmem:s1+$0x10]  }
0x1cd: {  	v12 =	vmax.bf16 v12, v43;
	v52 =	vld [tilespmem:s1+$0x0];
	s9 =	spop (v2sf);
	v9 =	vmax.bf16 v9, v44  }
0x1ce: {  	v53 =	vld [tilespmem:s0+$0xC000];
	v12 =	vmax.bf16 v12, v46;
	s10 =	spop (v2sf);
	v9 =	vmax.bf16 v9, v47  }
0x1cf: {  	v12 =	vmax.bf16 v12, v48;
	s11 =	spop (v2sf);
	v9 =	vmax.bf16 v9, v49  }
0x1d0: {  	v11 =	vmax.bf16 v12, v50;
	s12 =	spop (v2sf);
	v9 =	vmax.bf16 v9, v31  }
0x1d1: {  	v11 =	vmax.bf16 v11, v30;
	s13 =	spop (v2sf);
	v9 =	vmax.bf16 v9, v51  }
0x1d2: {  	v11 =	vmax.bf16 v11, v52;
	s16 =	spop (v2sf);
	v9 =	vsub.bf16 v9, v29  }
0x1d3: {  	v10 =	vsub.bf16 v11, v53;
	s19 =	spop (v2sf)  }
0x1d4: {  	[tilespmem:s0+$0x18030] =	vst v9;
	s20 =	spop (v2sf)  }
0x1d5: {  	s1 =	simm.s32 $0x18020;
	[tilespmem:s0+$0x18020] =	vst v10;
	s0 =	rddreg [dreg:$0xb];
	s22 =	spop (v2sf)  }
0x1d6: {  	[hbm4b:s0+s14] =	stream.strided.scatter [tilespmem:s1], [sflag:$0x5], $0x4000, s15, s14, $0x38;
	[tilespmem:$0x1C0A0] =	vst v63  }
0x1d7: {  	_ =	swait.ge [sflag:s23], $0x4000  }
0x1d8: {  	[sflag:s23] =	ssyncset.done $0x0  }
0x1d9: {  	v54 =	vor.u32 $0x1, v0;
	[sflag:s23] =	ssyncadd.s32 $0xFFFFC000  }
0x1da: {  	v57 =	vor.u32 $0x20, v0;
	v58 =	vor.u32 $0x21, v0;
	v56 =	vshll.u32 v10, $0x10;
	_ =	swait.ge [sflag:s24], $0x4000  }
0x1db: {  	v59 =	vor.u32 $0x40, v0;
	v10 =	vand.u32 $0xFFFF0000, v10;
	v7 =	vadd.f32 v56, v7;
	[sflag:s24] =	ssyncset.done $0x0  }
0x1dc: {  	v60 =	vor.u32 $0x41, v0;
	v55 =	vshll.u32 v9, $0x10;
	v8 =	vadd.f32 v10, v8;
	[sflag:s24] =	ssyncadd.s32 $0xFFFFC000  }
0x1dd: {  	v9 =	vand.u32 $0xFFFF0000, v9;
	v13 =	vmul.f32 v56, v56;
	v6 =	vadd.f32 v55, v6;
	[tilespmem:v0+s25+$0x0] =	vst.idx.msk $0xffff, v7  }
0x1de: {  	v61 =	vor.u32 $0x60, v0;
	v10 =	vmul.f32 v10, v10;
	v5 =	vadd.f32 v9, v5;
	[tilespmem:v54+s25+$0x0] =	vst.idx.msk $0xffff, v8  }
0x1df: {  	v63 =	vor.u32 $0x61, v0;
	v62 =	vmul.f32 v55, v55;
	v2 =	vadd.f32 v13, v2;
	[tilespmem:v57+s25+$0x0] =	vst.idx.msk $0xffff, v6  }
0x1e0: {  	v9 =	vmul.f32 v9, v9;
	v3 =	vadd.f32 v10, v3;
	[tilespmem:v58+s25+$0x0] =	vst.idx.msk $0xffff, v5  }
0x1e1: {  	v1 =	vadd.f32 v62, v1;
	[tilespmem:v59+s25+$0x0] =	vst.idx.msk $0xffff, v2  }
0x1e2: {  	v2 =	vadd.f32 v9, v4;
	[tilespmem:v60+s25+$0x0] =	vst.idx.msk $0xffff, v3  }
0x1e3: {  	[tilespmem:v61+s25+$0x0] =	vst.idx.msk $0xffff, v1  }
0x1e4: {  	s28 =	simm.s32 $0x40;
	s3 =	simm.s32 $0x100;
	s26 =	rddreg [dreg:$0xc];
	[tilespmem:v63+s25+$0x0] =	vst.idx.msk $0xffff, v2  }
0x1e5: {  	[hbm4b:s26+s28] =	stream.strided.scatter [tilespmem:s25], [sflag:$0x6], $0x80, s3, s28, $0x38;
	[tilespmem:$0x1C0A0] =	vst v63  }
0x1e6: {  	_ =	swait.ge [sflag:s29], $0x80  }
0x1e7: {  	s30 =	sadd.s32 $0x1, s30;
	s31 =	rddreg [dreg:$0xd]  }
0x1e8: {  	p0 =	sne.s32 s30, s31  }
.Ltmp4:
0x1e9: {  	_ = 	snop;
	(pc) =	sbr.rel @p0 .LBB2_1-.Ltmp4, $3  }
0x1ea: {  	_ =	sdelay $0x1  }
0x1eb: {  	[sflag:s29] =	ssyncset.done $0x0  }
0x1ec: {  	s13 =	simm.s32 $0x10000;
	[sflag:s29] =	ssyncadd.s32 $0xFFFFFF80  }
0x1ed: {  	_ =	sfence.sel $0x180000  }
0x1ee: {  	[bflag:$0x0] =	sbarrier.arrive $0xFFFF  }
0x1ef: {  	_ =	strace $0x90000047  }
0x1f0: {  	s0 =	stileid.u32;
	[bflag:$0x2] =	sbarrier.arrive $0xFFFF  }
0x1f1: {  	p0 =	sne.s32 s0, $0x0;
	s0 =	rddreg [dreg:$0x2]  }
0x1f2: {  	s0 =	sadd.s32 @!p0 $0x100000, s0  }
0x1f3: {  	[sflag:s0] =	ssyncadd.tile.s32 @!p0 $0x1;
	_ =	shalt  }
.Lfunc_end2:
_tile_overlayer_lowered:
.L_overlay_start_2:
0x1f4: {  	(tag) =	ssettag $0x2  }
0x1f5: {  	s0 =	rddreg [dreg:$0x0];
	s2 =	stileid.u32  }
0x1f6: {  	s1 =	rddreg [dreg:$0x1];
	p0 =	sne.s32 s2, $0x0  }
0x1f7: {  	s3 =	rddreg [dreg:$0x2];
	[bflag:$0x3] =	sbarrier.arrive $0xFFFF;
	s2 =	simm.s32 @!p0 $0x1C06  }
0x1f8: {  	[timem:s3], [sflag:s2] =	dma.local @!p0 [hbm:s0], s1  }
0x1f9: {  	s0 =	simm.s32 @!p0 $0x6  }
0x1fa: {  	_ =	swait.ge @!p0 [sflag:s0], s1  }
0x1fb: {  	s1 =	ssub.s32 @!p0 $0x0, s1;
	[sflag:s0] =	ssyncset.done @!p0 $0x0  }
0x1fc: {  	[sflag:s0] =	ssyncadd.s32 @!p0 s1  }
0x1fd: {  	[bflag:$0x3] =	sbarrier.arrive $0xFFFF  }
0x1fe: {  	_ =	shalt  }

</sc_bundles>
